<compile_context>
chip_gen: v7x
topology: tpu7x:2x2x1
jax: 0.10.2.dev20260603
libtpu: 0.0.44.dev20260713+nightly
codegen_flags: <defaults>
</compile_context>

<pallas_src>
import functools

import jax
import jax.numpy as jnp
from jax import lax
from jax.experimental import pallas as pl
from jax.experimental.pallas import tpu as pltpu
from jax.experimental.pallas import tpu_sc as plsc

N = 10000
E = 320000
D_IN = 128
D_H = 512
D_C1 = 1024
NCLS = 128
NG = 64

NCORES = 2
NSUB = 16
NW = NCORES * NSUB

CHUNK = 64
NCH0 = 160
NCH1 = 160
EPT0 = NCH0 * CHUNK
EPT1 = NCH1 * CHUNK
EPAD = NSUB * (EPT0 + EPT1)

NPAD = 10240
RPT = NPAD // NSUB


def _tile_params(c, s):
    nout = jnp.where(c == 0, NCH0 // 8, NCH1 // 8)
    base = jnp.where(c == 0, s * EPT0, NSUB * EPT0 + s * EPT1)
    return nout, base


def _deg_body(dst_hbm, zeros_hbm, ones_hbm, out_hbm, ij, ones_v, deg_sh,
              sem_i, sem_s):
    c = lax.axis_index("c")
    s = lax.axis_index("s")
    nout, base = _tile_params(c, s)
    pltpu.sync_copy(ones_hbm, ones_v)
    pltpu.sync_copy(zeros_hbm, deg_sh.at[pl.ds(s * RPT, RPT)])

    def load(j, slot):
        pltpu.async_copy(dst_hbm.at[pl.ds(base + j * CHUNK, CHUNK)],
                         ij[slot], sem_i[slot])

    def wait_idx(slot):
        pltpu.make_async_copy(dst_hbm.at[pl.ds(0, CHUNK)],
                              ij[slot], sem_i[slot]).wait()

    for k in range(4):
        load(k, k)
    plsc.subcore_barrier()

    def outer(g, carry):
        for b in range(8):
            s8, s4 = b % 8, b % 4
            wait_idx(s8)

            def w_s():
                pltpu.make_async_copy(
                    ones_v, deg_sh.at[ij[(b + 4) % 8]],
                    sem_s[s4]).wait()

            if b >= 4:
                w_s()
            else:
                pl.when(g >= 1)(w_s)
            pltpu.async_copy(ones_v, deg_sh.at[ij[s8]], sem_s[s4],
                             add=True)

            def l_n():
                load(g * 8 + b + 4, (b + 4) % 8)

            if b < 4:
                l_n()
            else:
                pl.when(g < nout - 1)(l_n)
        return carry

    lax.fori_loop(0, nout, outer, 0)
    for k in range(4):
        pltpu.make_async_copy(ones_v, deg_sh.at[ij[(k + 4) % 8]],
                              sem_s[k]).wait()
    plsc.subcore_barrier()
    pltpu.sync_copy(deg_sh.at[pl.ds(s * RPT, RPT)],
                    out_hbm.at[c, pl.ds(s * RPT, RPT)])


def _agg_body(src_hbm, dst_hbm, y_hbm, zeros_hbm, out_hbm, isrc, idst, rows,
              s_sh, sem_i, sem_g, sem_s):
    c = lax.axis_index("c")
    s = lax.axis_index("s")
    nout, base = _tile_params(c, s)
    pltpu.sync_copy(zeros_hbm, s_sh.at[pl.ds(s * RPT, RPT)])

    def load(j, slot):
        off = base + j * CHUNK
        pltpu.async_copy(src_hbm.at[pl.ds(off, CHUNK)], isrc[slot],
                         sem_i[slot])
        pltpu.async_copy(dst_hbm.at[pl.ds(off, CHUNK)], idst[slot],
                         sem_i[slot])

    def wait_idx(slot):
        pltpu.make_async_copy(src_hbm.at[pl.ds(0, CHUNK)], isrc[slot],
                              sem_i[slot]).wait()
        pltpu.make_async_copy(dst_hbm.at[pl.ds(0, CHUNK)], idst[slot],
                              sem_i[slot]).wait()

    def gather(slot8, slot4):
        pltpu.async_copy(y_hbm.at[isrc[slot8]], rows[slot4], sem_g[slot4])

    for k in range(6):
        load(k, k)
    wait_idx(0)
    gather(0, 0)
    wait_idx(1)
    gather(1, 1)
    plsc.subcore_barrier()

    def outer(g, carry):
        for b in range(8):
            s8, s4 = b % 8, b % 4
            pltpu.make_async_copy(y_hbm.at[isrc[s8]], rows[s4],
                                  sem_g[s4]).wait()
            pltpu.async_copy(rows[s4], s_sh.at[idst[s8]], sem_s[s4],
                             add=True)

            def w_s():
                pltpu.make_async_copy(
                    rows[(b + 2) % 4], s_sh.at[idst[(b + 6) % 8]],
                    sem_s[(b + 2) % 4]).wait()

            if b >= 2:
                w_s()
            else:
                pl.when(g >= 1)(w_s)

            def g_n():
                wait_idx((b + 2) % 8)
                gather((b + 2) % 8, (b + 2) % 4)

            if b < 6:
                g_n()
            else:
                pl.when(g < nout - 1)(g_n)

            def l_n():
                load(g * 8 + b + 6, (b + 6) % 8)

            if b < 2:
                l_n()
            else:
                pl.when(g < nout - 1)(l_n)
        return carry

    lax.fori_loop(0, nout, outer, 0)
    pltpu.make_async_copy(rows[2], s_sh.at[idst[6]], sem_s[2]).wait()
    pltpu.make_async_copy(rows[3], s_sh.at[idst[7]], sem_s[3]).wait()
    plsc.subcore_barrier()
    pltpu.sync_copy(s_sh.at[pl.ds(s * RPT, RPT)],
                    out_hbm.at[c, pl.ds(s * RPT, RPT)])


@functools.cache
def _sc_calls():
    mesh = plsc.VectorSubcoreMesh(core_axis_name="c", subcore_axis_name="s",
                                  num_cores=NCORES, num_subcores=NSUB)
    deg_call = pl.kernel(
        _deg_body,
        out_type=jax.ShapeDtypeStruct((NCORES, NPAD), jnp.float32),
        mesh=mesh,
        scratch_types=[
            [pltpu.VMEM((CHUNK,), jnp.int32) for _ in range(8)],
            pltpu.VMEM((CHUNK,), jnp.float32),
            pltpu.VMEM_SHARED((NPAD,), jnp.float32),
            [pltpu.SemaphoreType.DMA for _ in range(8)],
            [pltpu.SemaphoreType.DMA for _ in range(4)],
        ],
    )
    agg_call = pl.kernel(
        _agg_body,
        out_type=jax.ShapeDtypeStruct((NCORES, NPAD, D_IN), jnp.float32),
        mesh=mesh,
        scratch_types=[
            [pltpu.VMEM((CHUNK,), jnp.int32) for _ in range(8)],
            [pltpu.VMEM((CHUNK,), jnp.int32) for _ in range(8)],
            [pltpu.VMEM((CHUNK, D_IN), jnp.float32) for _ in range(4)],
            pltpu.VMEM_SHARED((NPAD, D_IN), jnp.float32),
            [pltpu.SemaphoreType.DMA for _ in range(8)],
            [pltpu.SemaphoreType.DMA for _ in range(4)],
            [pltpu.SemaphoreType.DMA for _ in range(4)],
        ],
    )
    return deg_call, agg_call


RB = 1024


def _y_body(deg_ref, x_ref, y_ref, dinv_ref):
    d = deg_ref[...]
    cnt = d[0:1, :] + d[1:2, :] + 1.0
    dinv = jnp.transpose(lax.rsqrt(cnt))
    y_ref[...] = x_ref[...] * dinv
    dinv_ref[...] = jnp.broadcast_to(dinv, (RB, 8))


def _y_call(deg, x_p):
    return pl.pallas_call(
        _y_body,
        grid=(NPAD // RB,),
        in_specs=[
            pl.BlockSpec((NCORES, RB), lambda i: (0, i)),
            pl.BlockSpec((RB, D_IN), lambda i: (i, 0)),
        ],
        out_specs=[pl.BlockSpec((RB, D_IN), lambda i: (i, 0)),
                   pl.BlockSpec((RB, 8), lambda i: (i, 0))],
        out_shape=[jax.ShapeDtypeStruct((NPAD, D_IN), jnp.float32),
                   jax.ShapeDtypeStruct((NPAD, 8), jnp.float32)],
    )(deg, x_p)


RD = 1000
NBLK = N // RD


def _dense_body(parts_ref, y_ref, dinv_ref, batch_ref, w0_ref, sh0_ref,
                w1_ref, sh1_ref, w2_ref, b2_ref, out_ref,
                pooled_acc, cnt_acc):
    i = pl.program_id(0)

    @pl.when(i == 0)
    def _init():
        pooled_acc[...] = jnp.zeros_like(pooled_acc)
        cnt_acc[...] = jnp.zeros_like(cnt_acc)

    dinv = dinv_ref[...][:, 0:1]
    p = parts_ref[...]
    s = p[0] + p[1] + y_ref[...]
    agg = s * dinv
    h = jnp.dot(agg, w0_ref[...], preferred_element_type=jnp.float32)
    h = h * sh0_ref[0:1, :] + sh0_ref[1:2, :]
    h = jnp.maximum(h, 0.0)

    bids = batch_ref[...].reshape(1, RD)
    gid = lax.broadcasted_iota(jnp.int32, (NG, RD), 0)
    oh = (gid == bids).astype(jnp.float32)
    pooled_acc[...] += lax.dot_general(
        oh, h, (((1,), (0,)), ((), ())),
        preferred_element_type=jnp.float32)
    cnt_acc[...] += jnp.sum(oh, axis=1, keepdims=True)

    @pl.when(i == NBLK - 1)
    def _finish():
        pooled = pooled_acc[...] / jnp.maximum(cnt_acc[...], 1.0)
        z = jnp.dot(pooled, w1_ref[...], preferred_element_type=jnp.float32)
        z = z * sh1_ref[0:1, :] + sh1_ref[1:2, :]
        z = jnp.maximum(z, 0.0)
        z = jnp.dot(z, w2_ref[...], preferred_element_type=jnp.float32)
        out_ref[...] = z + b2_ref[...]


def _dense_call(parts, y_p, dinv8, batch3, W0, sh0, W1, sh1, W2, b2r):
    return pl.pallas_call(
        _dense_body,
        grid=(NBLK,),
        in_specs=[
            pl.BlockSpec((NCORES, RD, D_IN), lambda i: (0, i, 0)),
            pl.BlockSpec((RD, D_IN), lambda i: (i, 0)),
            pl.BlockSpec((RD, 8), lambda i: (i, 0)),
            pl.BlockSpec((1, 1, RD), lambda i: (i, 0, 0)),
            pl.BlockSpec((D_IN, D_H), lambda i: (0, 0)),
            pl.BlockSpec((2, D_H), lambda i: (0, 0)),
            pl.BlockSpec((D_H, D_C1), lambda i: (0, 0)),
            pl.BlockSpec((2, D_C1), lambda i: (0, 0)),
            pl.BlockSpec((D_C1, NCLS), lambda i: (0, 0)),
            pl.BlockSpec((1, NCLS), lambda i: (0, 0)),
        ],
        out_specs=pl.BlockSpec((NG, NCLS), lambda i: (0, 0)),
        out_shape=jax.ShapeDtypeStruct((NG, NCLS), jnp.float32),
        scratch_shapes=[
            pltpu.VMEM((NG, D_H), jnp.float32),
            pltpu.VMEM((NG, 1), jnp.float32),
        ],
    )(parts, y_p, dinv8, batch3, W0, sh0, W1, sh1, W2, b2r)


def kernel(x, edge_index, batch, W0, b0, bn0_g, bn0_b, W1, b1, bn1_g, bn1_b,
           W2, b2):
    f32 = jnp.float32
    pad = jnp.full((EPAD - E,), N, dtype=jnp.int32)
    src_p = jnp.concatenate([edge_index[0], pad])
    dst_p = jnp.concatenate([edge_index[1], pad])
    x_p = jnp.zeros((NPAD, D_IN), f32).at[:N].set(x)
    batch3 = batch.reshape(NBLK, 1, RD)

    ones = jnp.ones((CHUNK,), f32)
    zeros_deg = jnp.zeros((RPT,), f32)
    zeros_row = jnp.zeros((RPT, D_IN), f32)

    deg_call, agg_call = _sc_calls()
    deg = deg_call(dst_p, zeros_deg, ones)
    y_p, dinv8 = _y_call(deg, x_p)
    parts = agg_call(src_p, dst_p, y_p, zeros_row)

    c = lax.rsqrt(jnp.asarray(1.0 + 1e-5, f32))
    sh0 = jnp.stack([c * bn0_g, b0 * c * bn0_g + bn0_b])
    sh1 = jnp.stack([c * bn1_g, b1 * c * bn1_g + bn1_b])
    b2r = b2.reshape(1, NCLS)

    return _dense_call(parts, y_p, dinv8, batch3, W0, sh0, W1, sh1, W2, b2r)

# --- scband reference (transcript-rebuilt; emitter-appended) ---
"""Pipeline reference for scband-gcn-84988812853436 (READ-ONLY COPY).

The authoritative reference and input builder live on the scoring server;
editing this copy changes nothing except your own understanding.
"""

import jax, jax.numpy as jnp
import numpy as np

N = 10000
E = 320000
D_IN = 128
D_H = 512
D_C1 = 1024
NC = 128
B = 64


def setup_inputs(seed: int = 0) -> dict:
    key = jax.random.key(seed)
    ks = jax.random.split(key, 12)
    x = jax.random.normal(ks[0], (N, D_IN), dtype=jnp.float32)
    edge_index = jax.random.randint(ks[1], (2, E), 0, N, dtype=jnp.int32)
    batch = jnp.sort(jax.random.randint(ks[2], (N,), 0, B, dtype=jnp.int32))
    W0 = jax.random.normal(ks[3], (D_IN, D_H), dtype=jnp.float32) * 0.05
    b0 = jnp.zeros((D_H,), dtype=jnp.float32)
    bn0_g = jnp.ones((D_H,), dtype=jnp.float32)
    bn0_b = jnp.zeros((D_H,), dtype=jnp.float32)
    W1 = jax.random.normal(ks[4], (D_H, D_C1), dtype=jnp.float32) * 0.05
    b1 = jnp.zeros((D_C1,), dtype=jnp.float32)
    bn1_g = jnp.ones((D_C1,), dtype=jnp.float32)
    bn1_b = jnp.zeros((D_C1,), dtype=jnp.float32)
    W2 = jax.random.normal(ks[5], (D_C1, NC), dtype=jnp.float32) * 0.05
    b2 = jnp.zeros((NC,), dtype=jnp.float32)
    return {"x": x, "edge_index": edge_index, "batch": batch,
            "W0": W0, "b0": b0, "bn0_g": bn0_g, "bn0_b": bn0_b,
            "W1": W1, "b1": b1, "bn1_g": bn1_g, "bn1_b": bn1_b,
            "W2": W2, "b2": b2}


def reference(x, edge_index, batch, W0, b0, bn0_g, bn0_b, W1, b1, bn1_g, bn1_b, W2, b2):
    n = x.shape[0]
    eps = 1e-5
    loop = jnp.arange(n, dtype=edge_index.dtype)
    src = jnp.concatenate([edge_index[0], loop])
    dst = jnp.concatenate([edge_index[1], loop])
    # GCN symmetric normalization with self-loops (PyG gcn_norm, improved=False)
    deg = jax.ops.segment_sum(jnp.ones_like(src, dtype=x.dtype), dst, num_segments=n)
    dinv = jnp.where(deg > 0, jax.lax.rsqrt(deg), 0.0)
    norm = dinv[src] * dinv[dst]
    h = x @ W0
    out = jax.ops.segment_sum(h[src] * norm[:, None], dst, num_segments=n) + b0
    # BatchNorm1d in eval mode with fresh running stats (mean=0, var=1)
    out = out * jax.lax.rsqrt(jnp.asarray(1.0 + eps, x.dtype)) * bn0_g + bn0_b
    out = jax.nn.relu(out)
    # global_mean_pool over graph ids
    counts = jax.ops.segment_sum(jnp.ones((n,), x.dtype), batch, num_segments=B)
    pooled = jax.ops.segment_sum(out, batch, num_segments=B) / jnp.maximum(counts, 1.0)[:, None]
    # classifier (dropout is identity in eval mode)
    z = pooled @ W1 + b1
    z = z * jax.lax.rsqrt(jnp.asarray(1.0 + eps, x.dtype)) * bn1_g + bn1_b
    z = jax.nn.relu(z)
    z = z @ W2 + b2
    return z

if __name__ == "__main__":
    import jax
    _d = setup_inputs()
    print(jax.jit(kernel)(*tuple(_d.values())))

</pallas_src>

<mosaic_0001>
#map = affine_map<(d0, d1) -> (0)>
#map1 = affine_map<(d0, d1) -> (0, 0)>
#map2 = affine_map<(d0, d1) -> (0, 0, 0)>
module attributes {stable_mosaic.version = 14 : i64} {
  func.func @_agg_body(%arg0: i32, %arg1: i32, %arg2: memref<327680xi32, #tpu.memory_space<hbm>>, %arg3: memref<327680xi32, #tpu.memory_space<hbm>>, %arg4: memref<10240x128xf32, #tpu.memory_space<hbm>>, %arg5: memref<640x128xf32, #tpu.memory_space<hbm>>, %arg6: memref<2x10240x128xf32, #tpu.memory_space<hbm>>, %arg7: memref<64xi32, #tpu.memory_space<vmem>>, %arg8: memref<64xi32, #tpu.memory_space<vmem>>, %arg9: memref<64xi32, #tpu.memory_space<vmem>>, %arg10: memref<64xi32, #tpu.memory_space<vmem>>, %arg11: memref<64xi32, #tpu.memory_space<vmem>>, %arg12: memref<64xi32, #tpu.memory_space<vmem>>, %arg13: memref<64xi32, #tpu.memory_space<vmem>>, %arg14: memref<64xi32, #tpu.memory_space<vmem>>, %arg15: memref<64xi32, #tpu.memory_space<vmem>>, %arg16: memref<64xi32, #tpu.memory_space<vmem>>, %arg17: memref<64xi32, #tpu.memory_space<vmem>>, %arg18: memref<64xi32, #tpu.memory_space<vmem>>, %arg19: memref<64xi32, #tpu.memory_space<vmem>>, %arg20: memref<64xi32, #tpu.memory_space<vmem>>, %arg21: memref<64xi32, #tpu.memory_space<vmem>>, %arg22: memref<64xi32, #tpu.memory_space<vmem>>, %arg23: memref<64x128xf32, #tpu.memory_space<vmem>>, %arg24: memref<64x128xf32, #tpu.memory_space<vmem>>, %arg25: memref<64x128xf32, #tpu.memory_space<vmem>>, %arg26: memref<64x128xf32, #tpu.memory_space<vmem>>, %arg27: memref<10240x128xf32, #tpu.memory_space<vmem_shared>>, %arg28: memref<!tpu.dma_semaphore, #tpu.memory_space<semaphore_mem>>, %arg29: memref<!tpu.dma_semaphore, #tpu.memory_space<semaphore_mem>>, %arg30: memref<!tpu.dma_semaphore, #tpu.memory_space<semaphore_mem>>, %arg31: memref<!tpu.dma_semaphore, #tpu.memory_space<semaphore_mem>>, %arg32: memref<!tpu.dma_semaphore, #tpu.memory_space<semaphore_mem>>, %arg33: memref<!tpu.dma_semaphore, #tpu.memory_space<semaphore_mem>>, %arg34: memref<!tpu.dma_semaphore, #tpu.memory_space<semaphore_mem>>, %arg35: memref<!tpu.dma_semaphore, #tpu.memory_space<semaphore_mem>>, %arg36: memref<!tpu.dma_semaphore, #tpu.memory_space<semaphore_mem>>, %arg37: memref<!tpu.dma_semaphore, #tpu.memory_space<semaphore_mem>>, %arg38: memref<!tpu.dma_semaphore, #tpu.memory_space<semaphore_mem>>, %arg39: memref<!tpu.dma_semaphore, #tpu.memory_space<semaphore_mem>>, %arg40: memref<!tpu.dma_semaphore, #tpu.memory_space<semaphore_mem>>, %arg41: memref<!tpu.dma_semaphore, #tpu.memory_space<semaphore_mem>>, %arg42: memref<!tpu.dma_semaphore, #tpu.memory_space<semaphore_mem>>, %arg43: memref<!tpu.dma_semaphore, #tpu.memory_space<semaphore_mem>>) attributes {dimension_semantics = [#tpu.dimension_semantics<core_parallel>, #tpu.dimension_semantics<subcore_parallel>], iteration_bounds = array<i64: 2, 16>, scalar_prefetch = 0 : i64, scratch_operands = 37 : i64, tpu.core_type = #tpu.core_type<sc_vector_subcore>, window_params = [{transform_indices = #map}, {transform_indices = #map}, {transform_indices = #map1}, {transform_indices = #map1}, {transform_indices = #map2}]} {
    %eq3A = arith.constant 0 : i32
    %eq3A_0 = arith.cmpi eq, %arg0, %eq3A : i32
    %jit3A = arith.constant 20 : i32
    %jit3A_1 = arith.constant 20 : i32
    %select_n3A = arith.select %eq3A_0, %jit3A, %jit3A_1 : i32
    %eq3A_2 = arith.constant 0 : i32
    %eq3A_3 = arith.cmpi eq, %arg0, %eq3A_2 : i32
    %mul3A = arith.constant 10240 : i32
    %mul3A_4 = arith.muli %arg1, %mul3A : i32
    %mul3A_5 = arith.constant 10240 : i32
    %mul3A_6 = arith.muli %arg1, %mul3A_5 : i32
    %add3A = arith.constant 163840 : i32
    %add3A_7 = arith.addi %add3A, %mul3A_6 : i32
    %select_n3A_8 = arith.select %eq3A_3, %mul3A_4, %add3A_7 : i32
    %mul3A_9 = arith.constant 640 : i32
    %mul3A_10 = arith.muli %arg1, %mul3A_9 : i32
    "tpu.region"() ({
      %run_scoped3A = tpu.sem_alloc : memref<!tpu.dma_semaphore, #tpu.memory_space<semaphore_mem>>
      %dma_start3A_87 = arith.constant 0 : i32
      %dma_start3A_88 = tpu.memref_slice %arg27[%mul3A_10, %dma_start3A_87] : memref<10240x128xf32, #tpu.memory_space<vmem_shared>> -> memref<640x128xf32, #tpu.memory_space<vmem_shared>>
      tpu.enqueue_dma source(%arg5 : memref<640x128xf32, #tpu.memory_space<hbm>>) target(%dma_start3A_88 : memref<640x128xf32, #tpu.memory_space<vmem_shared>>) target_semaphore(%run_scoped3A : memref<!tpu.dma_semaphore, #tpu.memory_space<semaphore_mem>>)
      %dma_wait3A_89 = arith.constant 0 : i32
      %dma_wait3A_90 = tpu.memref_slice %arg27[%mul3A_10, %dma_wait3A_89] : memref<10240x128xf32, #tpu.memory_space<vmem_shared>> -> memref<640x128xf32, #tpu.memory_space<vmem_shared>>
      tpu.wait_dma2 semaphore(%run_scoped3A : memref<!tpu.dma_semaphore, #tpu.memory_space<semaphore_mem>>) src(%arg5 : memref<640x128xf32, #tpu.memory_space<hbm>>) dst(%dma_wait3A_90 : memref<640x128xf32, #tpu.memory_space<vmem_shared>>)
      tpu.yield
    }) : () -> ()
    %add3A_11 = arith.constant 0 : i32
    %add3A_12 = arith.addi %select_n3A_8, %add3A_11 : i32
    %dma_start3A = tpu.memref_slice %arg2[%add3A_12] : memref<327680xi32, #tpu.memory_space<hbm>> -> memref<64xi32, #tpu.memory_space<hbm>>
    %dma_start3A_13 = tpu.memref_slice %arg2[%add3A_12] : memref<327680xi32, #tpu.memory_space<hbm>> -> memref<64xi32, #tpu.memory_space<hbm>>
    tpu.enqueue_dma source(%dma_start3A_13 : memref<64xi32, #tpu.memory_space<hbm>>) target(%arg7 : memref<64xi32, #tpu.memory_space<vmem>>) target_semaphore(%arg28 : memref<!tpu.dma_semaphore, #tpu.memory_space<semaphore_mem>>)
    %dma_start3A_14 = tpu.memref_slice %arg3[%add3A_12] : memref<327680xi32, #tpu.memory_space<hbm>> -> memref<64xi32, #tpu.memory_space<hbm>>
    %dma_start3A_15 = tpu.memref_slice %arg3[%add3A_12] : memref<327680xi32, #tpu.memory_space<hbm>> -> memref<64xi32, #tpu.memory_space<hbm>>
    tpu.enqueue_dma source(%dma_start3A_15 : memref<64xi32, #tpu.memory_space<hbm>>) target(%arg15 : memref<64xi32, #tpu.memory_space<vmem>>) target_semaphore(%arg28 : memref<!tpu.dma_semaphore, #tpu.memory_space<semaphore_mem>>)
    %add3A_16 = arith.constant 64 : i32
    %add3A_17 = arith.addi %select_n3A_8, %add3A_16 : i32
    %dma_start3A_18 = tpu.memref_slice %arg2[%add3A_17] : memref<327680xi32, #tpu.memory_space<hbm>> -> memref<64xi32, #tpu.memory_space<hbm>>
    %dma_start3A_19 = tpu.memref_slice %arg2[%add3A_17] : memref<327680xi32, #tpu.memory_space<hbm>> -> memref<64xi32, #tpu.memory_space<hbm>>
    tpu.enqueue_dma source(%dma_start3A_19 : memref<64xi32, #tpu.memory_space<hbm>>) target(%arg8 : memref<64xi32, #tpu.memory_space<vmem>>) target_semaphore(%arg29 : memref<!tpu.dma_semaphore, #tpu.memory_space<semaphore_mem>>)
    %dma_start3A_20 = tpu.memref_slice %arg3[%add3A_17] : memref<327680xi32, #tpu.memory_space<hbm>> -> memref<64xi32, #tpu.memory_space<hbm>>
    %dma_start3A_21 = tpu.memref_slice %arg3[%add3A_17] : memref<327680xi32, #tpu.memory_space<hbm>> -> memref<64xi32, #tpu.memory_space<hbm>>
    tpu.enqueue_dma source(%dma_start3A_21 : memref<64xi32, #tpu.memory_space<hbm>>) target(%arg16 : memref<64xi32, #tpu.memory_space<vmem>>) target_semaphore(%arg29 : memref<!tpu.dma_semaphore, #tpu.memory_space<semaphore_mem>>)
    %add3A_22 = arith.constant 128 : i32
    %add3A_23 = arith.addi %select_n3A_8, %add3A_22 : i32
    %dma_start3A_24 = tpu.memref_slice %arg2[%add3A_23] : memref<327680xi32, #tpu.memory_space<hbm>> -> memref<64xi32, #tpu.memory_space<hbm>>
    %dma_start3A_25 = tpu.memref_slice %arg2[%add3A_23] : memref<327680xi32, #tpu.memory_space<hbm>> -> memref<64xi32, #tpu.memory_space<hbm>>
    tpu.enqueue_dma source(%dma_start3A_25 : memref<64xi32, #tpu.memory_space<hbm>>) target(%arg9 : memref<64xi32, #tpu.memory_space<vmem>>) target_semaphore(%arg30 : memref<!tpu.dma_semaphore, #tpu.memory_space<semaphore_mem>>)
    %dma_start3A_26 = tpu.memref_slice %arg3[%add3A_23] : memref<327680xi32, #tpu.memory_space<hbm>> -> memref<64xi32, #tpu.memory_space<hbm>>
    %dma_start3A_27 = tpu.memref_slice %arg3[%add3A_23] : memref<327680xi32, #tpu.memory_space<hbm>> -> memref<64xi32, #tpu.memory_space<hbm>>
    tpu.enqueue_dma source(%dma_start3A_27 : memref<64xi32, #tpu.memory_space<hbm>>) target(%arg17 : memref<64xi32, #tpu.memory_space<vmem>>) target_semaphore(%arg30 : memref<!tpu.dma_semaphore, #tpu.memory_space<semaphore_mem>>)
    %add3A_28 = arith.constant 192 : i32
    %add3A_29 = arith.addi %select_n3A_8, %add3A_28 : i32
    %dma_start3A_30 = tpu.memref_slice %arg2[%add3A_29] : memref<327680xi32, #tpu.memory_space<hbm>> -> memref<64xi32, #tpu.memory_space<hbm>>
    %dma_start3A_31 = tpu.memref_slice %arg2[%add3A_29] : memref<327680xi32, #tpu.memory_space<hbm>> -> memref<64xi32, #tpu.memory_space<hbm>>
    tpu.enqueue_dma source(%dma_start3A_31 : memref<64xi32, #tpu.memory_space<hbm>>) target(%arg10 : memref<64xi32, #tpu.memory_space<vmem>>) target_semaphore(%arg31 : memref<!tpu.dma_semaphore, #tpu.memory_space<semaphore_mem>>)
    %dma_start3A_32 = tpu.memref_slice %arg3[%add3A_29] : memref<327680xi32, #tpu.memory_space<hbm>> -> memref<64xi32, #tpu.memory_space<hbm>>
    %dma_start3A_33 = tpu.memref_slice %arg3[%add3A_29] : memref<327680xi32, #tpu.memory_space<hbm>> -> memref<64xi32, #tpu.memory_space<hbm>>
    tpu.enqueue_dma source(%dma_start3A_33 : memref<64xi32, #tpu.memory_space<hbm>>) target(%arg18 : memref<64xi32, #tpu.memory_space<vmem>>) target_semaphore(%arg31 : memref<!tpu.dma_semaphore, #tpu.memory_space<semaphore_mem>>)
    %add3A_34 = arith.constant 256 : i32
    %add3A_35 = arith.addi %select_n3A_8, %add3A_34 : i32
    %dma_start3A_36 = tpu.memref_slice %arg2[%add3A_35] : memref<327680xi32, #tpu.memory_space<hbm>> -> memref<64xi32, #tpu.memory_space<hbm>>
    %dma_start3A_37 = tpu.memref_slice %arg2[%add3A_35] : memref<327680xi32, #tpu.memory_space<hbm>> -> memref<64xi32, #tpu.memory_space<hbm>>
    tpu.enqueue_dma source(%dma_start3A_37 : memref<64xi32, #tpu.memory_space<hbm>>) target(%arg11 : memref<64xi32, #tpu.memory_space<vmem>>) target_semaphore(%arg32 : memref<!tpu.dma_semaphore, #tpu.memory_space<semaphore_mem>>)
    %dma_start3A_38 = tpu.memref_slice %arg3[%add3A_35] : memref<327680xi32, #tpu.memory_space<hbm>> -> memref<64xi32, #tpu.memory_space<hbm>>
    %dma_start3A_39 = tpu.memref_slice %arg3[%add3A_35] : memref<327680xi32, #tpu.memory_space<hbm>> -> memref<64xi32, #tpu.memory_space<hbm>>
    tpu.enqueue_dma source(%dma_start3A_39 : memref<64xi32, #tpu.memory_space<hbm>>) target(%arg19 : memref<64xi32, #tpu.memory_space<vmem>>) target_semaphore(%arg32 : memref<!tpu.dma_semaphore, #tpu.memory_space<semaphore_mem>>)
    %add3A_40 = arith.constant 320 : i32
    %add3A_41 = arith.addi %select_n3A_8, %add3A_40 : i32
    %dma_start3A_42 = tpu.memref_slice %arg2[%add3A_41] : memref<327680xi32, #tpu.memory_space<hbm>> -> memref<64xi32, #tpu.memory_space<hbm>>
    %dma_start3A_43 = tpu.memref_slice %arg2[%add3A_41] : memref<327680xi32, #tpu.memory_space<hbm>> -> memref<64xi32, #tpu.memory_space<hbm>>
    tpu.enqueue_dma source(%dma_start3A_43 : memref<64xi32, #tpu.memory_space<hbm>>) target(%arg12 : memref<64xi32, #tpu.memory_space<vmem>>) target_semaphore(%arg33 : memref<!tpu.dma_semaphore, #tpu.memory_space<semaphore_mem>>)
    %dma_start3A_44 = tpu.memref_slice %arg3[%add3A_41] : memref<327680xi32, #tpu.memory_space<hbm>> -> memref<64xi32, #tpu.memory_space<hbm>>
    %dma_start3A_45 = tpu.memref_slice %arg3[%add3A_41] : memref<327680xi32, #tpu.memory_space<hbm>> -> memref<64xi32, #tpu.memory_space<hbm>>
    tpu.enqueue_dma source(%dma_start3A_45 : memref<64xi32, #tpu.memory_space<hbm>>) target(%arg20 : memref<64xi32, #tpu.memory_space<vmem>>) target_semaphore(%arg33 : memref<!tpu.dma_semaphore, #tpu.memory_space<semaphore_mem>>)
    %dma_wait3A = arith.constant 0 : i32
    %dma_wait3A_46 = tpu.memref_slice %arg2[%dma_wait3A] : memref<327680xi32, #tpu.memory_space<hbm>> -> memref<64xi32, #tpu.memory_space<hbm>>
    %dma_wait3A_47 = arith.constant 0 : i32
    %dma_wait3A_48 = tpu.memref_slice %arg2[%dma_wait3A_47] : memref<327680xi32, #tpu.memory_space<hbm>> -> memref<64xi32, #tpu.memory_space<hbm>>
    tpu.wait_dma2 semaphore(%arg28 : memref<!tpu.dma_semaphore, #tpu.memory_space<semaphore_mem>>) src(%dma_wait3A_48 : memref<64xi32, #tpu.memory_space<hbm>>) dst(%arg7 : memref<64xi32, #tpu.memory_space<vmem>>)
    %dma_wait3A_49 = arith.constant 0 : i32
    %dma_wait3A_50 = tpu.memref_slice %arg3[%dma_wait3A_49] : memref<327680xi32, #tpu.memory_space<hbm>> -> memref<64xi32, #tpu.memory_space<hbm>>
    %dma_wait3A_51 = arith.constant 0 : i32
    %dma_wait3A_52 = tpu.memref_slice %arg3[%dma_wait3A_51] : memref<327680xi32, #tpu.memory_space<hbm>> -> memref<64xi32, #tpu.memory_space<hbm>>
    tpu.wait_dma2 semaphore(%arg28 : memref<!tpu.dma_semaphore, #tpu.memory_space<semaphore_mem>>) src(%dma_wait3A_52 : memref<64xi32, #tpu.memory_space<hbm>>) dst(%arg15 : memref<64xi32, #tpu.memory_space<vmem>>)
    %dma_start3A_53 = arith.constant 0 : i32
    %dma_start3A_54 = arith.constant 0 : i32
    %dma_start3A_55 = tpu.memref_slice %arg4[%dma_start3A_53, %dma_start3A_54] : memref<10240x128xf32, #tpu.memory_space<hbm>> -> memref<10240x128xf32, #tpu.memory_space<hbm>>
    tpu.enqueue_indirect_dma source(%dma_start3A_55 : memref<10240x128xf32, #tpu.memory_space<hbm>>) target(%arg23 : memref<64x128xf32, #tpu.memory_space<vmem>>) offsets(%arg7 : memref<64xi32, #tpu.memory_space<vmem>>) semaphore(%arg36 : memref<!tpu.dma_semaphore, #tpu.memory_space<semaphore_mem>>)
    %dma_wait3A_56 = arith.constant 0 : i32
    %dma_wait3A_57 = tpu.memref_slice %arg2[%dma_wait3A_56] : memref<327680xi32, #tpu.memory_space<hbm>> -> memref<64xi32, #tpu.memory_space<hbm>>
    %dma_wait3A_58 = arith.constant 0 : i32
    %dma_wait3A_59 = tpu.memref_slice %arg2[%dma_wait3A_58] : memref<327680xi32, #tpu.memory_space<hbm>> -> memref<64xi32, #tpu.memory_space<hbm>>
    tpu.wait_dma2 semaphore(%arg29 : memref<!tpu.dma_semaphore, #tpu.memory_space<semaphore_mem>>) src(%dma_wait3A_59 : memref<64xi32, #tpu.memory_space<hbm>>) dst(%arg8 : memref<64xi32, #tpu.memory_space<vmem>>)
    %dma_wait3A_60 = arith.constant 0 : i32
    %dma_wait3A_61 = tpu.memref_slice %arg3[%dma_wait3A_60] : memref<327680xi32, #tpu.memory_space<hbm>> -> memref<64xi32, #tpu.memory_space<hbm>>
    %dma_wait3A_62 = arith.constant 0 : i32
    %dma_wait3A_63 = tpu.memref_slice %arg3[%dma_wait3A_62] : memref<327680xi32, #tpu.memory_space<hbm>> -> memref<64xi32, #tpu.memory_space<hbm>>
    tpu.wait_dma2 semaphore(%arg29 : memref<!tpu.dma_semaphore, #tpu.memory_space<semaphore_mem>>) src(%dma_wait3A_63 : memref<64xi32, #tpu.memory_space<hbm>>) dst(%arg16 : memref<64xi32, #tpu.memory_space<vmem>>)
    %dma_start3A_64 = arith.constant 0 : i32
    %dma_start3A_65 = arith.constant 0 : i32
    %dma_start3A_66 = tpu.memref_slice %arg4[%dma_start3A_64, %dma_start3A_65] : memref<10240x128xf32, #tpu.memory_space<hbm>> -> memref<10240x128xf32, #tpu.memory_space<hbm>>
    tpu.enqueue_indirect_dma source(%dma_start3A_66 : memref<10240x128xf32, #tpu.memory_space<hbm>>) target(%arg24 : memref<64x128xf32, #tpu.memory_space<vmem>>) offsets(%arg8 : memref<64xi32, #tpu.memory_space<vmem>>) semaphore(%arg37 : memref<!tpu.dma_semaphore, #tpu.memory_space<semaphore_mem>>)
    %barrier3A = arith.constant 0 : index
    tpu.barrier barrier_id(%barrier3A)
    %while3A = arith.constant 0 : i32
    %while3A_67 = arith.constant 0 : i32
    %while3A_68 = arith.subi %select_n3A, %while3A_67 : i32
    %while3A_69 = arith.addi %while3A_67, %while3A_68 : i32
    %while3A_70 = arith.constant 1 : i32
    %while3A_71 = arith.divsi %while3A_68, %while3A_70 : i32
    %while3A_72 = arith.muli %while3A_71, %while3A_70 : i32
    %while3A_73 = arith.addi %while3A_67, %while3A_72 : i32
    %while3A_74 = arith.constant 1 : i32
    scf.for %while3A_87 = %while3A_67 to %while3A_73 step %while3A_74  : i32 {
      %dma_wait3A_88 = arith.constant 0 : i32
      %dma_wait3A_89 = arith.constant 0 : i32
      %dma_wait3A_90 = tpu.memref_slice %arg4[%dma_wait3A_88, %dma_wait3A_89] : memref<10240x128xf32, #tpu.memory_space<hbm>> -> memref<10240x128xf32, #tpu.memory_space<hbm>>
      tpu.wait_indirect_dma semaphore(%arg36 : memref<!tpu.dma_semaphore, #tpu.memory_space<semaphore_mem>>) src(%dma_wait3A_90 : memref<10240x128xf32, #tpu.memory_space<hbm>>) dst(%arg23 : memref<64x128xf32, #tpu.memory_space<vmem>>)
      %dma_start3A_91 = arith.constant 0 : i32
      %dma_start3A_92 = arith.constant 0 : i32
      %dma_start3A_93 = tpu.memref_slice %arg27[%dma_start3A_91, %dma_start3A_92] : memref<10240x128xf32, #tpu.memory_space<vmem_shared>> -> memref<10240x128xf32, #tpu.memory_space<vmem_shared>>
      tpu.enqueue_indirect_dma source(%arg23 : memref<64x128xf32, #tpu.memory_space<vmem>>) target(%dma_start3A_93 : memref<10240x128xf32, #tpu.memory_space<vmem_shared>>) offsets(%arg15 : memref<64xi32, #tpu.memory_space<vmem>>) semaphore(%arg40 : memref<!tpu.dma_semaphore, #tpu.memory_space<semaphore_mem>>) {add = true}
      %ge3A = arith.constant 1 : i32
      %ge3A_94 = arith.cmpi sge, %while3A_87, %ge3A : i32
      %convert_element_type3A = arith.extui %ge3A_94 : i1 to i32
      %cond3A = arith.constant 0 : i32
      %cond3A_95 = arith.cmpi ne, %convert_element_type3A, %cond3A : i32
      scf.if %cond3A_95 {
        %dma_wait3A_299 = arith.constant 0 : i32
        %dma_wait3A_300 = arith.constant 0 : i32
        %dma_wait3A_301 = tpu.memref_slice %arg27[%dma_wait3A_299, %dma_wait3A_300] : memref<10240x128xf32, #tpu.memory_space<vmem_shared>> -> memref<10240x128xf32, #tpu.memory_space<vmem_shared>>
        tpu.wait_indirect_dma semaphore(%arg42 : memref<!tpu.dma_semaphore, #tpu.memory_space<semaphore_mem>>) src(%arg25 : memref<64x128xf32, #tpu.memory_space<vmem>>) dst(%dma_wait3A_301 : memref<10240x128xf32, #tpu.memory_space<vmem_shared>>)
      } else {
      }
      %dma_wait3A_96 = arith.constant 0 : i32
      %dma_wait3A_97 = tpu.memref_slice %arg2[%dma_wait3A_96] : memref<327680xi32, #tpu.memory_space<hbm>> -> memref<64xi32, #tpu.memory_space<hbm>>
      %dma_wait3A_98 = arith.constant 0 : i32
      %dma_wait3A_99 = tpu.memref_slice %arg2[%dma_wait3A_98] : memref<327680xi32, #tpu.memory_space<hbm>> -> memref<64xi32, #tpu.memory_space<hbm>>
      tpu.wait_dma2 semaphore(%arg30 : memref<!tpu.dma_semaphore, #tpu.memory_space<semaphore_mem>>) src(%dma_wait3A_99 : memref<64xi32, #tpu.memory_space<hbm>>) dst(%arg9 : memref<64xi32, #tpu.memory_space<vmem>>)
      %dma_wait3A_100 = arith.constant 0 : i32
      %dma_wait3A_101 = tpu.memref_slice %arg3[%dma_wait3A_100] : memref<327680xi32, #tpu.memory_space<hbm>> -> memref<64xi32, #tpu.memory_space<hbm>>
      %dma_wait3A_102 = arith.constant 0 : i32
      %dma_wait3A_103 = tpu.memref_slice %arg3[%dma_wait3A_102] : memref<327680xi32, #tpu.memory_space<hbm>> -> memref<64xi32, #tpu.memory_space<hbm>>
      tpu.wait_dma2 semaphore(%arg30 : memref<!tpu.dma_semaphore, #tpu.memory_space<semaphore_mem>>) src(%dma_wait3A_103 : memref<64xi32, #tpu.memory_space<hbm>>) dst(%arg17 : memref<64xi32, #tpu.memory_space<vmem>>)
      %dma_start3A_104 = arith.constant 0 : i32
      %dma_start3A_105 = arith.constant 0 : i32
      %dma_start3A_106 = tpu.memref_slice %arg4[%dma_start3A_104, %dma_start3A_105] : memref<10240x128xf32, #tpu.memory_space<hbm>> -> memref<10240x128xf32, #tpu.memory_space<hbm>>
      tpu.enqueue_indirect_dma source(%dma_start3A_106 : memref<10240x128xf32, #tpu.memory_space<hbm>>) target(%arg25 : memref<64x128xf32, #tpu.memory_space<vmem>>) offsets(%arg9 : memref<64xi32, #tpu.memory_space<vmem>>) semaphore(%arg38 : memref<!tpu.dma_semaphore, #tpu.memory_space<semaphore_mem>>)
      %mul3A_107 = arith.constant 8 : i32
      %mul3A_108 = arith.muli %while3A_87, %mul3A_107 : i32
      %add3A_109 = arith.constant 0 : i32
      %add3A_110 = arith.addi %mul3A_108, %add3A_109 : i32
      %add3A_111 = arith.constant 6 : i32
      %add3A_112 = arith.addi %add3A_110, %add3A_111 : i32
      %mul3A_113 = arith.constant 64 : i32
      %mul3A_114 = arith.muli %add3A_112, %mul3A_113 : i32
      %add3A_115 = arith.addi %select_n3A_8, %mul3A_114 : i32
      %dma_start3A_116 = tpu.memref_slice %arg2[%add3A_115] : memref<327680xi32, #tpu.memory_space<hbm>> -> memref<64xi32, #tpu.memory_space<hbm>>
      %dma_start3A_117 = tpu.memref_slice %arg2[%add3A_115] : memref<327680xi32, #tpu.memory_space<hbm>> -> memref<64xi32, #tpu.memory_space<hbm>>
      tpu.enqueue_dma source(%dma_start3A_117 : memref<64xi32, #tpu.memory_space<hbm>>) target(%arg13 : memref<64xi32, #tpu.memory_space<vmem>>) target_semaphore(%arg34 : memref<!tpu.dma_semaphore, #tpu.memory_space<semaphore_mem>>)
      %dma_start3A_118 = tpu.memref_slice %arg3[%add3A_115] : memref<327680xi32, #tpu.memory_space<hbm>> -> memref<64xi32, #tpu.memory_space<hbm>>
      %dma_start3A_119 = tpu.memref_slice %arg3[%add3A_115] : memref<327680xi32, #tpu.memory_space<hbm>> -> memref<64xi32, #tpu.memory_space<hbm>>
      tpu.enqueue_dma source(%dma_start3A_119 : memref<64xi32, #tpu.memory_space<hbm>>) target(%arg21 : memref<64xi32, #tpu.memory_space<vmem>>) target_semaphore(%arg34 : memref<!tpu.dma_semaphore, #tpu.memory_space<semaphore_mem>>)
      %dma_wait3A_120 = arith.constant 0 : i32
      %dma_wait3A_121 = arith.constant 0 : i32
      %dma_wait3A_122 = tpu.memref_slice %arg4[%dma_wait3A_120, %dma_wait3A_121] : memref<10240x128xf32, #tpu.memory_space<hbm>> -> memref<10240x128xf32, #tpu.memory_space<hbm>>
      tpu.wait_indirect_dma semaphore(%arg37 : memref<!tpu.dma_semaphore, #tpu.memory_space<semaphore_mem>>) src(%dma_wait3A_122 : memref<10240x128xf32, #tpu.memory_space<hbm>>) dst(%arg24 : memref<64x128xf32, #tpu.memory_space<vmem>>)
      %dma_start3A_123 = arith.constant 0 : i32
      %dma_start3A_124 = arith.constant 0 : i32
      %dma_start3A_125 = tpu.memref_slice %arg27[%dma_start3A_123, %dma_start3A_124] : memref<10240x128xf32, #tpu.memory_space<vmem_shared>> -> memref<10240x128xf32, #tpu.memory_space<vmem_shared>>
      tpu.enqueue_indirect_dma source(%arg24 : memref<64x128xf32, #tpu.memory_space<vmem>>) target(%dma_start3A_125 : memref<10240x128xf32, #tpu.memory_space<vmem_shared>>) offsets(%arg16 : memref<64xi32, #tpu.memory_space<vmem>>) semaphore(%arg41 : memref<!tpu.dma_semaphore, #tpu.memory_space<semaphore_mem>>) {add = true}
      %ge3A_126 = arith.constant 1 : i32
      %ge3A_127 = arith.cmpi sge, %while3A_87, %ge3A_126 : i32
      %convert_element_type3A_128 = arith.extui %ge3A_127 : i1 to i32
      %cond3A_129 = arith.constant 0 : i32
      %cond3A_130 = arith.cmpi ne, %convert_element_type3A_128, %cond3A_129 : i32
      scf.if %cond3A_130 {
        %dma_wait3A_299 = arith.constant 0 : i32
        %dma_wait3A_300 = arith.constant 0 : i32
        %dma_wait3A_301 = tpu.memref_slice %arg27[%dma_wait3A_299, %dma_wait3A_300] : memref<10240x128xf32, #tpu.memory_space<vmem_shared>> -> memref<10240x128xf32, #tpu.memory_space<vmem_shared>>
        tpu.wait_indirect_dma semaphore(%arg43 : memref<!tpu.dma_semaphore, #tpu.memory_space<semaphore_mem>>) src(%arg26 : memref<64x128xf32, #tpu.memory_space<vmem>>) dst(%dma_wait3A_301 : memref<10240x128xf32, #tpu.memory_space<vmem_shared>>)
      } else {
      }
      %dma_wait3A_131 = arith.constant 0 : i32
      %dma_wait3A_132 = tpu.memref_slice %arg2[%dma_wait3A_131] : memref<327680xi32, #tpu.memory_space<hbm>> -> memref<64xi32, #tpu.memory_space<hbm>>
      %dma_wait3A_133 = arith.constant 0 : i32
      %dma_wait3A_134 = tpu.memref_slice %arg2[%dma_wait3A_133] : memref<327680xi32, #tpu.memory_space<hbm>> -> memref<64xi32, #tpu.memory_space<hbm>>
      tpu.wait_dma2 semaphore(%arg31 : memref<!tpu.dma_semaphore, #tpu.memory_space<semaphore_mem>>) src(%dma_wait3A_134 : memref<64xi32, #tpu.memory_space<hbm>>) dst(%arg10 : memref<64xi32, #tpu.memory_space<vmem>>)
      %dma_wait3A_135 = arith.constant 0 : i32
      %dma_wait3A_136 = tpu.memref_slice %arg3[%dma_wait3A_135] : memref<327680xi32, #tpu.memory_space<hbm>> -> memref<64xi32, #tpu.memory_space<hbm>>
      %dma_wait3A_137 = arith.constant 0 : i32
      %dma_wait3A_138 = tpu.memref_slice %arg3[%dma_wait3A_137] : memref<327680xi32, #tpu.memory_space<hbm>> -> memref<64xi32, #tpu.memory_space<hbm>>
      tpu.wait_dma2 semaphore(%arg31 : memref<!tpu.dma_semaphore, #tpu.memory_space<semaphore_mem>>) src(%dma_wait3A_138 : memref<64xi32, #tpu.memory_space<hbm>>) dst(%arg18 : memref<64xi32, #tpu.memory_space<vmem>>)
      %dma_start3A_139 = arith.constant 0 : i32
      %dma_start3A_140 = arith.constant 0 : i32
      %dma_start3A_141 = tpu.memref_slice %arg4[%dma_start3A_139, %dma_start3A_140] : memref<10240x128xf32, #tpu.memory_space<hbm>> -> memref<10240x128xf32, #tpu.memory_space<hbm>>
      tpu.enqueue_indirect_dma source(%dma_start3A_141 : memref<10240x128xf32, #tpu.memory_space<hbm>>) target(%arg26 : memref<64x128xf32, #tpu.memory_space<vmem>>) offsets(%arg10 : memref<64xi32, #tpu.memory_space<vmem>>) semaphore(%arg39 : memref<!tpu.dma_semaphore, #tpu.memory_space<semaphore_mem>>)
      %mul3A_142 = arith.constant 8 : i32
      %mul3A_143 = arith.muli %while3A_87, %mul3A_142 : i32
      %add3A_144 = arith.constant 1 : i32
      %add3A_145 = arith.addi %mul3A_143, %add3A_144 : i32
      %add3A_146 = arith.constant 6 : i32
      %add3A_147 = arith.addi %add3A_145, %add3A_146 : i32
      %mul3A_148 = arith.constant 64 : i32
      %mul3A_149 = arith.muli %add3A_147, %mul3A_148 : i32
      %add3A_150 = arith.addi %select_n3A_8, %mul3A_149 : i32
      %dma_start3A_151 = tpu.memref_slice %arg2[%add3A_150] : memref<327680xi32, #tpu.memory_space<hbm>> -> memref<64xi32, #tpu.memory_space<hbm>>
      %dma_start3A_152 = tpu.memref_slice %arg2[%add3A_150] : memref<327680xi32, #tpu.memory_space<hbm>> -> memref<64xi32, #tpu.memory_space<hbm>>
      tpu.enqueue_dma source(%dma_start3A_152 : memref<64xi32, #tpu.memory_space<hbm>>) target(%arg14 : memref<64xi32, #tpu.memory_space<vmem>>) target_semaphore(%arg35 : memref<!tpu.dma_semaphore, #tpu.memory_space<semaphore_mem>>)
      %dma_start3A_153 = tpu.memref_slice %arg3[%add3A_150] : memref<327680xi32, #tpu.memory_space<hbm>> -> memref<64xi32, #tpu.memory_space<hbm>>
      %dma_start3A_154 = tpu.memref_slice %arg3[%add3A_150] : memref<327680xi32, #tpu.memory_space<hbm>> -> memref<64xi32, #tpu.memory_space<hbm>>
      tpu.enqueue_dma source(%dma_start3A_154 : memref<64xi32, #tpu.memory_space<hbm>>) target(%arg22 : memref<64xi32, #tpu.memory_space<vmem>>) target_semaphore(%arg35 : memref<!tpu.dma_semaphore, #tpu.memory_space<semaphore_mem>>)
      %dma_wait3A_155 = arith.constant 0 : i32
      %dma_wait3A_156 = arith.constant 0 : i32
      %dma_wait3A_157 = tpu.memref_slice %arg4[%dma_wait3A_155, %dma_wait3A_156] : memref<10240x128xf32, #tpu.memory_space<hbm>> -> memref<10240x128xf32, #tpu.memory_space<hbm>>
      tpu.wait_indirect_dma semaphore(%arg38 : memref<!tpu.dma_semaphore, #tpu.memory_space<semaphore_mem>>) src(%dma_wait3A_157 : memref<10240x128xf32, #tpu.memory_space<hbm>>) dst(%arg25 : memref<64x128xf32, #tpu.memory_space<vmem>>)
      %dma_start3A_158 = arith.constant 0 : i32
      %dma_start3A_159 = arith.constant 0 : i32
      %dma_start3A_160 = tpu.memref_slice %arg27[%dma_start3A_158, %dma_start3A_159] : memref<10240x128xf32, #tpu.memory_space<vmem_shared>> -> memref<10240x128xf32, #tpu.memory_space<vmem_shared>>
      tpu.enqueue_indirect_dma source(%arg25 : memref<64x128xf32, #tpu.memory_space<vmem>>) target(%dma_start3A_160 : memref<10240x128xf32, #tpu.memory_space<vmem_shared>>) offsets(%arg17 : memref<64xi32, #tpu.memory_space<vmem>>) semaphore(%arg42 : memref<!tpu.dma_semaphore, #tpu.memory_space<semaphore_mem>>) {add = true}
      %dma_wait3A_161 = arith.constant 0 : i32
      %dma_wait3A_162 = arith.constant 0 : i32
      %dma_wait3A_163 = tpu.memref_slice %arg27[%dma_wait3A_161, %dma_wait3A_162] : memref<10240x128xf32, #tpu.memory_space<vmem_shared>> -> memref<10240x128xf32, #tpu.memory_space<vmem_shared>>
      tpu.wait_indirect_dma semaphore(%arg40 : memref<!tpu.dma_semaphore, #tpu.memory_space<semaphore_mem>>) src(%arg23 : memref<64x128xf32, #tpu.memory_space<vmem>>) dst(%dma_wait3A_163 : memref<10240x128xf32, #tpu.memory_space<vmem_shared>>)
      %dma_wait3A_164 = arith.constant 0 : i32
      %dma_wait3A_165 = tpu.memref_slice %arg2[%dma_wait3A_164] : memref<327680xi32, #tpu.memory_space<hbm>> -> memref<64xi32, #tpu.memory_space<hbm>>
      %dma_wait3A_166 = arith.constant 0 : i32
      %dma_wait3A_167 = tpu.memref_slice %arg2[%dma_wait3A_166] : memref<327680xi32, #tpu.memory_space<hbm>> -> memref<64xi32, #tpu.memory_space<hbm>>
      tpu.wait_dma2 semaphore(%arg32 : memref<!tpu.dma_semaphore, #tpu.memory_space<semaphore_mem>>) src(%dma_wait3A_167 : memref<64xi32, #tpu.memory_space<hbm>>) dst(%arg11 : memref<64xi32, #tpu.memory_space<vmem>>)
      %dma_wait3A_168 = arith.constant 0 : i32
      %dma_wait3A_169 = tpu.memref_slice %arg3[%dma_wait3A_168] : memref<327680xi32, #tpu.memory_space<hbm>> -> memref<64xi32, #tpu.memory_space<hbm>>
      %dma_wait3A_170 = arith.constant 0 : i32
      %dma_wait3A_171 = tpu.memref_slice %arg3[%dma_wait3A_170] : memref<327680xi32, #tpu.memory_space<hbm>> -> memref<64xi32, #tpu.memory_space<hbm>>
      tpu.wait_dma2 semaphore(%arg32 : memref<!tpu.dma_semaphore, #tpu.memory_space<semaphore_mem>>) src(%dma_wait3A_171 : memref<64xi32, #tpu.memory_space<hbm>>) dst(%arg19 : memref<64xi32, #tpu.memory_space<vmem>>)
      %dma_start3A_172 = arith.constant 0 : i32
      %dma_start3A_173 = arith.constant 0 : i32
      %dma_start3A_174 = tpu.memref_slice %arg4[%dma_start3A_172, %dma_start3A_173] : memref<10240x128xf32, #tpu.memory_space<hbm>> -> memref<10240x128xf32, #tpu.memory_space<hbm>>
      tpu.enqueue_indirect_dma source(%dma_start3A_174 : memref<10240x128xf32, #tpu.memory_space<hbm>>) target(%arg23 : memref<64x128xf32, #tpu.memory_space<vmem>>) offsets(%arg11 : memref<64xi32, #tpu.memory_space<vmem>>) semaphore(%arg36 : memref<!tpu.dma_semaphore, #tpu.memory_space<semaphore_mem>>)
      %sub3A = arith.constant 1 : i32
      %sub3A_175 = arith.subi %select_n3A, %sub3A : i32
      %lt3A = arith.cmpi slt, %while3A_87, %sub3A_175 : i32
      %convert_element_type3A_176 = arith.extui %lt3A : i1 to i32
      %cond3A_177 = arith.constant 0 : i32
      %cond3A_178 = arith.cmpi ne, %convert_element_type3A_176, %cond3A_177 : i32
      scf.if %cond3A_178 {
        %mul3A_299 = arith.constant 8 : i32
        %mul3A_300 = arith.muli %while3A_87, %mul3A_299 : i32
        %add3A_301 = arith.constant 2 : i32
        %add3A_302 = arith.addi %mul3A_300, %add3A_301 : i32
        %add3A_303 = arith.constant 6 : i32
        %add3A_304 = arith.addi %add3A_302, %add3A_303 : i32
        %mul3A_305 = arith.constant 64 : i32
        %mul3A_306 = arith.muli %add3A_304, %mul3A_305 : i32
        %add3A_307 = arith.addi %select_n3A_8, %mul3A_306 : i32
        %dma_start3A_308 = tpu.memref_slice %arg2[%add3A_307] : memref<327680xi32, #tpu.memory_space<hbm>> -> memref<64xi32, #tpu.memory_space<hbm>>
        %dma_start3A_309 = tpu.memref_slice %arg2[%add3A_307] : memref<327680xi32, #tpu.memory_space<hbm>> -> memref<64xi32, #tpu.memory_space<hbm>>
        tpu.enqueue_dma source(%dma_start3A_309 : memref<64xi32, #tpu.memory_space<hbm>>) target(%arg7 : memref<64xi32, #tpu.memory_space<vmem>>) target_semaphore(%arg28 : memref<!tpu.dma_semaphore, #tpu.memory_space<semaphore_mem>>)
        %dma_start3A_310 = tpu.memref_slice %arg3[%add3A_307] : memref<327680xi32, #tpu.memory_space<hbm>> -> memref<64xi32, #tpu.memory_space<hbm>>
        %dma_start3A_311 = tpu.memref_slice %arg3[%add3A_307] : memref<327680xi32, #tpu.memory_space<hbm>> -> memref<64xi32, #tpu.memory_space<hbm>>
        tpu.enqueue_dma source(%dma_start3A_311 : memref<64xi32, #tpu.memory_space<hbm>>) target(%arg15 : memref<64xi32, #tpu.memory_space<vmem>>) target_semaphore(%arg28 : memref<!tpu.dma_semaphore, #tpu.memory_space<semaphore_mem>>)
      } else {
      }
      %dma_wait3A_179 = arith.constant 0 : i32
      %dma_wait3A_180 = arith.constant 0 : i32
      %dma_wait3A_181 = tpu.memref_slice %arg4[%dma_wait3A_179, %dma_wait3A_180] : memref<10240x128xf32, #tpu.memory_space<hbm>> -> memref<10240x128xf32, #tpu.memory_space<hbm>>
      tpu.wait_indirect_dma semaphore(%arg39 : memref<!tpu.dma_semaphore, #tpu.memory_space<semaphore_mem>>) src(%dma_wait3A_181 : memref<10240x128xf32, #tpu.memory_space<hbm>>) dst(%arg26 : memref<64x128xf32, #tpu.memory_space<vmem>>)
      %dma_start3A_182 = arith.constant 0 : i32
      %dma_start3A_183 = arith.constant 0 : i32
      %dma_start3A_184 = tpu.memref_slice %arg27[%dma_start3A_182, %dma_start3A_183] : memref<10240x128xf32, #tpu.memory_space<vmem_shared>> -> memref<10240x128xf32, #tpu.memory_space<vmem_shared>>
      tpu.enqueue_indirect_dma source(%arg26 : memref<64x128xf32, #tpu.memory_space<vmem>>) target(%dma_start3A_184 : memref<10240x128xf32, #tpu.memory_space<vmem_shared>>) offsets(%arg18 : memref<64xi32, #tpu.memory_space<vmem>>) semaphore(%arg43 : memref<!tpu.dma_semaphore, #tpu.memory_space<semaphore_mem>>) {add = true}
      %dma_wait3A_185 = arith.constant 0 : i32
      %dma_wait3A_186 = arith.constant 0 : i32
      %dma_wait3A_187 = tpu.memref_slice %arg27[%dma_wait3A_185, %dma_wait3A_186] : memref<10240x128xf32, #tpu.memory_space<vmem_shared>> -> memref<10240x128xf32, #tpu.memory_space<vmem_shared>>
      tpu.wait_indirect_dma semaphore(%arg41 : memref<!tpu.dma_semaphore, #tpu.memory_space<semaphore_mem>>) src(%arg24 : memref<64x128xf32, #tpu.memory_space<vmem>>) dst(%dma_wait3A_187 : memref<10240x128xf32, #tpu.memory_space<vmem_shared>>)
      %dma_wait3A_188 = arith.constant 0 : i32
      %dma_wait3A_189 = tpu.memref_slice %arg2[%dma_wait3A_188] : memref<327680xi32, #tpu.memory_space<hbm>> -> memref<64xi32, #tpu.memory_space<hbm>>
      %dma_wait3A_190 = arith.constant 0 : i32
      %dma_wait3A_191 = tpu.memref_slice %arg2[%dma_wait3A_190] : memref<327680xi32, #tpu.memory_space<hbm>> -> memref<64xi32, #tpu.memory_space<hbm>>
      tpu.wait_dma2 semaphore(%arg33 : memref<!tpu.dma_semaphore, #tpu.memory_space<semaphore_mem>>) src(%dma_wait3A_191 : memref<64xi32, #tpu.memory_space<hbm>>) dst(%arg12 : memref<64xi32, #tpu.memory_space<vmem>>)
      %dma_wait3A_192 = arith.constant 0 : i32
      %dma_wait3A_193 = tpu.memref_slice %arg3[%dma_wait3A_192] : memref<327680xi32, #tpu.memory_space<hbm>> -> memref<64xi32, #tpu.memory_space<hbm>>
      %dma_wait3A_194 = arith.constant 0 : i32
      %dma_wait3A_195 = tpu.memref_slice %arg3[%dma_wait3A_194] : memref<327680xi32, #tpu.memory_space<hbm>> -> memref<64xi32, #tpu.memory_space<hbm>>
      tpu.wait_dma2 semaphore(%arg33 : memref<!tpu.dma_semaphore, #tpu.memory_space<semaphore_mem>>) src(%dma_wait3A_195 : memref<64xi32, #tpu.memory_space<hbm>>) dst(%arg20 : memref<64xi32, #tpu.memory_space<vmem>>)
      %dma_start3A_196 = arith.constant 0 : i32
      %dma_start3A_197 = arith.constant 0 : i32
      %dma_start3A_198 = tpu.memref_slice %arg4[%dma_start3A_196, %dma_start3A_197] : memref<10240x128xf32, #tpu.memory_space<hbm>> -> memref<10240x128xf32, #tpu.memory_space<hbm>>
      tpu.enqueue_indirect_dma source(%dma_start3A_198 : memref<10240x128xf32, #tpu.memory_space<hbm>>) target(%arg24 : memref<64x128xf32, #tpu.memory_space<vmem>>) offsets(%arg12 : memref<64xi32, #tpu.memory_space<vmem>>) semaphore(%arg37 : memref<!tpu.dma_semaphore, #tpu.memory_space<semaphore_mem>>)
      %sub3A_199 = arith.constant 1 : i32
      %sub3A_200 = arith.subi %select_n3A, %sub3A_199 : i32
      %lt3A_201 = arith.cmpi slt, %while3A_87, %sub3A_200 : i32
      %convert_element_type3A_202 = arith.extui %lt3A_201 : i1 to i32
      %cond3A_203 = arith.constant 0 : i32
      %cond3A_204 = arith.cmpi ne, %convert_element_type3A_202, %cond3A_203 : i32
      scf.if %cond3A_204 {
        %mul3A_299 = arith.constant 8 : i32
        %mul3A_300 = arith.muli %while3A_87, %mul3A_299 : i32
        %add3A_301 = arith.constant 3 : i32
        %add3A_302 = arith.addi %mul3A_300, %add3A_301 : i32
        %add3A_303 = arith.constant 6 : i32
        %add3A_304 = arith.addi %add3A_302, %add3A_303 : i32
        %mul3A_305 = arith.constant 64 : i32
        %mul3A_306 = arith.muli %add3A_304, %mul3A_305 : i32
        %add3A_307 = arith.addi %select_n3A_8, %mul3A_306 : i32
        %dma_start3A_308 = tpu.memref_slice %arg2[%add3A_307] : memref<327680xi32, #tpu.memory_space<hbm>> -> memref<64xi32, #tpu.memory_space<hbm>>
        %dma_start3A_309 = tpu.memref_slice %arg2[%add3A_307] : memref<327680xi32, #tpu.memory_space<hbm>> -> memref<64xi32, #tpu.memory_space<hbm>>
        tpu.enqueue_dma source(%dma_start3A_309 : memref<64xi32, #tpu.memory_space<hbm>>) target(%arg8 : memref<64xi32, #tpu.memory_space<vmem>>) target_semaphore(%arg29 : memref<!tpu.dma_semaphore, #tpu.memory_space<semaphore_mem>>)
        %dma_start3A_310 = tpu.memref_slice %arg3[%add3A_307] : memref<327680xi32, #tpu.memory_space<hbm>> -> memref<64xi32, #tpu.memory_space<hbm>>
        %dma_start3A_311 = tpu.memref_slice %arg3[%add3A_307] : memref<327680xi32, #tpu.memory_space<hbm>> -> memref<64xi32, #tpu.memory_space<hbm>>
        tpu.enqueue_dma source(%dma_start3A_311 : memref<64xi32, #tpu.memory_space<hbm>>) target(%arg16 : memref<64xi32, #tpu.memory_space<vmem>>) target_semaphore(%arg29 : memref<!tpu.dma_semaphore, #tpu.memory_space<semaphore_mem>>)
      } else {
      }
      %dma_wait3A_205 = arith.constant 0 : i32
      %dma_wait3A_206 = arith.constant 0 : i32
      %dma_wait3A_207 = tpu.memref_slice %arg4[%dma_wait3A_205, %dma_wait3A_206] : memref<10240x128xf32, #tpu.memory_space<hbm>> -> memref<10240x128xf32, #tpu.memory_space<hbm>>
      tpu.wait_indirect_dma semaphore(%arg36 : memref<!tpu.dma_semaphore, #tpu.memory_space<semaphore_mem>>) src(%dma_wait3A_207 : memref<10240x128xf32, #tpu.memory_space<hbm>>) dst(%arg23 : memref<64x128xf32, #tpu.memory_space<vmem>>)
      %dma_start3A_208 = arith.constant 0 : i32
      %dma_start3A_209 = arith.constant 0 : i32
      %dma_start3A_210 = tpu.memref_slice %arg27[%dma_start3A_208, %dma_start3A_209] : memref<10240x128xf32, #tpu.memory_space<vmem_shared>> -> memref<10240x128xf32, #tpu.memory_space<vmem_shared>>
      tpu.enqueue_indirect_dma source(%arg23 : memref<64x128xf32, #tpu.memory_space<vmem>>) target(%dma_start3A_210 : memref<10240x128xf32, #tpu.memory_space<vmem_shared>>) offsets(%arg19 : memref<64xi32, #tpu.memory_space<vmem>>) semaphore(%arg40 : memref<!tpu.dma_semaphore, #tpu.memory_space<semaphore_mem>>) {add = true}
      %dma_wait3A_211 = arith.constant 0 : i32
      %dma_wait3A_212 = arith.constant 0 : i32
      %dma_wait3A_213 = tpu.memref_slice %arg27[%dma_wait3A_211, %dma_wait3A_212] : memref<10240x128xf32, #tpu.memory_space<vmem_shared>> -> memref<10240x128xf32, #tpu.memory_space<vmem_shared>>
      tpu.wait_indirect_dma semaphore(%arg42 : memref<!tpu.dma_semaphore, #tpu.memory_space<semaphore_mem>>) src(%arg25 : memref<64x128xf32, #tpu.memory_space<vmem>>) dst(%dma_wait3A_213 : memref<10240x128xf32, #tpu.memory_space<vmem_shared>>)
      %dma_wait3A_214 = arith.constant 0 : i32
      %dma_wait3A_215 = tpu.memref_slice %arg2[%dma_wait3A_214] : memref<327680xi32, #tpu.memory_space<hbm>> -> memref<64xi32, #tpu.memory_space<hbm>>
      %dma_wait3A_216 = arith.constant 0 : i32
      %dma_wait3A_217 = tpu.memref_slice %arg2[%dma_wait3A_216] : memref<327680xi32, #tpu.memory_space<hbm>> -> memref<64xi32, #tpu.memory_space<hbm>>
      tpu.wait_dma2 semaphore(%arg34 : memref<!tpu.dma_semaphore, #tpu.memory_space<semaphore_mem>>) src(%dma_wait3A_217 : memref<64xi32, #tpu.memory_space<hbm>>) dst(%arg13 : memref<64xi32, #tpu.memory_space<vmem>>)
      %dma_wait3A_218 = arith.constant 0 : i32
      %dma_wait3A_219 = tpu.memref_slice %arg3[%dma_wait3A_218] : memref<327680xi32, #tpu.memory_space<hbm>> -> memref<64xi32, #tpu.memory_space<hbm>>
      %dma_wait3A_220 = arith.constant 0 : i32
      %dma_wait3A_221 = tpu.memref_slice %arg3[%dma_wait3A_220] : memref<327680xi32, #tpu.memory_space<hbm>> -> memref<64xi32, #tpu.memory_space<hbm>>
      tpu.wait_dma2 semaphore(%arg34 : memref<!tpu.dma_semaphore, #tpu.memory_space<semaphore_mem>>) src(%dma_wait3A_221 : memref<64xi32, #tpu.memory_space<hbm>>) dst(%arg21 : memref<64xi32, #tpu.memory_space<vmem>>)
      %dma_start3A_222 = arith.constant 0 : i32
      %dma_start3A_223 = arith.constant 0 : i32
      %dma_start3A_224 = tpu.memref_slice %arg4[%dma_start3A_222, %dma_start3A_223] : memref<10240x128xf32, #tpu.memory_space<hbm>> -> memref<10240x128xf32, #tpu.memory_space<hbm>>
      tpu.enqueue_indirect_dma source(%dma_start3A_224 : memref<10240x128xf32, #tpu.memory_space<hbm>>) target(%arg25 : memref<64x128xf32, #tpu.memory_space<vmem>>) offsets(%arg13 : memref<64xi32, #tpu.memory_space<vmem>>) semaphore(%arg38 : memref<!tpu.dma_semaphore, #tpu.memory_space<semaphore_mem>>)
      %sub3A_225 = arith.constant 1 : i32
      %sub3A_226 = arith.subi %select_n3A, %sub3A_225 : i32
      %lt3A_227 = arith.cmpi slt, %while3A_87, %sub3A_226 : i32
      %convert_element_type3A_228 = arith.extui %lt3A_227 : i1 to i32
      %cond3A_229 = arith.constant 0 : i32
      %cond3A_230 = arith.cmpi ne, %convert_element_type3A_228, %cond3A_229 : i32
      scf.if %cond3A_230 {
        %mul3A_299 = arith.constant 8 : i32
        %mul3A_300 = arith.muli %while3A_87, %mul3A_299 : i32
        %add3A_301 = arith.constant 4 : i32
        %add3A_302 = arith.addi %mul3A_300, %add3A_301 : i32
        %add3A_303 = arith.constant 6 : i32
        %add3A_304 = arith.addi %add3A_302, %add3A_303 : i32
        %mul3A_305 = arith.constant 64 : i32
        %mul3A_306 = arith.muli %add3A_304, %mul3A_305 : i32
        %add3A_307 = arith.addi %select_n3A_8, %mul3A_306 : i32
        %dma_start3A_308 = tpu.memref_slice %arg2[%add3A_307] : memref<327680xi32, #tpu.memory_space<hbm>> -> memref<64xi32, #tpu.memory_space<hbm>>
        %dma_start3A_309 = tpu.memref_slice %arg2[%add3A_307] : memref<327680xi32, #tpu.memory_space<hbm>> -> memref<64xi32, #tpu.memory_space<hbm>>
        tpu.enqueue_dma source(%dma_start3A_309 : memref<64xi32, #tpu.memory_space<hbm>>) target(%arg9 : memref<64xi32, #tpu.memory_space<vmem>>) target_semaphore(%arg30 : memref<!tpu.dma_semaphore, #tpu.memory_space<semaphore_mem>>)
        %dma_start3A_310 = tpu.memref_slice %arg3[%add3A_307] : memref<327680xi32, #tpu.memory_space<hbm>> -> memref<64xi32, #tpu.memory_space<hbm>>
        %dma_start3A_311 = tpu.memref_slice %arg3[%add3A_307] : memref<327680xi32, #tpu.memory_space<hbm>> -> memref<64xi32, #tpu.memory_space<hbm>>
        tpu.enqueue_dma source(%dma_start3A_311 : memref<64xi32, #tpu.memory_space<hbm>>) target(%arg17 : memref<64xi32, #tpu.memory_space<vmem>>) target_semaphore(%arg30 : memref<!tpu.dma_semaphore, #tpu.memory_space<semaphore_mem>>)
      } else {
      }
      %dma_wait3A_231 = arith.constant 0 : i32
      %dma_wait3A_232 = arith.constant 0 : i32
      %dma_wait3A_233 = tpu.memref_slice %arg4[%dma_wait3A_231, %dma_wait3A_232] : memref<10240x128xf32, #tpu.memory_space<hbm>> -> memref<10240x128xf32, #tpu.memory_space<hbm>>
      tpu.wait_indirect_dma semaphore(%arg37 : memref<!tpu.dma_semaphore, #tpu.memory_space<semaphore_mem>>) src(%dma_wait3A_233 : memref<10240x128xf32, #tpu.memory_space<hbm>>) dst(%arg24 : memref<64x128xf32, #tpu.memory_space<vmem>>)
      %dma_start3A_234 = arith.constant 0 : i32
      %dma_start3A_235 = arith.constant 0 : i32
      %dma_start3A_236 = tpu.memref_slice %arg27[%dma_start3A_234, %dma_start3A_235] : memref<10240x128xf32, #tpu.memory_space<vmem_shared>> -> memref<10240x128xf32, #tpu.memory_space<vmem_shared>>
      tpu.enqueue_indirect_dma source(%arg24 : memref<64x128xf32, #tpu.memory_space<vmem>>) target(%dma_start3A_236 : memref<10240x128xf32, #tpu.memory_space<vmem_shared>>) offsets(%arg20 : memref<64xi32, #tpu.memory_space<vmem>>) semaphore(%arg41 : memref<!tpu.dma_semaphore, #tpu.memory_space<semaphore_mem>>) {add = true}
      %dma_wait3A_237 = arith.constant 0 : i32
      %dma_wait3A_238 = arith.constant 0 : i32
      %dma_wait3A_239 = tpu.memref_slice %arg27[%dma_wait3A_237, %dma_wait3A_238] : memref<10240x128xf32, #tpu.memory_space<vmem_shared>> -> memref<10240x128xf32, #tpu.memory_space<vmem_shared>>
      tpu.wait_indirect_dma semaphore(%arg43 : memref<!tpu.dma_semaphore, #tpu.memory_space<semaphore_mem>>) src(%arg26 : memref<64x128xf32, #tpu.memory_space<vmem>>) dst(%dma_wait3A_239 : memref<10240x128xf32, #tpu.memory_space<vmem_shared>>)
      %dma_wait3A_240 = arith.constant 0 : i32
      %dma_wait3A_241 = tpu.memref_slice %arg2[%dma_wait3A_240] : memref<327680xi32, #tpu.memory_space<hbm>> -> memref<64xi32, #tpu.memory_space<hbm>>
      %dma_wait3A_242 = arith.constant 0 : i32
      %dma_wait3A_243 = tpu.memref_slice %arg2[%dma_wait3A_242] : memref<327680xi32, #tpu.memory_space<hbm>> -> memref<64xi32, #tpu.memory_space<hbm>>
      tpu.wait_dma2 semaphore(%arg35 : memref<!tpu.dma_semaphore, #tpu.memory_space<semaphore_mem>>) src(%dma_wait3A_243 : memref<64xi32, #tpu.memory_space<hbm>>) dst(%arg14 : memref<64xi32, #tpu.memory_space<vmem>>)
      %dma_wait3A_244 = arith.constant 0 : i32
      %dma_wait3A_245 = tpu.memref_slice %arg3[%dma_wait3A_244] : memref<327680xi32, #tpu.memory_space<hbm>> -> memref<64xi32, #tpu.memory_space<hbm>>
      %dma_wait3A_246 = arith.constant 0 : i32
      %dma_wait3A_247 = tpu.memref_slice %arg3[%dma_wait3A_246] : memref<327680xi32, #tpu.memory_space<hbm>> -> memref<64xi32, #tpu.memory_space<hbm>>
      tpu.wait_dma2 semaphore(%arg35 : memref<!tpu.dma_semaphore, #tpu.memory_space<semaphore_mem>>) src(%dma_wait3A_247 : memref<64xi32, #tpu.memory_space<hbm>>) dst(%arg22 : memref<64xi32, #tpu.memory_space<vmem>>)
      %dma_start3A_248 = arith.constant 0 : i32
      %dma_start3A_249 = arith.constant 0 : i32
      %dma_start3A_250 = tpu.memref_slice %arg4[%dma_start3A_248, %dma_start3A_249] : memref<10240x128xf32, #tpu.memory_space<hbm>> -> memref<10240x128xf32, #tpu.memory_space<hbm>>
      tpu.enqueue_indirect_dma source(%dma_start3A_250 : memref<10240x128xf32, #tpu.memory_space<hbm>>) target(%arg26 : memref<64x128xf32, #tpu.memory_space<vmem>>) offsets(%arg14 : memref<64xi32, #tpu.memory_space<vmem>>) semaphore(%arg39 : memref<!tpu.dma_semaphore, #tpu.memory_space<semaphore_mem>>)
      %sub3A_251 = arith.constant 1 : i32
      %sub3A_252 = arith.subi %select_n3A, %sub3A_251 : i32
      %lt3A_253 = arith.cmpi slt, %while3A_87, %sub3A_252 : i32
      %convert_element_type3A_254 = arith.extui %lt3A_253 : i1 to i32
      %cond3A_255 = arith.constant 0 : i32
      %cond3A_256 = arith.cmpi ne, %convert_element_type3A_254, %cond3A_255 : i32
      scf.if %cond3A_256 {
        %mul3A_299 = arith.constant 8 : i32
        %mul3A_300 = arith.muli %while3A_87, %mul3A_299 : i32
        %add3A_301 = arith.constant 5 : i32
        %add3A_302 = arith.addi %mul3A_300, %add3A_301 : i32
        %add3A_303 = arith.constant 6 : i32
        %add3A_304 = arith.addi %add3A_302, %add3A_303 : i32
        %mul3A_305 = arith.constant 64 : i32
        %mul3A_306 = arith.muli %add3A_304, %mul3A_305 : i32
        %add3A_307 = arith.addi %select_n3A_8, %mul3A_306 : i32
        %dma_start3A_308 = tpu.memref_slice %arg2[%add3A_307] : memref<327680xi32, #tpu.memory_space<hbm>> -> memref<64xi32, #tpu.memory_space<hbm>>
        %dma_start3A_309 = tpu.memref_slice %arg2[%add3A_307] : memref<327680xi32, #tpu.memory_space<hbm>> -> memref<64xi32, #tpu.memory_space<hbm>>
        tpu.enqueue_dma source(%dma_start3A_309 : memref<64xi32, #tpu.memory_space<hbm>>) target(%arg10 : memref<64xi32, #tpu.memory_space<vmem>>) target_semaphore(%arg31 : memref<!tpu.dma_semaphore, #tpu.memory_space<semaphore_mem>>)
        %dma_start3A_310 = tpu.memref_slice %arg3[%add3A_307] : memref<327680xi32, #tpu.memory_space<hbm>> -> memref<64xi32, #tpu.memory_space<hbm>>
        %dma_start3A_311 = tpu.memref_slice %arg3[%add3A_307] : memref<327680xi32, #tpu.memory_space<hbm>> -> memref<64xi32, #tpu.memory_space<hbm>>
        tpu.enqueue_dma source(%dma_start3A_311 : memref<64xi32, #tpu.memory_space<hbm>>) target(%arg18 : memref<64xi32, #tpu.memory_space<vmem>>) target_semaphore(%arg31 : memref<!tpu.dma_semaphore, #tpu.memory_space<semaphore_mem>>)
      } else {
      }
      %dma_wait3A_257 = arith.constant 0 : i32
      %dma_wait3A_258 = arith.constant 0 : i32
      %dma_wait3A_259 = tpu.memref_slice %arg4[%dma_wait3A_257, %dma_wait3A_258] : memref<10240x128xf32, #tpu.memory_space<hbm>> -> memref<10240x128xf32, #tpu.memory_space<hbm>>
      tpu.wait_indirect_dma semaphore(%arg38 : memref<!tpu.dma_semaphore, #tpu.memory_space<semaphore_mem>>) src(%dma_wait3A_259 : memref<10240x128xf32, #tpu.memory_space<hbm>>) dst(%arg25 : memref<64x128xf32, #tpu.memory_space<vmem>>)
      %dma_start3A_260 = arith.constant 0 : i32
      %dma_start3A_261 = arith.constant 0 : i32
      %dma_start3A_262 = tpu.memref_slice %arg27[%dma_start3A_260, %dma_start3A_261] : memref<10240x128xf32, #tpu.memory_space<vmem_shared>> -> memref<10240x128xf32, #tpu.memory_space<vmem_shared>>
      tpu.enqueue_indirect_dma source(%arg25 : memref<64x128xf32, #tpu.memory_space<vmem>>) target(%dma_start3A_262 : memref<10240x128xf32, #tpu.memory_space<vmem_shared>>) offsets(%arg21 : memref<64xi32, #tpu.memory_space<vmem>>) semaphore(%arg42 : memref<!tpu.dma_semaphore, #tpu.memory_space<semaphore_mem>>) {add = true}
      %dma_wait3A_263 = arith.constant 0 : i32
      %dma_wait3A_264 = arith.constant 0 : i32
      %dma_wait3A_265 = tpu.memref_slice %arg27[%dma_wait3A_263, %dma_wait3A_264] : memref<10240x128xf32, #tpu.memory_space<vmem_shared>> -> memref<10240x128xf32, #tpu.memory_space<vmem_shared>>
      tpu.wait_indirect_dma semaphore(%arg40 : memref<!tpu.dma_semaphore, #tpu.memory_space<semaphore_mem>>) src(%arg23 : memref<64x128xf32, #tpu.memory_space<vmem>>) dst(%dma_wait3A_265 : memref<10240x128xf32, #tpu.memory_space<vmem_shared>>)
      %sub3A_266 = arith.constant 1 : i32
      %sub3A_267 = arith.subi %select_n3A, %sub3A_266 : i32
      %lt3A_268 = arith.cmpi slt, %while3A_87, %sub3A_267 : i32
      %convert_element_type3A_269 = arith.extui %lt3A_268 : i1 to i32
      %cond3A_270 = arith.constant 0 : i32
      %cond3A_271 = arith.cmpi ne, %convert_element_type3A_269, %cond3A_270 : i32
      scf.if %cond3A_271 {
        %dma_wait3A_299 = arith.constant 0 : i32
        %dma_wait3A_300 = tpu.memref_slice %arg2[%dma_wait3A_299] : memref<327680xi32, #tpu.memory_space<hbm>> -> memref<64xi32, #tpu.memory_space<hbm>>
        %dma_wait3A_301 = arith.constant 0 : i32
        %dma_wait3A_302 = tpu.memref_slice %arg2[%dma_wait3A_301] : memref<327680xi32, #tpu.memory_space<hbm>> -> memref<64xi32, #tpu.memory_space<hbm>>
        tpu.wait_dma2 semaphore(%arg28 : memref<!tpu.dma_semaphore, #tpu.memory_space<semaphore_mem>>) src(%dma_wait3A_302 : memref<64xi32, #tpu.memory_space<hbm>>) dst(%arg7 : memref<64xi32, #tpu.memory_space<vmem>>)
        %dma_wait3A_303 = arith.constant 0 : i32
        %dma_wait3A_304 = tpu.memref_slice %arg3[%dma_wait3A_303] : memref<327680xi32, #tpu.memory_space<hbm>> -> memref<64xi32, #tpu.memory_space<hbm>>
        %dma_wait3A_305 = arith.constant 0 : i32
        %dma_wait3A_306 = tpu.memref_slice %arg3[%dma_wait3A_305] : memref<327680xi32, #tpu.memory_space<hbm>> -> memref<64xi32, #tpu.memory_space<hbm>>
        tpu.wait_dma2 semaphore(%arg28 : memref<!tpu.dma_semaphore, #tpu.memory_space<semaphore_mem>>) src(%dma_wait3A_306 : memref<64xi32, #tpu.memory_space<hbm>>) dst(%arg15 : memref<64xi32, #tpu.memory_space<vmem>>)
        %dma_start3A_307 = arith.constant 0 : i32
        %dma_start3A_308 = arith.constant 0 : i32
        %dma_start3A_309 = tpu.memref_slice %arg4[%dma_start3A_307, %dma_start3A_308] : memref<10240x128xf32, #tpu.memory_space<hbm>> -> memref<10240x128xf32, #tpu.memory_space<hbm>>
        tpu.enqueue_indirect_dma source(%dma_start3A_309 : memref<10240x128xf32, #tpu.memory_space<hbm>>) target(%arg23 : memref<64x128xf32, #tpu.memory_space<vmem>>) offsets(%arg7 : memref<64xi32, #tpu.memory_space<vmem>>) semaphore(%arg36 : memref<!tpu.dma_semaphore, #tpu.memory_space<semaphore_mem>>)
      } else {
      }
      %sub3A_272 = arith.constant 1 : i32
      %sub3A_273 = arith.subi %select_n3A, %sub3A_272 : i32
      %lt3A_274 = arith.cmpi slt, %while3A_87, %sub3A_273 : i32
      %convert_element_type3A_275 = arith.extui %lt3A_274 : i1 to i32
      %cond3A_276 = arith.constant 0 : i32
      %cond3A_277 = arith.cmpi ne, %convert_element_type3A_275, %cond3A_276 : i32
      scf.if %cond3A_277 {
        %mul3A_299 = arith.constant 8 : i32
        %mul3A_300 = arith.muli %while3A_87, %mul3A_299 : i32
        %add3A_301 = arith.constant 6 : i32
        %add3A_302 = arith.addi %mul3A_300, %add3A_301 : i32
        %add3A_303 = arith.constant 6 : i32
        %add3A_304 = arith.addi %add3A_302, %add3A_303 : i32
        %mul3A_305 = arith.constant 64 : i32
        %mul3A_306 = arith.muli %add3A_304, %mul3A_305 : i32
        %add3A_307 = arith.addi %select_n3A_8, %mul3A_306 : i32
        %dma_start3A_308 = tpu.memref_slice %arg2[%add3A_307] : memref<327680xi32, #tpu.memory_space<hbm>> -> memref<64xi32, #tpu.memory_space<hbm>>
        %dma_start3A_309 = tpu.memref_slice %arg2[%add3A_307] : memref<327680xi32, #tpu.memory_space<hbm>> -> memref<64xi32, #tpu.memory_space<hbm>>
        tpu.enqueue_dma source(%dma_start3A_309 : memref<64xi32, #tpu.memory_space<hbm>>) target(%arg11 : memref<64xi32, #tpu.memory_space<vmem>>) target_semaphore(%arg32 : memref<!tpu.dma_semaphore, #tpu.memory_space<semaphore_mem>>)
        %dma_start3A_310 = tpu.memref_slice %arg3[%add3A_307] : memref<327680xi32, #tpu.memory_space<hbm>> -> memref<64xi32, #tpu.memory_space<hbm>>
        %dma_start3A_311 = tpu.memref_slice %arg3[%add3A_307] : memref<327680xi32, #tpu.memory_space<hbm>> -> memref<64xi32, #tpu.memory_space<hbm>>
        tpu.enqueue_dma source(%dma_start3A_311 : memref<64xi32, #tpu.memory_space<hbm>>) target(%arg19 : memref<64xi32, #tpu.memory_space<vmem>>) target_semaphore(%arg32 : memref<!tpu.dma_semaphore, #tpu.memory_space<semaphore_mem>>)
      } else {
      }
      %dma_wait3A_278 = arith.constant 0 : i32
      %dma_wait3A_279 = arith.constant 0 : i32
      %dma_wait3A_280 = tpu.memref_slice %arg4[%dma_wait3A_278, %dma_wait3A_279] : memref<10240x128xf32, #tpu.memory_space<hbm>> -> memref<10240x128xf32, #tpu.memory_space<hbm>>
      tpu.wait_indirect_dma semaphore(%arg39 : memref<!tpu.dma_semaphore, #tpu.memory_space<semaphore_mem>>) src(%dma_wait3A_280 : memref<10240x128xf32, #tpu.memory_space<hbm>>) dst(%arg26 : memref<64x128xf32, #tpu.memory_space<vmem>>)
      %dma_start3A_281 = arith.constant 0 : i32
      %dma_start3A_282 = arith.constant 0 : i32
      %dma_start3A_283 = tpu.memref_slice %arg27[%dma_start3A_281, %dma_start3A_282] : memref<10240x128xf32, #tpu.memory_space<vmem_shared>> -> memref<10240x128xf32, #tpu.memory_space<vmem_shared>>
      tpu.enqueue_indirect_dma source(%arg26 : memref<64x128xf32, #tpu.memory_space<vmem>>) target(%dma_start3A_283 : memref<10240x128xf32, #tpu.memory_space<vmem_shared>>) offsets(%arg22 : memref<64xi32, #tpu.memory_space<vmem>>) semaphore(%arg43 : memref<!tpu.dma_semaphore, #tpu.memory_space<semaphore_mem>>) {add = true}
      %dma_wait3A_284 = arith.constant 0 : i32
      %dma_wait3A_285 = arith.constant 0 : i32
      %dma_wait3A_286 = tpu.memref_slice %arg27[%dma_wait3A_284, %dma_wait3A_285] : memref<10240x128xf32, #tpu.memory_space<vmem_shared>> -> memref<10240x128xf32, #tpu.memory_space<vmem_shared>>
      tpu.wait_indirect_dma semaphore(%arg41 : memref<!tpu.dma_semaphore, #tpu.memory_space<semaphore_mem>>) src(%arg24 : memref<64x128xf32, #tpu.memory_space<vmem>>) dst(%dma_wait3A_286 : memref<10240x128xf32, #tpu.memory_space<vmem_shared>>)
      %sub3A_287 = arith.constant 1 : i32
      %sub3A_288 = arith.subi %select_n3A, %sub3A_287 : i32
      %lt3A_289 = arith.cmpi slt, %while3A_87, %sub3A_288 : i32
      %convert_element_type3A_290 = arith.extui %lt3A_289 : i1 to i32
      %cond3A_291 = arith.constant 0 : i32
      %cond3A_292 = arith.cmpi ne, %convert_element_type3A_290, %cond3A_291 : i32
      scf.if %cond3A_292 {
        %dma_wait3A_299 = arith.constant 0 : i32
        %dma_wait3A_300 = tpu.memref_slice %arg2[%dma_wait3A_299] : memref<327680xi32, #tpu.memory_space<hbm>> -> memref<64xi32, #tpu.memory_space<hbm>>
        %dma_wait3A_301 = arith.constant 0 : i32
        %dma_wait3A_302 = tpu.memref_slice %arg2[%dma_wait3A_301] : memref<327680xi32, #tpu.memory_space<hbm>> -> memref<64xi32, #tpu.memory_space<hbm>>
        tpu.wait_dma2 semaphore(%arg29 : memref<!tpu.dma_semaphore, #tpu.memory_space<semaphore_mem>>) src(%dma_wait3A_302 : memref<64xi32, #tpu.memory_space<hbm>>) dst(%arg8 : memref<64xi32, #tpu.memory_space<vmem>>)
        %dma_wait3A_303 = arith.constant 0 : i32
        %dma_wait3A_304 = tpu.memref_slice %arg3[%dma_wait3A_303] : memref<327680xi32, #tpu.memory_space<hbm>> -> memref<64xi32, #tpu.memory_space<hbm>>
        %dma_wait3A_305 = arith.constant 0 : i32
        %dma_wait3A_306 = tpu.memref_slice %arg3[%dma_wait3A_305] : memref<327680xi32, #tpu.memory_space<hbm>> -> memref<64xi32, #tpu.memory_space<hbm>>
        tpu.wait_dma2 semaphore(%arg29 : memref<!tpu.dma_semaphore, #tpu.memory_space<semaphore_mem>>) src(%dma_wait3A_306 : memref<64xi32, #tpu.memory_space<hbm>>) dst(%arg16 : memref<64xi32, #tpu.memory_space<vmem>>)
        %dma_start3A_307 = arith.constant 0 : i32
        %dma_start3A_308 = arith.constant 0 : i32
        %dma_start3A_309 = tpu.memref_slice %arg4[%dma_start3A_307, %dma_start3A_308] : memref<10240x128xf32, #tpu.memory_space<hbm>> -> memref<10240x128xf32, #tpu.memory_space<hbm>>
        tpu.enqueue_indirect_dma source(%dma_start3A_309 : memref<10240x128xf32, #tpu.memory_space<hbm>>) target(%arg24 : memref<64x128xf32, #tpu.memory_space<vmem>>) offsets(%arg8 : memref<64xi32, #tpu.memory_space<vmem>>) semaphore(%arg37 : memref<!tpu.dma_semaphore, #tpu.memory_space<semaphore_mem>>)
      } else {
      }
      %sub3A_293 = arith.constant 1 : i32
      %sub3A_294 = arith.subi %select_n3A, %sub3A_293 : i32
      %lt3A_295 = arith.cmpi slt, %while3A_87, %sub3A_294 : i32
      %convert_element_type3A_296 = arith.extui %lt3A_295 : i1 to i32
      %cond3A_297 = arith.constant 0 : i32
      %cond3A_298 = arith.cmpi ne, %convert_element_type3A_296, %cond3A_297 : i32
      scf.if %cond3A_298 {
        %mul3A_299 = arith.constant 8 : i32
        %mul3A_300 = arith.muli %while3A_87, %mul3A_299 : i32
        %add3A_301 = arith.constant 7 : i32
        %add3A_302 = arith.addi %mul3A_300, %add3A_301 : i32
        %add3A_303 = arith.constant 6 : i32
        %add3A_304 = arith.addi %add3A_302, %add3A_303 : i32
        %mul3A_305 = arith.constant 64 : i32
        %mul3A_306 = arith.muli %add3A_304, %mul3A_305 : i32
        %add3A_307 = arith.addi %select_n3A_8, %mul3A_306 : i32
        %dma_start3A_308 = tpu.memref_slice %arg2[%add3A_307] : memref<327680xi32, #tpu.memory_space<hbm>> -> memref<64xi32, #tpu.memory_space<hbm>>
        %dma_start3A_309 = tpu.memref_slice %arg2[%add3A_307] : memref<327680xi32, #tpu.memory_space<hbm>> -> memref<64xi32, #tpu.memory_space<hbm>>
        tpu.enqueue_dma source(%dma_start3A_309 : memref<64xi32, #tpu.memory_space<hbm>>) target(%arg12 : memref<64xi32, #tpu.memory_space<vmem>>) target_semaphore(%arg33 : memref<!tpu.dma_semaphore, #tpu.memory_space<semaphore_mem>>)
        %dma_start3A_310 = tpu.memref_slice %arg3[%add3A_307] : memref<327680xi32, #tpu.memory_space<hbm>> -> memref<64xi32, #tpu.memory_space<hbm>>
        %dma_start3A_311 = tpu.memref_slice %arg3[%add3A_307] : memref<327680xi32, #tpu.memory_space<hbm>> -> memref<64xi32, #tpu.memory_space<hbm>>
        tpu.enqueue_dma source(%dma_start3A_311 : memref<64xi32, #tpu.memory_space<hbm>>) target(%arg20 : memref<64xi32, #tpu.memory_space<vmem>>) target_semaphore(%arg33 : memref<!tpu.dma_semaphore, #tpu.memory_space<semaphore_mem>>)
      } else {
      }
    }
    %while3A_75 = arith.constant 1 : i32
    scf.for %while3A_87 = %while3A_73 to %while3A_69 step %while3A_75  : i32 {
      %dma_wait3A_88 = arith.constant 0 : i32
      %dma_wait3A_89 = arith.constant 0 : i32
      %dma_wait3A_90 = tpu.memref_slice %arg4[%dma_wait3A_88, %dma_wait3A_89] : memref<10240x128xf32, #tpu.memory_space<hbm>> -> memref<10240x128xf32, #tpu.memory_space<hbm>>
      tpu.wait_indirect_dma semaphore(%arg36 : memref<!tpu.dma_semaphore, #tpu.memory_space<semaphore_mem>>) src(%dma_wait3A_90 : memref<10240x128xf32, #tpu.memory_space<hbm>>) dst(%arg23 : memref<64x128xf32, #tpu.memory_space<vmem>>)
      %dma_start3A_91 = arith.constant 0 : i32
      %dma_start3A_92 = arith.constant 0 : i32
      %dma_start3A_93 = tpu.memref_slice %arg27[%dma_start3A_91, %dma_start3A_92] : memref<10240x128xf32, #tpu.memory_space<vmem_shared>> -> memref<10240x128xf32, #tpu.memory_space<vmem_shared>>
      tpu.enqueue_indirect_dma source(%arg23 : memref<64x128xf32, #tpu.memory_space<vmem>>) target(%dma_start3A_93 : memref<10240x128xf32, #tpu.memory_space<vmem_shared>>) offsets(%arg15 : memref<64xi32, #tpu.memory_space<vmem>>) semaphore(%arg40 : memref<!tpu.dma_semaphore, #tpu.memory_space<semaphore_mem>>) {add = true}
      %ge3A = arith.constant 1 : i32
      %ge3A_94 = arith.cmpi sge, %while3A_87, %ge3A : i32
      %convert_element_type3A = arith.extui %ge3A_94 : i1 to i32
      %cond3A = arith.constant 0 : i32
      %cond3A_95 = arith.cmpi ne, %convert_element_type3A, %cond3A : i32
      scf.if %cond3A_95 {
        %dma_wait3A_299 = arith.constant 0 : i32
        %dma_wait3A_300 = arith.constant 0 : i32
        %dma_wait3A_301 = tpu.memref_slice %arg27[%dma_wait3A_299, %dma_wait3A_300] : memref<10240x128xf32, #tpu.memory_space<vmem_shared>> -> memref<10240x128xf32, #tpu.memory_space<vmem_shared>>
        tpu.wait_indirect_dma semaphore(%arg42 : memref<!tpu.dma_semaphore, #tpu.memory_space<semaphore_mem>>) src(%arg25 : memref<64x128xf32, #tpu.memory_space<vmem>>) dst(%dma_wait3A_301 : memref<10240x128xf32, #tpu.memory_space<vmem_shared>>)
      } else {
      }
      %dma_wait3A_96 = arith.constant 0 : i32
      %dma_wait3A_97 = tpu.memref_slice %arg2[%dma_wait3A_96] : memref<327680xi32, #tpu.memory_space<hbm>> -> memref<64xi32, #tpu.memory_space<hbm>>
      %dma_wait3A_98 = arith.constant 0 : i32
      %dma_wait3A_99 = tpu.memref_slice %arg2[%dma_wait3A_98] : memref<327680xi32, #tpu.memory_space<hbm>> -> memref<64xi32, #tpu.memory_space<hbm>>
      tpu.wait_dma2 semaphore(%arg30 : memref<!tpu.dma_semaphore, #tpu.memory_space<semaphore_mem>>) src(%dma_wait3A_99 : memref<64xi32, #tpu.memory_space<hbm>>) dst(%arg9 : memref<64xi32, #tpu.memory_space<vmem>>)
      %dma_wait3A_100 = arith.constant 0 : i32
      %dma_wait3A_101 = tpu.memref_slice %arg3[%dma_wait3A_100] : memref<327680xi32, #tpu.memory_space<hbm>> -> memref<64xi32, #tpu.memory_space<hbm>>
      %dma_wait3A_102 = arith.constant 0 : i32
      %dma_wait3A_103 = tpu.memref_slice %arg3[%dma_wait3A_102] : memref<327680xi32, #tpu.memory_space<hbm>> -> memref<64xi32, #tpu.memory_space<hbm>>
      tpu.wait_dma2 semaphore(%arg30 : memref<!tpu.dma_semaphore, #tpu.memory_space<semaphore_mem>>) src(%dma_wait3A_103 : memref<64xi32, #tpu.memory_space<hbm>>) dst(%arg17 : memref<64xi32, #tpu.memory_space<vmem>>)
      %dma_start3A_104 = arith.constant 0 : i32
      %dma_start3A_105 = arith.constant 0 : i32
      %dma_start3A_106 = tpu.memref_slice %arg4[%dma_start3A_104, %dma_start3A_105] : memref<10240x128xf32, #tpu.memory_space<hbm>> -> memref<10240x128xf32, #tpu.memory_space<hbm>>
      tpu.enqueue_indirect_dma source(%dma_start3A_106 : memref<10240x128xf32, #tpu.memory_space<hbm>>) target(%arg25 : memref<64x128xf32, #tpu.memory_space<vmem>>) offsets(%arg9 : memref<64xi32, #tpu.memory_space<vmem>>) semaphore(%arg38 : memref<!tpu.dma_semaphore, #tpu.memory_space<semaphore_mem>>)
      %mul3A_107 = arith.constant 8 : i32
      %mul3A_108 = arith.muli %while3A_87, %mul3A_107 : i32
      %add3A_109 = arith.constant 0 : i32
      %add3A_110 = arith.addi %mul3A_108, %add3A_109 : i32
      %add3A_111 = arith.constant 6 : i32
      %add3A_112 = arith.addi %add3A_110, %add3A_111 : i32
      %mul3A_113 = arith.constant 64 : i32
      %mul3A_114 = arith.muli %add3A_112, %mul3A_113 : i32
      %add3A_115 = arith.addi %select_n3A_8, %mul3A_114 : i32
      %dma_start3A_116 = tpu.memref_slice %arg2[%add3A_115] : memref<327680xi32, #tpu.memory_space<hbm>> -> memref<64xi32, #tpu.memory_space<hbm>>
      %dma_start3A_117 = tpu.memref_slice %arg2[%add3A_115] : memref<327680xi32, #tpu.memory_space<hbm>> -> memref<64xi32, #tpu.memory_space<hbm>>
      tpu.enqueue_dma source(%dma_start3A_117 : memref<64xi32, #tpu.memory_space<hbm>>) target(%arg13 : memref<64xi32, #tpu.memory_space<vmem>>) target_semaphore(%arg34 : memref<!tpu.dma_semaphore, #tpu.memory_space<semaphore_mem>>)
      %dma_start3A_118 = tpu.memref_slice %arg3[%add3A_115] : memref<327680xi32, #tpu.memory_space<hbm>> -> memref<64xi32, #tpu.memory_space<hbm>>
      %dma_start3A_119 = tpu.memref_slice %arg3[%add3A_115] : memref<327680xi32, #tpu.memory_space<hbm>> -> memref<64xi32, #tpu.memory_space<hbm>>
      tpu.enqueue_dma source(%dma_start3A_119 : memref<64xi32, #tpu.memory_space<hbm>>) target(%arg21 : memref<64xi32, #tpu.memory_space<vmem>>) target_semaphore(%arg34 : memref<!tpu.dma_semaphore, #tpu.memory_space<semaphore_mem>>)
      %dma_wait3A_120 = arith.constant 0 : i32
      %dma_wait3A_121 = arith.constant 0 : i32
      %dma_wait3A_122 = tpu.memref_slice %arg4[%dma_wait3A_120, %dma_wait3A_121] : memref<10240x128xf32, #tpu.memory_space<hbm>> -> memref<10240x128xf32, #tpu.memory_space<hbm>>
      tpu.wait_indirect_dma semaphore(%arg37 : memref<!tpu.dma_semaphore, #tpu.memory_space<semaphore_mem>>) src(%dma_wait3A_122 : memref<10240x128xf32, #tpu.memory_space<hbm>>) dst(%arg24 : memref<64x128xf32, #tpu.memory_space<vmem>>)
      %dma_start3A_123 = arith.constant 0 : i32
      %dma_start3A_124 = arith.constant 0 : i32
      %dma_start3A_125 = tpu.memref_slice %arg27[%dma_start3A_123, %dma_start3A_124] : memref<10240x128xf32, #tpu.memory_space<vmem_shared>> -> memref<10240x128xf32, #tpu.memory_space<vmem_shared>>
      tpu.enqueue_indirect_dma source(%arg24 : memref<64x128xf32, #tpu.memory_space<vmem>>) target(%dma_start3A_125 : memref<10240x128xf32, #tpu.memory_space<vmem_shared>>) offsets(%arg16 : memref<64xi32, #tpu.memory_space<vmem>>) semaphore(%arg41 : memref<!tpu.dma_semaphore, #tpu.memory_space<semaphore_mem>>) {add = true}
      %ge3A_126 = arith.constant 1 : i32
      %ge3A_127 = arith.cmpi sge, %while3A_87, %ge3A_126 : i32
      %convert_element_type3A_128 = arith.extui %ge3A_127 : i1 to i32
      %cond3A_129 = arith.constant 0 : i32
      %cond3A_130 = arith.cmpi ne, %convert_element_type3A_128, %cond3A_129 : i32
      scf.if %cond3A_130 {
        %dma_wait3A_299 = arith.constant 0 : i32
        %dma_wait3A_300 = arith.constant 0 : i32
        %dma_wait3A_301 = tpu.memref_slice %arg27[%dma_wait3A_299, %dma_wait3A_300] : memref<10240x128xf32, #tpu.memory_space<vmem_shared>> -> memref<10240x128xf32, #tpu.memory_space<vmem_shared>>
        tpu.wait_indirect_dma semaphore(%arg43 : memref<!tpu.dma_semaphore, #tpu.memory_space<semaphore_mem>>) src(%arg26 : memref<64x128xf32, #tpu.memory_space<vmem>>) dst(%dma_wait3A_301 : memref<10240x128xf32, #tpu.memory_space<vmem_shared>>)
      } else {
      }
      %dma_wait3A_131 = arith.constant 0 : i32
      %dma_wait3A_132 = tpu.memref_slice %arg2[%dma_wait3A_131] : memref<327680xi32, #tpu.memory_space<hbm>> -> memref<64xi32, #tpu.memory_space<hbm>>
      %dma_wait3A_133 = arith.constant 0 : i32
      %dma_wait3A_134 = tpu.memref_slice %arg2[%dma_wait3A_133] : memref<327680xi32, #tpu.memory_space<hbm>> -> memref<64xi32, #tpu.memory_space<hbm>>
      tpu.wait_dma2 semaphore(%arg31 : memref<!tpu.dma_semaphore, #tpu.memory_space<semaphore_mem>>) src(%dma_wait3A_134 : memref<64xi32, #tpu.memory_space<hbm>>) dst(%arg10 : memref<64xi32, #tpu.memory_space<vmem>>)
      %dma_wait3A_135 = arith.constant 0 : i32
      %dma_wait3A_136 = tpu.memref_slice %arg3[%dma_wait3A_135] : memref<327680xi32, #tpu.memory_space<hbm>> -> memref<64xi32, #tpu.memory_space<hbm>>
      %dma_wait3A_137 = arith.constant 0 : i32
      %dma_wait3A_138 = tpu.memref_slice %arg3[%dma_wait3A_137] : memref<327680xi32, #tpu.memory_space<hbm>> -> memref<64xi32, #tpu.memory_space<hbm>>
      tpu.wait_dma2 semaphore(%arg31 : memref<!tpu.dma_semaphore, #tpu.memory_space<semaphore_mem>>) src(%dma_wait3A_138 : memref<64xi32, #tpu.memory_space<hbm>>) dst(%arg18 : memref<64xi32, #tpu.memory_space<vmem>>)
      %dma_start3A_139 = arith.constant 0 : i32
      %dma_start3A_140 = arith.constant 0 : i32
      %dma_start3A_141 = tpu.memref_slice %arg4[%dma_start3A_139, %dma_start3A_140] : memref<10240x128xf32, #tpu.memory_space<hbm>> -> memref<10240x128xf32, #tpu.memory_space<hbm>>
      tpu.enqueue_indirect_dma source(%dma_start3A_141 : memref<10240x128xf32, #tpu.memory_space<hbm>>) target(%arg26 : memref<64x128xf32, #tpu.memory_space<vmem>>) offsets(%arg10 : memref<64xi32, #tpu.memory_space<vmem>>) semaphore(%arg39 : memref<!tpu.dma_semaphore, #tpu.memory_space<semaphore_mem>>)
      %mul3A_142 = arith.constant 8 : i32
      %mul3A_143 = arith.muli %while3A_87, %mul3A_142 : i32
      %add3A_144 = arith.constant 1 : i32
      %add3A_145 = arith.addi %mul3A_143, %add3A_144 : i32
      %add3A_146 = arith.constant 6 : i32
      %add3A_147 = arith.addi %add3A_145, %add3A_146 : i32
      %mul3A_148 = arith.constant 64 : i32
      %mul3A_149 = arith.muli %add3A_147, %mul3A_148 : i32
      %add3A_150 = arith.addi %select_n3A_8, %mul3A_149 : i32
      %dma_start3A_151 = tpu.memref_slice %arg2[%add3A_150] : memref<327680xi32, #tpu.memory_space<hbm>> -> memref<64xi32, #tpu.memory_space<hbm>>
      %dma_start3A_152 = tpu.memref_slice %arg2[%add3A_150] : memref<327680xi32, #tpu.memory_space<hbm>> -> memref<64xi32, #tpu.memory_space<hbm>>
      tpu.enqueue_dma source(%dma_start3A_152 : memref<64xi32, #tpu.memory_space<hbm>>) target(%arg14 : memref<64xi32, #tpu.memory_space<vmem>>) target_semaphore(%arg35 : memref<!tpu.dma_semaphore, #tpu.memory_space<semaphore_mem>>)
      %dma_start3A_153 = tpu.memref_slice %arg3[%add3A_150] : memref<327680xi32, #tpu.memory_space<hbm>> -> memref<64xi32, #tpu.memory_space<hbm>>
      %dma_start3A_154 = tpu.memref_slice %arg3[%add3A_150] : memref<327680xi32, #tpu.memory_space<hbm>> -> memref<64xi32, #tpu.memory_space<hbm>>
      tpu.enqueue_dma source(%dma_start3A_154 : memref<64xi32, #tpu.memory_space<hbm>>) target(%arg22 : memref<64xi32, #tpu.memory_space<vmem>>) target_semaphore(%arg35 : memref<!tpu.dma_semaphore, #tpu.memory_space<semaphore_mem>>)
      %dma_wait3A_155 = arith.constant 0 : i32
      %dma_wait3A_156 = arith.constant 0 : i32
      %dma_wait3A_157 = tpu.memref_slice %arg4[%dma_wait3A_155, %dma_wait3A_156] : memref<10240x128xf32, #tpu.memory_space<hbm>> -> memref<10240x128xf32, #tpu.memory_space<hbm>>
      tpu.wait_indirect_dma semaphore(%arg38 : memref<!tpu.dma_semaphore, #tpu.memory_space<semaphore_mem>>) src(%dma_wait3A_157 : memref<10240x128xf32, #tpu.memory_space<hbm>>) dst(%arg25 : memref<64x128xf32, #tpu.memory_space<vmem>>)
      %dma_start3A_158 = arith.constant 0 : i32
      %dma_start3A_159 = arith.constant 0 : i32
      %dma_start3A_160 = tpu.memref_slice %arg27[%dma_start3A_158, %dma_start3A_159] : memref<10240x128xf32, #tpu.memory_space<vmem_shared>> -> memref<10240x128xf32, #tpu.memory_space<vmem_shared>>
      tpu.enqueue_indirect_dma source(%arg25 : memref<64x128xf32, #tpu.memory_space<vmem>>) target(%dma_start3A_160 : memref<10240x128xf32, #tpu.memory_space<vmem_shared>>) offsets(%arg17 : memref<64xi32, #tpu.memory_space<vmem>>) semaphore(%arg42 : memref<!tpu.dma_semaphore, #tpu.memory_space<semaphore_mem>>) {add = true}
      %dma_wait3A_161 = arith.constant 0 : i32
      %dma_wait3A_162 = arith.constant 0 : i32
      %dma_wait3A_163 = tpu.memref_slice %arg27[%dma_wait3A_161, %dma_wait3A_162] : memref<10240x128xf32, #tpu.memory_space<vmem_shared>> -> memref<10240x128xf32, #tpu.memory_space<vmem_shared>>
      tpu.wait_indirect_dma semaphore(%arg40 : memref<!tpu.dma_semaphore, #tpu.memory_space<semaphore_mem>>) src(%arg23 : memref<64x128xf32, #tpu.memory_space<vmem>>) dst(%dma_wait3A_163 : memref<10240x128xf32, #tpu.memory_space<vmem_shared>>)
      %dma_wait3A_164 = arith.constant 0 : i32
      %dma_wait3A_165 = tpu.memref_slice %arg2[%dma_wait3A_164] : memref<327680xi32, #tpu.memory_space<hbm>> -> memref<64xi32, #tpu.memory_space<hbm>>
      %dma_wait3A_166 = arith.constant 0 : i32
      %dma_wait3A_167 = tpu.memref_slice %arg2[%dma_wait3A_166] : memref<327680xi32, #tpu.memory_space<hbm>> -> memref<64xi32, #tpu.memory_space<hbm>>
      tpu.wait_dma2 semaphore(%arg32 : memref<!tpu.dma_semaphore, #tpu.memory_space<semaphore_mem>>) src(%dma_wait3A_167 : memref<64xi32, #tpu.memory_space<hbm>>) dst(%arg11 : memref<64xi32, #tpu.memory_space<vmem>>)
      %dma_wait3A_168 = arith.constant 0 : i32
      %dma_wait3A_169 = tpu.memref_slice %arg3[%dma_wait3A_168] : memref<327680xi32, #tpu.memory_space<hbm>> -> memref<64xi32, #tpu.memory_space<hbm>>
      %dma_wait3A_170 = arith.constant 0 : i32
      %dma_wait3A_171 = tpu.memref_slice %arg3[%dma_wait3A_170] : memref<327680xi32, #tpu.memory_space<hbm>> -> memref<64xi32, #tpu.memory_space<hbm>>
      tpu.wait_dma2 semaphore(%arg32 : memref<!tpu.dma_semaphore, #tpu.memory_space<semaphore_mem>>) src(%dma_wait3A_171 : memref<64xi32, #tpu.memory_space<hbm>>) dst(%arg19 : memref<64xi32, #tpu.memory_space<vmem>>)
      %dma_start3A_172 = arith.constant 0 : i32
      %dma_start3A_173 = arith.constant 0 : i32
      %dma_start3A_174 = tpu.memref_slice %arg4[%dma_start3A_172, %dma_start3A_173] : memref<10240x128xf32, #tpu.memory_space<hbm>> -> memref<10240x128xf32, #tpu.memory_space<hbm>>
      tpu.enqueue_indirect_dma source(%dma_start3A_174 : memref<10240x128xf32, #tpu.memory_space<hbm>>) target(%arg23 : memref<64x128xf32, #tpu.memory_space<vmem>>) offsets(%arg11 : memref<64xi32, #tpu.memory_space<vmem>>) semaphore(%arg36 : memref<!tpu.dma_semaphore, #tpu.memory_space<semaphore_mem>>)
      %sub3A = arith.constant 1 : i32
      %sub3A_175 = arith.subi %select_n3A, %sub3A : i32
      %lt3A = arith.cmpi slt, %while3A_87, %sub3A_175 : i32
      %convert_element_type3A_176 = arith.extui %lt3A : i1 to i32
      %cond3A_177 = arith.constant 0 : i32
      %cond3A_178 = arith.cmpi ne, %convert_element_type3A_176, %cond3A_177 : i32
      scf.if %cond3A_178 {
        %mul3A_299 = arith.constant 8 : i32
        %mul3A_300 = arith.muli %while3A_87, %mul3A_299 : i32
        %add3A_301 = arith.constant 2 : i32
        %add3A_302 = arith.addi %mul3A_300, %add3A_301 : i32
        %add3A_303 = arith.constant 6 : i32
        %add3A_304 = arith.addi %add3A_302, %add3A_303 : i32
        %mul3A_305 = arith.constant 64 : i32
        %mul3A_306 = arith.muli %add3A_304, %mul3A_305 : i32
        %add3A_307 = arith.addi %select_n3A_8, %mul3A_306 : i32
        %dma_start3A_308 = tpu.memref_slice %arg2[%add3A_307] : memref<327680xi32, #tpu.memory_space<hbm>> -> memref<64xi32, #tpu.memory_space<hbm>>
        %dma_start3A_309 = tpu.memref_slice %arg2[%add3A_307] : memref<327680xi32, #tpu.memory_space<hbm>> -> memref<64xi32, #tpu.memory_space<hbm>>
        tpu.enqueue_dma source(%dma_start3A_309 : memref<64xi32, #tpu.memory_space<hbm>>) target(%arg7 : memref<64xi32, #tpu.memory_space<vmem>>) target_semaphore(%arg28 : memref<!tpu.dma_semaphore, #tpu.memory_space<semaphore_mem>>)
        %dma_start3A_310 = tpu.memref_slice %arg3[%add3A_307] : memref<327680xi32, #tpu.memory_space<hbm>> -> memref<64xi32, #tpu.memory_space<hbm>>
        %dma_start3A_311 = tpu.memref_slice %arg3[%add3A_307] : memref<327680xi32, #tpu.memory_space<hbm>> -> memref<64xi32, #tpu.memory_space<hbm>>
        tpu.enqueue_dma source(%dma_start3A_311 : memref<64xi32, #tpu.memory_space<hbm>>) target(%arg15 : memref<64xi32, #tpu.memory_space<vmem>>) target_semaphore(%arg28 : memref<!tpu.dma_semaphore, #tpu.memory_space<semaphore_mem>>)
      } else {
      }
      %dma_wait3A_179 = arith.constant 0 : i32
      %dma_wait3A_180 = arith.constant 0 : i32
      %dma_wait3A_181 = tpu.memref_slice %arg4[%dma_wait3A_179, %dma_wait3A_180] : memref<10240x128xf32, #tpu.memory_space<hbm>> -> memref<10240x128xf32, #tpu.memory_space<hbm>>
      tpu.wait_indirect_dma semaphore(%arg39 : memref<!tpu.dma_semaphore, #tpu.memory_space<semaphore_mem>>) src(%dma_wait3A_181 : memref<10240x128xf32, #tpu.memory_space<hbm>>) dst(%arg26 : memref<64x128xf32, #tpu.memory_space<vmem>>)
      %dma_start3A_182 = arith.constant 0 : i32
      %dma_start3A_183 = arith.constant 0 : i32
      %dma_start3A_184 = tpu.memref_slice %arg27[%dma_start3A_182, %dma_start3A_183] : memref<10240x128xf32, #tpu.memory_space<vmem_shared>> -> memref<10240x128xf32, #tpu.memory_space<vmem_shared>>
      tpu.enqueue_indirect_dma source(%arg26 : memref<64x128xf32, #tpu.memory_space<vmem>>) target(%dma_start3A_184 : memref<10240x128xf32, #tpu.memory_space<vmem_shared>>) offsets(%arg18 : memref<64xi32, #tpu.memory_space<vmem>>) semaphore(%arg43 : memref<!tpu.dma_semaphore, #tpu.memory_space<semaphore_mem>>) {add = true}
      %dma_wait3A_185 = arith.constant 0 : i32
      %dma_wait3A_186 = arith.constant 0 : i32
      %dma_wait3A_187 = tpu.memref_slice %arg27[%dma_wait3A_185, %dma_wait3A_186] : memref<10240x128xf32, #tpu.memory_space<vmem_shared>> -> memref<10240x128xf32, #tpu.memory_space<vmem_shared>>
      tpu.wait_indirect_dma semaphore(%arg41 : memref<!tpu.dma_semaphore, #tpu.memory_space<semaphore_mem>>) src(%arg24 : memref<64x128xf32, #tpu.memory_space<vmem>>) dst(%dma_wait3A_187 : memref<10240x128xf32, #tpu.memory_space<vmem_shared>>)
      %dma_wait3A_188 = arith.constant 0 : i32
      %dma_wait3A_189 = tpu.memref_slice %arg2[%dma_wait3A_188] : memref<327680xi32, #tpu.memory_space<hbm>> -> memref<64xi32, #tpu.memory_space<hbm>>
      %dma_wait3A_190 = arith.constant 0 : i32
      %dma_wait3A_191 = tpu.memref_slice %arg2[%dma_wait3A_190] : memref<327680xi32, #tpu.memory_space<hbm>> -> memref<64xi32, #tpu.memory_space<hbm>>
      tpu.wait_dma2 semaphore(%arg33 : memref<!tpu.dma_semaphore, #tpu.memory_space<semaphore_mem>>) src(%dma_wait3A_191 : memref<64xi32, #tpu.memory_space<hbm>>) dst(%arg12 : memref<64xi32, #tpu.memory_space<vmem>>)
      %dma_wait3A_192 = arith.constant 0 : i32
      %dma_wait3A_193 = tpu.memref_slice %arg3[%dma_wait3A_192] : memref<327680xi32, #tpu.memory_space<hbm>> -> memref<64xi32, #tpu.memory_space<hbm>>
      %dma_wait3A_194 = arith.constant 0 : i32
      %dma_wait3A_195 = tpu.memref_slice %arg3[%dma_wait3A_194] : memref<327680xi32, #tpu.memory_space<hbm>> -> memref<64xi32, #tpu.memory_space<hbm>>
      tpu.wait_dma2 semaphore(%arg33 : memref<!tpu.dma_semaphore, #tpu.memory_space<semaphore_mem>>) src(%dma_wait3A_195 : memref<64xi32, #tpu.memory_space<hbm>>) dst(%arg20 : memref<64xi32, #tpu.memory_space<vmem>>)
      %dma_start3A_196 = arith.constant 0 : i32
      %dma_start3A_197 = arith.constant 0 : i32
      %dma_start3A_198 = tpu.memref_slice %arg4[%dma_start3A_196, %dma_start3A_197] : memref<10240x128xf32, #tpu.memory_space<hbm>> -> memref<10240x128xf32, #tpu.memory_space<hbm>>
      tpu.enqueue_indirect_dma source(%dma_start3A_198 : memref<10240x128xf32, #tpu.memory_space<hbm>>) target(%arg24 : memref<64x128xf32, #tpu.memory_space<vmem>>) offsets(%arg12 : memref<64xi32, #tpu.memory_space<vmem>>) semaphore(%arg37 : memref<!tpu.dma_semaphore, #tpu.memory_space<semaphore_mem>>)
      %sub3A_199 = arith.constant 1 : i32
      %sub3A_200 = arith.subi %select_n3A, %sub3A_199 : i32
      %lt3A_201 = arith.cmpi slt, %while3A_87, %sub3A_200 : i32
      %convert_element_type3A_202 = arith.extui %lt3A_201 : i1 to i32
      %cond3A_203 = arith.constant 0 : i32
      %cond3A_204 = arith.cmpi ne, %convert_element_type3A_202, %cond3A_203 : i32
      scf.if %cond3A_204 {
        %mul3A_299 = arith.constant 8 : i32
        %mul3A_300 = arith.muli %while3A_87, %mul3A_299 : i32
        %add3A_301 = arith.constant 3 : i32
        %add3A_302 = arith.addi %mul3A_300, %add3A_301 : i32
        %add3A_303 = arith.constant 6 : i32
        %add3A_304 = arith.addi %add3A_302, %add3A_303 : i32
        %mul3A_305 = arith.constant 64 : i32
        %mul3A_306 = arith.muli %add3A_304, %mul3A_305 : i32
        %add3A_307 = arith.addi %select_n3A_8, %mul3A_306 : i32
        %dma_start3A_308 = tpu.memref_slice %arg2[%add3A_307] : memref<327680xi32, #tpu.memory_space<hbm>> -> memref<64xi32, #tpu.memory_space<hbm>>
        %dma_start3A_309 = tpu.memref_slice %arg2[%add3A_307] : memref<327680xi32, #tpu.memory_space<hbm>> -> memref<64xi32, #tpu.memory_space<hbm>>
        tpu.enqueue_dma source(%dma_start3A_309 : memref<64xi32, #tpu.memory_space<hbm>>) target(%arg8 : memref<64xi32, #tpu.memory_space<vmem>>) target_semaphore(%arg29 : memref<!tpu.dma_semaphore, #tpu.memory_space<semaphore_mem>>)
        %dma_start3A_310 = tpu.memref_slice %arg3[%add3A_307] : memref<327680xi32, #tpu.memory_space<hbm>> -> memref<64xi32, #tpu.memory_space<hbm>>
        %dma_start3A_311 = tpu.memref_slice %arg3[%add3A_307] : memref<327680xi32, #tpu.memory_space<hbm>> -> memref<64xi32, #tpu.memory_space<hbm>>
        tpu.enqueue_dma source(%dma_start3A_311 : memref<64xi32, #tpu.memory_space<hbm>>) target(%arg16 : memref<64xi32, #tpu.memory_space<vmem>>) target_semaphore(%arg29 : memref<!tpu.dma_semaphore, #tpu.memory_space<semaphore_mem>>)
      } else {
      }
      %dma_wait3A_205 = arith.constant 0 : i32
      %dma_wait3A_206 = arith.constant 0 : i32
      %dma_wait3A_207 = tpu.memref_slice %arg4[%dma_wait3A_205, %dma_wait3A_206] : memref<10240x128xf32, #tpu.memory_space<hbm>> -> memref<10240x128xf32, #tpu.memory_space<hbm>>
      tpu.wait_indirect_dma semaphore(%arg36 : memref<!tpu.dma_semaphore, #tpu.memory_space<semaphore_mem>>) src(%dma_wait3A_207 : memref<10240x128xf32, #tpu.memory_space<hbm>>) dst(%arg23 : memref<64x128xf32, #tpu.memory_space<vmem>>)
      %dma_start3A_208 = arith.constant 0 : i32
      %dma_start3A_209 = arith.constant 0 : i32
      %dma_start3A_210 = tpu.memref_slice %arg27[%dma_start3A_208, %dma_start3A_209] : memref<10240x128xf32, #tpu.memory_space<vmem_shared>> -> memref<10240x128xf32, #tpu.memory_space<vmem_shared>>
      tpu.enqueue_indirect_dma source(%arg23 : memref<64x128xf32, #tpu.memory_space<vmem>>) target(%dma_start3A_210 : memref<10240x128xf32, #tpu.memory_space<vmem_shared>>) offsets(%arg19 : memref<64xi32, #tpu.memory_space<vmem>>) semaphore(%arg40 : memref<!tpu.dma_semaphore, #tpu.memory_space<semaphore_mem>>) {add = true}
      %dma_wait3A_211 = arith.constant 0 : i32
      %dma_wait3A_212 = arith.constant 0 : i32
      %dma_wait3A_213 = tpu.memref_slice %arg27[%dma_wait3A_211, %dma_wait3A_212] : memref<10240x128xf32, #tpu.memory_space<vmem_shared>> -> memref<10240x128xf32, #tpu.memory_space<vmem_shared>>
      tpu.wait_indirect_dma semaphore(%arg42 : memref<!tpu.dma_semaphore, #tpu.memory_space<semaphore_mem>>) src(%arg25 : memref<64x128xf32, #tpu.memory_space<vmem>>) dst(%dma_wait3A_213 : memref<10240x128xf32, #tpu.memory_space<vmem_shared>>)
      %dma_wait3A_214 = arith.constant 0 : i32
      %dma_wait3A_215 = tpu.memref_slice %arg2[%dma_wait3A_214] : memref<327680xi32, #tpu.memory_space<hbm>> -> memref<64xi32, #tpu.memory_space<hbm>>
      %dma_wait3A_216 = arith.constant 0 : i32
      %dma_wait3A_217 = tpu.memref_slice %arg2[%dma_wait3A_216] : memref<327680xi32, #tpu.memory_space<hbm>> -> memref<64xi32, #tpu.memory_space<hbm>>
      tpu.wait_dma2 semaphore(%arg34 : memref<!tpu.dma_semaphore, #tpu.memory_space<semaphore_mem>>) src(%dma_wait3A_217 : memref<64xi32, #tpu.memory_space<hbm>>) dst(%arg13 : memref<64xi32, #tpu.memory_space<vmem>>)
      %dma_wait3A_218 = arith.constant 0 : i32
      %dma_wait3A_219 = tpu.memref_slice %arg3[%dma_wait3A_218] : memref<327680xi32, #tpu.memory_space<hbm>> -> memref<64xi32, #tpu.memory_space<hbm>>
      %dma_wait3A_220 = arith.constant 0 : i32
      %dma_wait3A_221 = tpu.memref_slice %arg3[%dma_wait3A_220] : memref<327680xi32, #tpu.memory_space<hbm>> -> memref<64xi32, #tpu.memory_space<hbm>>
      tpu.wait_dma2 semaphore(%arg34 : memref<!tpu.dma_semaphore, #tpu.memory_space<semaphore_mem>>) src(%dma_wait3A_221 : memref<64xi32, #tpu.memory_space<hbm>>) dst(%arg21 : memref<64xi32, #tpu.memory_space<vmem>>)
      %dma_start3A_222 = arith.constant 0 : i32
      %dma_start3A_223 = arith.constant 0 : i32
      %dma_start3A_224 = tpu.memref_slice %arg4[%dma_start3A_222, %dma_start3A_223] : memref<10240x128xf32, #tpu.memory_space<hbm>> -> memref<10240x128xf32, #tpu.memory_space<hbm>>
      tpu.enqueue_indirect_dma source(%dma_start3A_224 : memref<10240x128xf32, #tpu.memory_space<hbm>>) target(%arg25 : memref<64x128xf32, #tpu.memory_space<vmem>>) offsets(%arg13 : memref<64xi32, #tpu.memory_space<vmem>>) semaphore(%arg38 : memref<!tpu.dma_semaphore, #tpu.memory_space<semaphore_mem>>)
      %sub3A_225 = arith.constant 1 : i32
      %sub3A_226 = arith.subi %select_n3A, %sub3A_225 : i32
      %lt3A_227 = arith.cmpi slt, %while3A_87, %sub3A_226 : i32
      %convert_element_type3A_228 = arith.extui %lt3A_227 : i1 to i32
      %cond3A_229 = arith.constant 0 : i32
      %cond3A_230 = arith.cmpi ne, %convert_element_type3A_228, %cond3A_229 : i32
      scf.if %cond3A_230 {
        %mul3A_299 = arith.constant 8 : i32
        %mul3A_300 = arith.muli %while3A_87, %mul3A_299 : i32
        %add3A_301 = arith.constant 4 : i32
        %add3A_302 = arith.addi %mul3A_300, %add3A_301 : i32
        %add3A_303 = arith.constant 6 : i32
        %add3A_304 = arith.addi %add3A_302, %add3A_303 : i32
        %mul3A_305 = arith.constant 64 : i32
        %mul3A_306 = arith.muli %add3A_304, %mul3A_305 : i32
        %add3A_307 = arith.addi %select_n3A_8, %mul3A_306 : i32
        %dma_start3A_308 = tpu.memref_slice %arg2[%add3A_307] : memref<327680xi32, #tpu.memory_space<hbm>> -> memref<64xi32, #tpu.memory_space<hbm>>
        %dma_start3A_309 = tpu.memref_slice %arg2[%add3A_307] : memref<327680xi32, #tpu.memory_space<hbm>> -> memref<64xi32, #tpu.memory_space<hbm>>
        tpu.enqueue_dma source(%dma_start3A_309 : memref<64xi32, #tpu.memory_space<hbm>>) target(%arg9 : memref<64xi32, #tpu.memory_space<vmem>>) target_semaphore(%arg30 : memref<!tpu.dma_semaphore, #tpu.memory_space<semaphore_mem>>)
        %dma_start3A_310 = tpu.memref_slice %arg3[%add3A_307] : memref<327680xi32, #tpu.memory_space<hbm>> -> memref<64xi32, #tpu.memory_space<hbm>>
        %dma_start3A_311 = tpu.memref_slice %arg3[%add3A_307] : memref<327680xi32, #tpu.memory_space<hbm>> -> memref<64xi32, #tpu.memory_space<hbm>>
        tpu.enqueue_dma source(%dma_start3A_311 : memref<64xi32, #tpu.memory_space<hbm>>) target(%arg17 : memref<64xi32, #tpu.memory_space<vmem>>) target_semaphore(%arg30 : memref<!tpu.dma_semaphore, #tpu.memory_space<semaphore_mem>>)
      } else {
      }
      %dma_wait3A_231 = arith.constant 0 : i32
      %dma_wait3A_232 = arith.constant 0 : i32
      %dma_wait3A_233 = tpu.memref_slice %arg4[%dma_wait3A_231, %dma_wait3A_232] : memref<10240x128xf32, #tpu.memory_space<hbm>> -> memref<10240x128xf32, #tpu.memory_space<hbm>>
      tpu.wait_indirect_dma semaphore(%arg37 : memref<!tpu.dma_semaphore, #tpu.memory_space<semaphore_mem>>) src(%dma_wait3A_233 : memref<10240x128xf32, #tpu.memory_space<hbm>>) dst(%arg24 : memref<64x128xf32, #tpu.memory_space<vmem>>)
      %dma_start3A_234 = arith.constant 0 : i32
      %dma_start3A_235 = arith.constant 0 : i32
      %dma_start3A_236 = tpu.memref_slice %arg27[%dma_start3A_234, %dma_start3A_235] : memref<10240x128xf32, #tpu.memory_space<vmem_shared>> -> memref<10240x128xf32, #tpu.memory_space<vmem_shared>>
      tpu.enqueue_indirect_dma source(%arg24 : memref<64x128xf32, #tpu.memory_space<vmem>>) target(%dma_start3A_236 : memref<10240x128xf32, #tpu.memory_space<vmem_shared>>) offsets(%arg20 : memref<64xi32, #tpu.memory_space<vmem>>) semaphore(%arg41 : memref<!tpu.dma_semaphore, #tpu.memory_space<semaphore_mem>>) {add = true}
      %dma_wait3A_237 = arith.constant 0 : i32
      %dma_wait3A_238 = arith.constant 0 : i32
      %dma_wait3A_239 = tpu.memref_slice %arg27[%dma_wait3A_237, %dma_wait3A_238] : memref<10240x128xf32, #tpu.memory_space<vmem_shared>> -> memref<10240x128xf32, #tpu.memory_space<vmem_shared>>
      tpu.wait_indirect_dma semaphore(%arg43 : memref<!tpu.dma_semaphore, #tpu.memory_space<semaphore_mem>>) src(%arg26 : memref<64x128xf32, #tpu.memory_space<vmem>>) dst(%dma_wait3A_239 : memref<10240x128xf32, #tpu.memory_space<vmem_shared>>)
      %dma_wait3A_240 = arith.constant 0 : i32
      %dma_wait3A_241 = tpu.memref_slice %arg2[%dma_wait3A_240] : memref<327680xi32, #tpu.memory_space<hbm>> -> memref<64xi32, #tpu.memory_space<hbm>>
      %dma_wait3A_242 = arith.constant 0 : i32
      %dma_wait3A_243 = tpu.memref_slice %arg2[%dma_wait3A_242] : memref<327680xi32, #tpu.memory_space<hbm>> -> memref<64xi32, #tpu.memory_space<hbm>>
      tpu.wait_dma2 semaphore(%arg35 : memref<!tpu.dma_semaphore, #tpu.memory_space<semaphore_mem>>) src(%dma_wait3A_243 : memref<64xi32, #tpu.memory_space<hbm>>) dst(%arg14 : memref<64xi32, #tpu.memory_space<vmem>>)
      %dma_wait3A_244 = arith.constant 0 : i32
      %dma_wait3A_245 = tpu.memref_slice %arg3[%dma_wait3A_244] : memref<327680xi32, #tpu.memory_space<hbm>> -> memref<64xi32, #tpu.memory_space<hbm>>
      %dma_wait3A_246 = arith.constant 0 : i32
      %dma_wait3A_247 = tpu.memref_slice %arg3[%dma_wait3A_246] : memref<327680xi32, #tpu.memory_space<hbm>> -> memref<64xi32, #tpu.memory_space<hbm>>
      tpu.wait_dma2 semaphore(%arg35 : memref<!tpu.dma_semaphore, #tpu.memory_space<semaphore_mem>>) src(%dma_wait3A_247 : memref<64xi32, #tpu.memory_space<hbm>>) dst(%arg22 : memref<64xi32, #tpu.memory_space<vmem>>)
      %dma_start3A_248 = arith.constant 0 : i32
      %dma_start3A_249 = arith.constant 0 : i32
      %dma_start3A_250 = tpu.memref_slice %arg4[%dma_start3A_248, %dma_start3A_249] : memref<10240x128xf32, #tpu.memory_space<hbm>> -> memref<10240x128xf32, #tpu.memory_space<hbm>>
      tpu.enqueue_indirect_dma source(%dma_start3A_250 : memref<10240x128xf32, #tpu.memory_space<hbm>>) target(%arg26 : memref<64x128xf32, #tpu.memory_space<vmem>>) offsets(%arg14 : memref<64xi32, #tpu.memory_space<vmem>>) semaphore(%arg39 : memref<!tpu.dma_semaphore, #tpu.memory_space<semaphore_mem>>)
      %sub3A_251 = arith.constant 1 : i32
      %sub3A_252 = arith.subi %select_n3A, %sub3A_251 : i32
      %lt3A_253 = arith.cmpi slt, %while3A_87, %sub3A_252 : i32
      %convert_element_type3A_254 = arith.extui %lt3A_253 : i1 to i32
      %cond3A_255 = arith.constant 0 : i32
      %cond3A_256 = arith.cmpi ne, %convert_element_type3A_254, %cond3A_255 : i32
      scf.if %cond3A_256 {
        %mul3A_299 = arith.constant 8 : i32
        %mul3A_300 = arith.muli %while3A_87, %mul3A_299 : i32
        %add3A_301 = arith.constant 5 : i32
        %add3A_302 = arith.addi %mul3A_300, %add3A_301 : i32
        %add3A_303 = arith.constant 6 : i32
        %add3A_304 = arith.addi %add3A_302, %add3A_303 : i32
        %mul3A_305 = arith.constant 64 : i32
        %mul3A_306 = arith.muli %add3A_304, %mul3A_305 : i32
        %add3A_307 = arith.addi %select_n3A_8, %mul3A_306 : i32
        %dma_start3A_308 = tpu.memref_slice %arg2[%add3A_307] : memref<327680xi32, #tpu.memory_space<hbm>> -> memref<64xi32, #tpu.memory_space<hbm>>
        %dma_start3A_309 = tpu.memref_slice %arg2[%add3A_307] : memref<327680xi32, #tpu.memory_space<hbm>> -> memref<64xi32, #tpu.memory_space<hbm>>
        tpu.enqueue_dma source(%dma_start3A_309 : memref<64xi32, #tpu.memory_space<hbm>>) target(%arg10 : memref<64xi32, #tpu.memory_space<vmem>>) target_semaphore(%arg31 : memref<!tpu.dma_semaphore, #tpu.memory_space<semaphore_mem>>)
        %dma_start3A_310 = tpu.memref_slice %arg3[%add3A_307] : memref<327680xi32, #tpu.memory_space<hbm>> -> memref<64xi32, #tpu.memory_space<hbm>>
        %dma_start3A_311 = tpu.memref_slice %arg3[%add3A_307] : memref<327680xi32, #tpu.memory_space<hbm>> -> memref<64xi32, #tpu.memory_space<hbm>>
        tpu.enqueue_dma source(%dma_start3A_311 : memref<64xi32, #tpu.memory_space<hbm>>) target(%arg18 : memref<64xi32, #tpu.memory_space<vmem>>) target_semaphore(%arg31 : memref<!tpu.dma_semaphore, #tpu.memory_space<semaphore_mem>>)
      } else {
      }
      %dma_wait3A_257 = arith.constant 0 : i32
      %dma_wait3A_258 = arith.constant 0 : i32
      %dma_wait3A_259 = tpu.memref_slice %arg4[%dma_wait3A_257, %dma_wait3A_258] : memref<10240x128xf32, #tpu.memory_space<hbm>> -> memref<10240x128xf32, #tpu.memory_space<hbm>>
      tpu.wait_indirect_dma semaphore(%arg38 : memref<!tpu.dma_semaphore, #tpu.memory_space<semaphore_mem>>) src(%dma_wait3A_259 : memref<10240x128xf32, #tpu.memory_space<hbm>>) dst(%arg25 : memref<64x128xf32, #tpu.memory_space<vmem>>)
      %dma_start3A_260 = arith.constant 0 : i32
      %dma_start3A_261 = arith.constant 0 : i32
      %dma_start3A_262 = tpu.memref_slice %arg27[%dma_start3A_260, %dma_start3A_261] : memref<10240x128xf32, #tpu.memory_space<vmem_shared>> -> memref<10240x128xf32, #tpu.memory_space<vmem_shared>>
      tpu.enqueue_indirect_dma source(%arg25 : memref<64x128xf32, #tpu.memory_space<vmem>>) target(%dma_start3A_262 : memref<10240x128xf32, #tpu.memory_space<vmem_shared>>) offsets(%arg21 : memref<64xi32, #tpu.memory_space<vmem>>) semaphore(%arg42 : memref<!tpu.dma_semaphore, #tpu.memory_space<semaphore_mem>>) {add = true}
      %dma_wait3A_263 = arith.constant 0 : i32
      %dma_wait3A_264 = arith.constant 0 : i32
      %dma_wait3A_265 = tpu.memref_slice %arg27[%dma_wait3A_263, %dma_wait3A_264] : memref<10240x128xf32, #tpu.memory_space<vmem_shared>> -> memref<10240x128xf32, #tpu.memory_space<vmem_shared>>
      tpu.wait_indirect_dma semaphore(%arg40 : memref<!tpu.dma_semaphore, #tpu.memory_space<semaphore_mem>>) src(%arg23 : memref<64x128xf32, #tpu.memory_space<vmem>>) dst(%dma_wait3A_265 : memref<10240x128xf32, #tpu.memory_space<vmem_shared>>)
      %sub3A_266 = arith.constant 1 : i32
      %sub3A_267 = arith.subi %select_n3A, %sub3A_266 : i32
      %lt3A_268 = arith.cmpi slt, %while3A_87, %sub3A_267 : i32
      %convert_element_type3A_269 = arith.extui %lt3A_268 : i1 to i32
      %cond3A_270 = arith.constant 0 : i32
      %cond3A_271 = arith.cmpi ne, %convert_element_type3A_269, %cond3A_270 : i32
      scf.if %cond3A_271 {
        %dma_wait3A_299 = arith.constant 0 : i32
        %dma_wait3A_300 = tpu.memref_slice %arg2[%dma_wait3A_299] : memref<327680xi32, #tpu.memory_space<hbm>> -> memref<64xi32, #tpu.memory_space<hbm>>
        %dma_wait3A_301 = arith.constant 0 : i32
        %dma_wait3A_302 = tpu.memref_slice %arg2[%dma_wait3A_301] : memref<327680xi32, #tpu.memory_space<hbm>> -> memref<64xi32, #tpu.memory_space<hbm>>
        tpu.wait_dma2 semaphore(%arg28 : memref<!tpu.dma_semaphore, #tpu.memory_space<semaphore_mem>>) src(%dma_wait3A_302 : memref<64xi32, #tpu.memory_space<hbm>>) dst(%arg7 : memref<64xi32, #tpu.memory_space<vmem>>)
        %dma_wait3A_303 = arith.constant 0 : i32
        %dma_wait3A_304 = tpu.memref_slice %arg3[%dma_wait3A_303] : memref<327680xi32, #tpu.memory_space<hbm>> -> memref<64xi32, #tpu.memory_space<hbm>>
        %dma_wait3A_305 = arith.constant 0 : i32
        %dma_wait3A_306 = tpu.memref_slice %arg3[%dma_wait3A_305] : memref<327680xi32, #tpu.memory_space<hbm>> -> memref<64xi32, #tpu.memory_space<hbm>>
        tpu.wait_dma2 semaphore(%arg28 : memref<!tpu.dma_semaphore, #tpu.memory_space<semaphore_mem>>) src(%dma_wait3A_306 : memref<64xi32, #tpu.memory_space<hbm>>) dst(%arg15 : memref<64xi32, #tpu.memory_space<vmem>>)
        %dma_start3A_307 = arith.constant 0 : i32
        %dma_start3A_308 = arith.constant 0 : i32
        %dma_start3A_309 = tpu.memref_slice %arg4[%dma_start3A_307, %dma_start3A_308] : memref<10240x128xf32, #tpu.memory_space<hbm>> -> memref<10240x128xf32, #tpu.memory_space<hbm>>
        tpu.enqueue_indirect_dma source(%dma_start3A_309 : memref<10240x128xf32, #tpu.memory_space<hbm>>) target(%arg23 : memref<64x128xf32, #tpu.memory_space<vmem>>) offsets(%arg7 : memref<64xi32, #tpu.memory_space<vmem>>) semaphore(%arg36 : memref<!tpu.dma_semaphore, #tpu.memory_space<semaphore_mem>>)
      } else {
      }
      %sub3A_272 = arith.constant 1 : i32
      %sub3A_273 = arith.subi %select_n3A, %sub3A_272 : i32
      %lt3A_274 = arith.cmpi slt, %while3A_87, %sub3A_273 : i32
      %convert_element_type3A_275 = arith.extui %lt3A_274 : i1 to i32
      %cond3A_276 = arith.constant 0 : i32
      %cond3A_277 = arith.cmpi ne, %convert_element_type3A_275, %cond3A_276 : i32
      scf.if %cond3A_277 {
        %mul3A_299 = arith.constant 8 : i32
        %mul3A_300 = arith.muli %while3A_87, %mul3A_299 : i32
        %add3A_301 = arith.constant 6 : i32
        %add3A_302 = arith.addi %mul3A_300, %add3A_301 : i32
        %add3A_303 = arith.constant 6 : i32
        %add3A_304 = arith.addi %add3A_302, %add3A_303 : i32
        %mul3A_305 = arith.constant 64 : i32
        %mul3A_306 = arith.muli %add3A_304, %mul3A_305 : i32
        %add3A_307 = arith.addi %select_n3A_8, %mul3A_306 : i32
        %dma_start3A_308 = tpu.memref_slice %arg2[%add3A_307] : memref<327680xi32, #tpu.memory_space<hbm>> -> memref<64xi32, #tpu.memory_space<hbm>>
        %dma_start3A_309 = tpu.memref_slice %arg2[%add3A_307] : memref<327680xi32, #tpu.memory_space<hbm>> -> memref<64xi32, #tpu.memory_space<hbm>>
        tpu.enqueue_dma source(%dma_start3A_309 : memref<64xi32, #tpu.memory_space<hbm>>) target(%arg11 : memref<64xi32, #tpu.memory_space<vmem>>) target_semaphore(%arg32 : memref<!tpu.dma_semaphore, #tpu.memory_space<semaphore_mem>>)
        %dma_start3A_310 = tpu.memref_slice %arg3[%add3A_307] : memref<327680xi32, #tpu.memory_space<hbm>> -> memref<64xi32, #tpu.memory_space<hbm>>
        %dma_start3A_311 = tpu.memref_slice %arg3[%add3A_307] : memref<327680xi32, #tpu.memory_space<hbm>> -> memref<64xi32, #tpu.memory_space<hbm>>
        tpu.enqueue_dma source(%dma_start3A_311 : memref<64xi32, #tpu.memory_space<hbm>>) target(%arg19 : memref<64xi32, #tpu.memory_space<vmem>>) target_semaphore(%arg32 : memref<!tpu.dma_semaphore, #tpu.memory_space<semaphore_mem>>)
      } else {
      }
      %dma_wait3A_278 = arith.constant 0 : i32
      %dma_wait3A_279 = arith.constant 0 : i32
      %dma_wait3A_280 = tpu.memref_slice %arg4[%dma_wait3A_278, %dma_wait3A_279] : memref<10240x128xf32, #tpu.memory_space<hbm>> -> memref<10240x128xf32, #tpu.memory_space<hbm>>
      tpu.wait_indirect_dma semaphore(%arg39 : memref<!tpu.dma_semaphore, #tpu.memory_space<semaphore_mem>>) src(%dma_wait3A_280 : memref<10240x128xf32, #tpu.memory_space<hbm>>) dst(%arg26 : memref<64x128xf32, #tpu.memory_space<vmem>>)
      %dma_start3A_281 = arith.constant 0 : i32
      %dma_start3A_282 = arith.constant 0 : i32
      %dma_start3A_283 = tpu.memref_slice %arg27[%dma_start3A_281, %dma_start3A_282] : memref<10240x128xf32, #tpu.memory_space<vmem_shared>> -> memref<10240x128xf32, #tpu.memory_space<vmem_shared>>
      tpu.enqueue_indirect_dma source(%arg26 : memref<64x128xf32, #tpu.memory_space<vmem>>) target(%dma_start3A_283 : memref<10240x128xf32, #tpu.memory_space<vmem_shared>>) offsets(%arg22 : memref<64xi32, #tpu.memory_space<vmem>>) semaphore(%arg43 : memref<!tpu.dma_semaphore, #tpu.memory_space<semaphore_mem>>) {add = true}
      %dma_wait3A_284 = arith.constant 0 : i32
      %dma_wait3A_285 = arith.constant 0 : i32
      %dma_wait3A_286 = tpu.memref_slice %arg27[%dma_wait3A_284, %dma_wait3A_285] : memref<10240x128xf32, #tpu.memory_space<vmem_shared>> -> memref<10240x128xf32, #tpu.memory_space<vmem_shared>>
      tpu.wait_indirect_dma semaphore(%arg41 : memref<!tpu.dma_semaphore, #tpu.memory_space<semaphore_mem>>) src(%arg24 : memref<64x128xf32, #tpu.memory_space<vmem>>) dst(%dma_wait3A_286 : memref<10240x128xf32, #tpu.memory_space<vmem_shared>>)
      %sub3A_287 = arith.constant 1 : i32
      %sub3A_288 = arith.subi %select_n3A, %sub3A_287 : i32
      %lt3A_289 = arith.cmpi slt, %while3A_87, %sub3A_288 : i32
      %convert_element_type3A_290 = arith.extui %lt3A_289 : i1 to i32
      %cond3A_291 = arith.constant 0 : i32
      %cond3A_292 = arith.cmpi ne, %convert_element_type3A_290, %cond3A_291 : i32
      scf.if %cond3A_292 {
        %dma_wait3A_299 = arith.constant 0 : i32
        %dma_wait3A_300 = tpu.memref_slice %arg2[%dma_wait3A_299] : memref<327680xi32, #tpu.memory_space<hbm>> -> memref<64xi32, #tpu.memory_space<hbm>>
        %dma_wait3A_301 = arith.constant 0 : i32
        %dma_wait3A_302 = tpu.memref_slice %arg2[%dma_wait3A_301] : memref<327680xi32, #tpu.memory_space<hbm>> -> memref<64xi32, #tpu.memory_space<hbm>>
        tpu.wait_dma2 semaphore(%arg29 : memref<!tpu.dma_semaphore, #tpu.memory_space<semaphore_mem>>) src(%dma_wait3A_302 : memref<64xi32, #tpu.memory_space<hbm>>) dst(%arg8 : memref<64xi32, #tpu.memory_space<vmem>>)
        %dma_wait3A_303 = arith.constant 0 : i32
        %dma_wait3A_304 = tpu.memref_slice %arg3[%dma_wait3A_303] : memref<327680xi32, #tpu.memory_space<hbm>> -> memref<64xi32, #tpu.memory_space<hbm>>
        %dma_wait3A_305 = arith.constant 0 : i32
        %dma_wait3A_306 = tpu.memref_slice %arg3[%dma_wait3A_305] : memref<327680xi32, #tpu.memory_space<hbm>> -> memref<64xi32, #tpu.memory_space<hbm>>
        tpu.wait_dma2 semaphore(%arg29 : memref<!tpu.dma_semaphore, #tpu.memory_space<semaphore_mem>>) src(%dma_wait3A_306 : memref<64xi32, #tpu.memory_space<hbm>>) dst(%arg16 : memref<64xi32, #tpu.memory_space<vmem>>)
        %dma_start3A_307 = arith.constant 0 : i32
        %dma_start3A_308 = arith.constant 0 : i32
        %dma_start3A_309 = tpu.memref_slice %arg4[%dma_start3A_307, %dma_start3A_308] : memref<10240x128xf32, #tpu.memory_space<hbm>> -> memref<10240x128xf32, #tpu.memory_space<hbm>>
        tpu.enqueue_indirect_dma source(%dma_start3A_309 : memref<10240x128xf32, #tpu.memory_space<hbm>>) target(%arg24 : memref<64x128xf32, #tpu.memory_space<vmem>>) offsets(%arg8 : memref<64xi32, #tpu.memory_space<vmem>>) semaphore(%arg37 : memref<!tpu.dma_semaphore, #tpu.memory_space<semaphore_mem>>)
      } else {
      }
      %sub3A_293 = arith.constant 1 : i32
      %sub3A_294 = arith.subi %select_n3A, %sub3A_293 : i32
      %lt3A_295 = arith.cmpi slt, %while3A_87, %sub3A_294 : i32
      %convert_element_type3A_296 = arith.extui %lt3A_295 : i1 to i32
      %cond3A_297 = arith.constant 0 : i32
      %cond3A_298 = arith.cmpi ne, %convert_element_type3A_296, %cond3A_297 : i32
      scf.if %cond3A_298 {
        %mul3A_299 = arith.constant 8 : i32
        %mul3A_300 = arith.muli %while3A_87, %mul3A_299 : i32
        %add3A_301 = arith.constant 7 : i32
        %add3A_302 = arith.addi %mul3A_300, %add3A_301 : i32
        %add3A_303 = arith.constant 6 : i32
        %add3A_304 = arith.addi %add3A_302, %add3A_303 : i32
        %mul3A_305 = arith.constant 64 : i32
        %mul3A_306 = arith.muli %add3A_304, %mul3A_305 : i32
        %add3A_307 = arith.addi %select_n3A_8, %mul3A_306 : i32
        %dma_start3A_308 = tpu.memref_slice %arg2[%add3A_307] : memref<327680xi32, #tpu.memory_space<hbm>> -> memref<64xi32, #tpu.memory_space<hbm>>
        %dma_start3A_309 = tpu.memref_slice %arg2[%add3A_307] : memref<327680xi32, #tpu.memory_space<hbm>> -> memref<64xi32, #tpu.memory_space<hbm>>
        tpu.enqueue_dma source(%dma_start3A_309 : memref<64xi32, #tpu.memory_space<hbm>>) target(%arg12 : memref<64xi32, #tpu.memory_space<vmem>>) target_semaphore(%arg33 : memref<!tpu.dma_semaphore, #tpu.memory_space<semaphore_mem>>)
        %dma_start3A_310 = tpu.memref_slice %arg3[%add3A_307] : memref<327680xi32, #tpu.memory_space<hbm>> -> memref<64xi32, #tpu.memory_space<hbm>>
        %dma_start3A_311 = tpu.memref_slice %arg3[%add3A_307] : memref<327680xi32, #tpu.memory_space<hbm>> -> memref<64xi32, #tpu.memory_space<hbm>>
        tpu.enqueue_dma source(%dma_start3A_311 : memref<64xi32, #tpu.memory_space<hbm>>) target(%arg20 : memref<64xi32, #tpu.memory_space<vmem>>) target_semaphore(%arg33 : memref<!tpu.dma_semaphore, #tpu.memory_space<semaphore_mem>>)
      } else {
      }
    }
    %dma_wait3A_76 = arith.constant 0 : i32
    %dma_wait3A_77 = arith.constant 0 : i32
    %dma_wait3A_78 = tpu.memref_slice %arg27[%dma_wait3A_76, %dma_wait3A_77] : memref<10240x128xf32, #tpu.memory_space<vmem_shared>> -> memref<10240x128xf32, #tpu.memory_space<vmem_shared>>
    tpu.wait_indirect_dma semaphore(%arg42 : memref<!tpu.dma_semaphore, #tpu.memory_space<semaphore_mem>>) src(%arg25 : memref<64x128xf32, #tpu.memory_space<vmem>>) dst(%dma_wait3A_78 : memref<10240x128xf32, #tpu.memory_space<vmem_shared>>)
    %dma_wait3A_79 = arith.constant 0 : i32
    %dma_wait3A_80 = arith.constant 0 : i32
    %dma_wait3A_81 = tpu.memref_slice %arg27[%dma_wait3A_79, %dma_wait3A_80] : memref<10240x128xf32, #tpu.memory_space<vmem_shared>> -> memref<10240x128xf32, #tpu.memory_space<vmem_shared>>
    tpu.wait_indirect_dma semaphore(%arg43 : memref<!tpu.dma_semaphore, #tpu.memory_space<semaphore_mem>>) src(%arg26 : memref<64x128xf32, #tpu.memory_space<vmem>>) dst(%dma_wait3A_81 : memref<10240x128xf32, #tpu.memory_space<vmem_shared>>)
    %barrier3A_82 = arith.constant 0 : index
    tpu.barrier barrier_id(%barrier3A_82)
    %mul3A_83 = arith.constant 640 : i32
    %mul3A_84 = arith.muli %arg1, %mul3A_83 : i32
    %mul3A_85 = arith.constant 640 : i32
    %mul3A_86 = arith.muli %arg1, %mul3A_85 : i32
    "tpu.region"() ({
      %run_scoped3A = tpu.sem_alloc : memref<!tpu.dma_semaphore, #tpu.memory_space<semaphore_mem>>
      %dma_start3A_87 = arith.constant 0 : i32
      %dma_start3A_88 = tpu.memref_slice %arg6[%arg0, %mul3A_86, %dma_start3A_87] : memref<2x10240x128xf32, #tpu.memory_space<hbm>> -> memref<1x640x128xf32, #tpu.memory_space<hbm>>
      %dma_start3A_89 = tpu.memref_squeeze %dma_start3A_88 : memref<1x640x128xf32, #tpu.memory_space<hbm>> -> memref<640x128xf32, #tpu.memory_space<hbm>>
      %dma_start3A_90 = arith.constant 0 : i32
      %dma_start3A_91 = tpu.memref_slice %arg27[%mul3A_84, %dma_start3A_90] : memref<10240x128xf32, #tpu.memory_space<vmem_shared>> -> memref<640x128xf32, #tpu.memory_space<vmem_shared>>
      tpu.enqueue_dma source(%dma_start3A_91 : memref<640x128xf32, #tpu.memory_space<vmem_shared>>) target(%dma_start3A_89 : memref<640x128xf32, #tpu.memory_space<hbm>>) target_semaphore(%run_scoped3A : memref<!tpu.dma_semaphore, #tpu.memory_space<semaphore_mem>>)
      %dma_wait3A_92 = arith.constant 0 : i32
      %dma_wait3A_93 = tpu.memref_slice %arg6[%arg0, %mul3A_86, %dma_wait3A_92] : memref<2x10240x128xf32, #tpu.memory_space<hbm>> -> memref<1x640x128xf32, #tpu.memory_space<hbm>>
      %dma_wait3A_94 = tpu.memref_squeeze %dma_wait3A_93 : memref<1x640x128xf32, #tpu.memory_space<hbm>> -> memref<640x128xf32, #tpu.memory_space<hbm>>
      %dma_wait3A_95 = arith.constant 0 : i32
      %dma_wait3A_96 = tpu.memref_slice %arg27[%mul3A_84, %dma_wait3A_95] : memref<10240x128xf32, #tpu.memory_space<vmem_shared>> -> memref<640x128xf32, #tpu.memory_space<vmem_shared>>
      tpu.wait_dma2 semaphore(%run_scoped3A : memref<!tpu.dma_semaphore, #tpu.memory_space<semaphore_mem>>) src(%dma_wait3A_96 : memref<640x128xf32, #tpu.memory_space<vmem_shared>>) dst(%dma_wait3A_94 : memref<640x128xf32, #tpu.memory_space<hbm>>)
      tpu.yield
    }) : () -> ()
    return
  }
}

#map = affine_map<(d0, d1) -> (0)>
#map1 = affine_map<(d0, d1) -> (0, 0)>
module attributes {stable_mosaic.version = 14 : i64} {
  func.func @_deg_body(%arg0: i32, %arg1: i32, %arg2: memref<327680xi32, #tpu.memory_space<hbm>>, %arg3: memref<640xf32, #tpu.memory_space<hbm>>, %arg4: memref<64xf32, #tpu.memory_space<hbm>>, %arg5: memref<2x10240xf32, #tpu.memory_space<hbm>>, %arg6: memref<64xi32, #tpu.memory_space<vmem>>, %arg7: memref<64xi32, #tpu.memory_space<vmem>>, %arg8: memref<64xi32, #tpu.memory_space<vmem>>, %arg9: memref<64xi32, #tpu.memory_space<vmem>>, %arg10: memref<64xi32, #tpu.memory_space<vmem>>, %arg11: memref<64xi32, #tpu.memory_space<vmem>>, %arg12: memref<64xi32, #tpu.memory_space<vmem>>, %arg13: memref<64xi32, #tpu.memory_space<vmem>>, %arg14: memref<64xf32, #tpu.memory_space<vmem>>, %arg15: memref<10240xf32, #tpu.memory_space<vmem_shared>>, %arg16: memref<!tpu.dma_semaphore, #tpu.memory_space<semaphore_mem>>, %arg17: memref<!tpu.dma_semaphore, #tpu.memory_space<semaphore_mem>>, %arg18: memref<!tpu.dma_semaphore, #tpu.memory_space<semaphore_mem>>, %arg19: memref<!tpu.dma_semaphore, #tpu.memory_space<semaphore_mem>>, %arg20: memref<!tpu.dma_semaphore, #tpu.memory_space<semaphore_mem>>, %arg21: memref<!tpu.dma_semaphore, #tpu.memory_space<semaphore_mem>>, %arg22: memref<!tpu.dma_semaphore, #tpu.memory_space<semaphore_mem>>, %arg23: memref<!tpu.dma_semaphore, #tpu.memory_space<semaphore_mem>>, %arg24: memref<!tpu.dma_semaphore, #tpu.memory_space<semaphore_mem>>, %arg25: memref<!tpu.dma_semaphore, #tpu.memory_space<semaphore_mem>>, %arg26: memref<!tpu.dma_semaphore, #tpu.memory_space<semaphore_mem>>, %arg27: memref<!tpu.dma_semaphore, #tpu.memory_space<semaphore_mem>>) attributes {dimension_semantics = [#tpu.dimension_semantics<core_parallel>, #tpu.dimension_semantics<subcore_parallel>], iteration_bounds = array<i64: 2, 16>, scalar_prefetch = 0 : i64, scratch_operands = 22 : i64, tpu.core_type = #tpu.core_type<sc_vector_subcore>, window_params = [{transform_indices = #map}, {transform_indices = #map}, {transform_indices = #map}, {transform_indices = #map1}]} {
    %eq3A = arith.constant 0 : i32
    %eq3A_0 = arith.cmpi eq, %arg0, %eq3A : i32
    %jit3A = arith.constant 20 : i32
    %jit3A_1 = arith.constant 20 : i32
    %select_n3A = arith.select %eq3A_0, %jit3A, %jit3A_1 : i32
    %eq3A_2 = arith.constant 0 : i32
    %eq3A_3 = arith.cmpi eq, %arg0, %eq3A_2 : i32
    %mul3A = arith.constant 10240 : i32
    %mul3A_4 = arith.muli %arg1, %mul3A : i32
    %mul3A_5 = arith.constant 10240 : i32
    %mul3A_6 = arith.muli %arg1, %mul3A_5 : i32
    %add3A = arith.constant 163840 : i32
    %add3A_7 = arith.addi %add3A, %mul3A_6 : i32
    %select_n3A_8 = arith.select %eq3A_3, %mul3A_4, %add3A_7 : i32
    "tpu.region"() ({
      %run_scoped3A = tpu.sem_alloc : memref<!tpu.dma_semaphore, #tpu.memory_space<semaphore_mem>>
      tpu.enqueue_dma source(%arg4 : memref<64xf32, #tpu.memory_space<hbm>>) target(%arg14 : memref<64xf32, #tpu.memory_space<vmem>>) target_semaphore(%run_scoped3A : memref<!tpu.dma_semaphore, #tpu.memory_space<semaphore_mem>>)
      tpu.wait_dma2 semaphore(%run_scoped3A : memref<!tpu.dma_semaphore, #tpu.memory_space<semaphore_mem>>) src(%arg4 : memref<64xf32, #tpu.memory_space<hbm>>) dst(%arg14 : memref<64xf32, #tpu.memory_space<vmem>>)
      tpu.yield
    }) : () -> ()
    %mul3A_9 = arith.constant 640 : i32
    %mul3A_10 = arith.muli %arg1, %mul3A_9 : i32
    "tpu.region"() ({
      %run_scoped3A = tpu.sem_alloc : memref<!tpu.dma_semaphore, #tpu.memory_space<semaphore_mem>>
      %dma_start3A_47 = tpu.memref_slice %arg15[%mul3A_10] : memref<10240xf32, #tpu.memory_space<vmem_shared>> -> memref<640xf32, #tpu.memory_space<vmem_shared>>
      tpu.enqueue_dma source(%arg3 : memref<640xf32, #tpu.memory_space<hbm>>) target(%dma_start3A_47 : memref<640xf32, #tpu.memory_space<vmem_shared>>) target_semaphore(%run_scoped3A : memref<!tpu.dma_semaphore, #tpu.memory_space<semaphore_mem>>)
      %dma_wait3A_48 = tpu.memref_slice %arg15[%mul3A_10] : memref<10240xf32, #tpu.memory_space<vmem_shared>> -> memref<640xf32, #tpu.memory_space<vmem_shared>>
      tpu.wait_dma2 semaphore(%run_scoped3A : memref<!tpu.dma_semaphore, #tpu.memory_space<semaphore_mem>>) src(%arg3 : memref<640xf32, #tpu.memory_space<hbm>>) dst(%dma_wait3A_48 : memref<640xf32, #tpu.memory_space<vmem_shared>>)
      tpu.yield
    }) : () -> ()
    %add3A_11 = arith.constant 0 : i32
    %add3A_12 = arith.addi %select_n3A_8, %add3A_11 : i32
    %dma_start3A = tpu.memref_slice %arg2[%add3A_12] : memref<327680xi32, #tpu.memory_space<hbm>> -> memref<64xi32, #tpu.memory_space<hbm>>
    %dma_start3A_13 = tpu.memref_slice %arg2[%add3A_12] : memref<327680xi32, #tpu.memory_space<hbm>> -> memref<64xi32, #tpu.memory_space<hbm>>
    tpu.enqueue_dma source(%dma_start3A_13 : memref<64xi32, #tpu.memory_space<hbm>>) target(%arg6 : memref<64xi32, #tpu.memory_space<vmem>>) target_semaphore(%arg16 : memref<!tpu.dma_semaphore, #tpu.memory_space<semaphore_mem>>)
    %add3A_14 = arith.constant 64 : i32
    %add3A_15 = arith.addi %select_n3A_8, %add3A_14 : i32
    %dma_start3A_16 = tpu.memref_slice %arg2[%add3A_15] : memref<327680xi32, #tpu.memory_space<hbm>> -> memref<64xi32, #tpu.memory_space<hbm>>
    %dma_start3A_17 = tpu.memref_slice %arg2[%add3A_15] : memref<327680xi32, #tpu.memory_space<hbm>> -> memref<64xi32, #tpu.memory_space<hbm>>
    tpu.enqueue_dma source(%dma_start3A_17 : memref<64xi32, #tpu.memory_space<hbm>>) target(%arg7 : memref<64xi32, #tpu.memory_space<vmem>>) target_semaphore(%arg17 : memref<!tpu.dma_semaphore, #tpu.memory_space<semaphore_mem>>)
    %add3A_18 = arith.constant 128 : i32
    %add3A_19 = arith.addi %select_n3A_8, %add3A_18 : i32
    %dma_start3A_20 = tpu.memref_slice %arg2[%add3A_19] : memref<327680xi32, #tpu.memory_space<hbm>> -> memref<64xi32, #tpu.memory_space<hbm>>
    %dma_start3A_21 = tpu.memref_slice %arg2[%add3A_19] : memref<327680xi32, #tpu.memory_space<hbm>> -> memref<64xi32, #tpu.memory_space<hbm>>
    tpu.enqueue_dma source(%dma_start3A_21 : memref<64xi32, #tpu.memory_space<hbm>>) target(%arg8 : memref<64xi32, #tpu.memory_space<vmem>>) target_semaphore(%arg18 : memref<!tpu.dma_semaphore, #tpu.memory_space<semaphore_mem>>)
    %add3A_22 = arith.constant 192 : i32
    %add3A_23 = arith.addi %select_n3A_8, %add3A_22 : i32
    %dma_start3A_24 = tpu.memref_slice %arg2[%add3A_23] : memref<327680xi32, #tpu.memory_space<hbm>> -> memref<64xi32, #tpu.memory_space<hbm>>
    %dma_start3A_25 = tpu.memref_slice %arg2[%add3A_23] : memref<327680xi32, #tpu.memory_space<hbm>> -> memref<64xi32, #tpu.memory_space<hbm>>
    tpu.enqueue_dma source(%dma_start3A_25 : memref<64xi32, #tpu.memory_space<hbm>>) target(%arg9 : memref<64xi32, #tpu.memory_space<vmem>>) target_semaphore(%arg19 : memref<!tpu.dma_semaphore, #tpu.memory_space<semaphore_mem>>)
    %barrier3A = arith.constant 0 : index
    tpu.barrier barrier_id(%barrier3A)
    %while3A = arith.constant 0 : i32
    %while3A_26 = arith.constant 0 : i32
    %while3A_27 = arith.subi %select_n3A, %while3A_26 : i32
    %while3A_28 = arith.addi %while3A_26, %while3A_27 : i32
    %while3A_29 = arith.constant 1 : i32
    %while3A_30 = arith.divsi %while3A_27, %while3A_29 : i32
    %while3A_31 = arith.muli %while3A_30, %while3A_29 : i32
    %while3A_32 = arith.addi %while3A_26, %while3A_31 : i32
    %while3A_33 = arith.constant 1 : i32
    scf.for %while3A_47 = %while3A_26 to %while3A_32 step %while3A_33  : i32 {
      %dma_wait3A_48 = arith.constant 0 : i32
      %dma_wait3A_49 = tpu.memref_slice %arg2[%dma_wait3A_48] : memref<327680xi32, #tpu.memory_space<hbm>> -> memref<64xi32, #tpu.memory_space<hbm>>
      %dma_wait3A_50 = arith.constant 0 : i32
      %dma_wait3A_51 = tpu.memref_slice %arg2[%dma_wait3A_50] : memref<327680xi32, #tpu.memory_space<hbm>> -> memref<64xi32, #tpu.memory_space<hbm>>
      tpu.wait_dma2 semaphore(%arg16 : memref<!tpu.dma_semaphore, #tpu.memory_space<semaphore_mem>>) src(%dma_wait3A_51 : memref<64xi32, #tpu.memory_space<hbm>>) dst(%arg6 : memref<64xi32, #tpu.memory_space<vmem>>)
      %ge3A = arith.constant 1 : i32
      %ge3A_52 = arith.cmpi sge, %while3A_47, %ge3A : i32
      %convert_element_type3A = arith.extui %ge3A_52 : i1 to i32
      %cond3A = arith.constant 0 : i32
      %cond3A_53 = arith.cmpi ne, %convert_element_type3A, %cond3A : i32
      scf.if %cond3A_53 {
        %dma_wait3A_187 = arith.constant 0 : i32
        %dma_wait3A_188 = tpu.memref_slice %arg15[%dma_wait3A_187] : memref<10240xf32, #tpu.memory_space<vmem_shared>> -> memref<10240xf32, #tpu.memory_space<vmem_shared>>
        tpu.wait_indirect_dma semaphore(%arg24 : memref<!tpu.dma_semaphore, #tpu.memory_space<semaphore_mem>>) src(%arg14 : memref<64xf32, #tpu.memory_space<vmem>>) dst(%dma_wait3A_188 : memref<10240xf32, #tpu.memory_space<vmem_shared>>)
      } else {
      }
      %dma_start3A_54 = arith.constant 0 : i32
      %dma_start3A_55 = tpu.memref_slice %arg15[%dma_start3A_54] : memref<10240xf32, #tpu.memory_space<vmem_shared>> -> memref<10240xf32, #tpu.memory_space<vmem_shared>>
      tpu.enqueue_indirect_dma source(%arg14 : memref<64xf32, #tpu.memory_space<vmem>>) target(%dma_start3A_55 : memref<10240xf32, #tpu.memory_space<vmem_shared>>) offsets(%arg6 : memref<64xi32, #tpu.memory_space<vmem>>) semaphore(%arg24 : memref<!tpu.dma_semaphore, #tpu.memory_space<semaphore_mem>>) {add = true}
      %mul3A_56 = arith.constant 8 : i32
      %mul3A_57 = arith.muli %while3A_47, %mul3A_56 : i32
      %add3A_58 = arith.constant 0 : i32
      %add3A_59 = arith.addi %mul3A_57, %add3A_58 : i32
      %add3A_60 = arith.constant 4 : i32
      %add3A_61 = arith.addi %add3A_59, %add3A_60 : i32
      %mul3A_62 = arith.constant 64 : i32
      %mul3A_63 = arith.muli %add3A_61, %mul3A_62 : i32
      %add3A_64 = arith.addi %select_n3A_8, %mul3A_63 : i32
      %dma_start3A_65 = tpu.memref_slice %arg2[%add3A_64] : memref<327680xi32, #tpu.memory_space<hbm>> -> memref<64xi32, #tpu.memory_space<hbm>>
      %dma_start3A_66 = tpu.memref_slice %arg2[%add3A_64] : memref<327680xi32, #tpu.memory_space<hbm>> -> memref<64xi32, #tpu.memory_space<hbm>>
      tpu.enqueue_dma source(%dma_start3A_66 : memref<64xi32, #tpu.memory_space<hbm>>) target(%arg10 : memref<64xi32, #tpu.memory_space<vmem>>) target_semaphore(%arg20 : memref<!tpu.dma_semaphore, #tpu.memory_space<semaphore_mem>>)
      %dma_wait3A_67 = arith.constant 0 : i32
      %dma_wait3A_68 = tpu.memref_slice %arg2[%dma_wait3A_67] : memref<327680xi32, #tpu.memory_space<hbm>> -> memref<64xi32, #tpu.memory_space<hbm>>
      %dma_wait3A_69 = arith.constant 0 : i32
      %dma_wait3A_70 = tpu.memref_slice %arg2[%dma_wait3A_69] : memref<327680xi32, #tpu.memory_space<hbm>> -> memref<64xi32, #tpu.memory_space<hbm>>
      tpu.wait_dma2 semaphore(%arg17 : memref<!tpu.dma_semaphore, #tpu.memory_space<semaphore_mem>>) src(%dma_wait3A_70 : memref<64xi32, #tpu.memory_space<hbm>>) dst(%arg7 : memref<64xi32, #tpu.memory_space<vmem>>)
      %ge3A_71 = arith.constant 1 : i32
      %ge3A_72 = arith.cmpi sge, %while3A_47, %ge3A_71 : i32
      %convert_element_type3A_73 = arith.extui %ge3A_72 : i1 to i32
      %cond3A_74 = arith.constant 0 : i32
      %cond3A_75 = arith.cmpi ne, %convert_element_type3A_73, %cond3A_74 : i32
      scf.if %cond3A_75 {
        %dma_wait3A_187 = arith.constant 0 : i32
        %dma_wait3A_188 = tpu.memref_slice %arg15[%dma_wait3A_187] : memref<10240xf32, #tpu.memory_space<vmem_shared>> -> memref<10240xf32, #tpu.memory_space<vmem_shared>>
        tpu.wait_indirect_dma semaphore(%arg25 : memref<!tpu.dma_semaphore, #tpu.memory_space<semaphore_mem>>) src(%arg14 : memref<64xf32, #tpu.memory_space<vmem>>) dst(%dma_wait3A_188 : memref<10240xf32, #tpu.memory_space<vmem_shared>>)
      } else {
      }
      %dma_start3A_76 = arith.constant 0 : i32
      %dma_start3A_77 = tpu.memref_slice %arg15[%dma_start3A_76] : memref<10240xf32, #tpu.memory_space<vmem_shared>> -> memref<10240xf32, #tpu.memory_space<vmem_shared>>
      tpu.enqueue_indirect_dma source(%arg14 : memref<64xf32, #tpu.memory_space<vmem>>) target(%dma_start3A_77 : memref<10240xf32, #tpu.memory_space<vmem_shared>>) offsets(%arg7 : memref<64xi32, #tpu.memory_space<vmem>>) semaphore(%arg25 : memref<!tpu.dma_semaphore, #tpu.memory_space<semaphore_mem>>) {add = true}
      %mul3A_78 = arith.constant 8 : i32
      %mul3A_79 = arith.muli %while3A_47, %mul3A_78 : i32
      %add3A_80 = arith.constant 1 : i32
      %add3A_81 = arith.addi %mul3A_79, %add3A_80 : i32
      %add3A_82 = arith.constant 4 : i32
      %add3A_83 = arith.addi %add3A_81, %add3A_82 : i32
      %mul3A_84 = arith.constant 64 : i32
      %mul3A_85 = arith.muli %add3A_83, %mul3A_84 : i32
      %add3A_86 = arith.addi %select_n3A_8, %mul3A_85 : i32
      %dma_start3A_87 = tpu.memref_slice %arg2[%add3A_86] : memref<327680xi32, #tpu.memory_space<hbm>> -> memref<64xi32, #tpu.memory_space<hbm>>
      %dma_start3A_88 = tpu.memref_slice %arg2[%add3A_86] : memref<327680xi32, #tpu.memory_space<hbm>> -> memref<64xi32, #tpu.memory_space<hbm>>
      tpu.enqueue_dma source(%dma_start3A_88 : memref<64xi32, #tpu.memory_space<hbm>>) target(%arg11 : memref<64xi32, #tpu.memory_space<vmem>>) target_semaphore(%arg21 : memref<!tpu.dma_semaphore, #tpu.memory_space<semaphore_mem>>)
      %dma_wait3A_89 = arith.constant 0 : i32
      %dma_wait3A_90 = tpu.memref_slice %arg2[%dma_wait3A_89] : memref<327680xi32, #tpu.memory_space<hbm>> -> memref<64xi32, #tpu.memory_space<hbm>>
      %dma_wait3A_91 = arith.constant 0 : i32
      %dma_wait3A_92 = tpu.memref_slice %arg2[%dma_wait3A_91] : memref<327680xi32, #tpu.memory_space<hbm>> -> memref<64xi32, #tpu.memory_space<hbm>>
      tpu.wait_dma2 semaphore(%arg18 : memref<!tpu.dma_semaphore, #tpu.memory_space<semaphore_mem>>) src(%dma_wait3A_92 : memref<64xi32, #tpu.memory_space<hbm>>) dst(%arg8 : memref<64xi32, #tpu.memory_space<vmem>>)
      %ge3A_93 = arith.constant 1 : i32
      %ge3A_94 = arith.cmpi sge, %while3A_47, %ge3A_93 : i32
      %convert_element_type3A_95 = arith.extui %ge3A_94 : i1 to i32
      %cond3A_96 = arith.constant 0 : i32
      %cond3A_97 = arith.cmpi ne, %convert_element_type3A_95, %cond3A_96 : i32
      scf.if %cond3A_97 {
        %dma_wait3A_187 = arith.constant 0 : i32
        %dma_wait3A_188 = tpu.memref_slice %arg15[%dma_wait3A_187] : memref<10240xf32, #tpu.memory_space<vmem_shared>> -> memref<10240xf32, #tpu.memory_space<vmem_shared>>
        tpu.wait_indirect_dma semaphore(%arg26 : memref<!tpu.dma_semaphore, #tpu.memory_space<semaphore_mem>>) src(%arg14 : memref<64xf32, #tpu.memory_space<vmem>>) dst(%dma_wait3A_188 : memref<10240xf32, #tpu.memory_space<vmem_shared>>)
      } else {
      }
      %dma_start3A_98 = arith.constant 0 : i32
      %dma_start3A_99 = tpu.memref_slice %arg15[%dma_start3A_98] : memref<10240xf32, #tpu.memory_space<vmem_shared>> -> memref<10240xf32, #tpu.memory_space<vmem_shared>>
      tpu.enqueue_indirect_dma source(%arg14 : memref<64xf32, #tpu.memory_space<vmem>>) target(%dma_start3A_99 : memref<10240xf32, #tpu.memory_space<vmem_shared>>) offsets(%arg8 : memref<64xi32, #tpu.memory_space<vmem>>) semaphore(%arg26 : memref<!tpu.dma_semaphore, #tpu.memory_space<semaphore_mem>>) {add = true}
      %mul3A_100 = arith.constant 8 : i32
      %mul3A_101 = arith.muli %while3A_47, %mul3A_100 : i32
      %add3A_102 = arith.constant 2 : i32
      %add3A_103 = arith.addi %mul3A_101, %add3A_102 : i32
      %add3A_104 = arith.constant 4 : i32
      %add3A_105 = arith.addi %add3A_103, %add3A_104 : i32
      %mul3A_106 = arith.constant 64 : i32
      %mul3A_107 = arith.muli %add3A_105, %mul3A_106 : i32
      %add3A_108 = arith.addi %select_n3A_8, %mul3A_107 : i32
      %dma_start3A_109 = tpu.memref_slice %arg2[%add3A_108] : memref<327680xi32, #tpu.memory_space<hbm>> -> memref<64xi32, #tpu.memory_space<hbm>>
      %dma_start3A_110 = tpu.memref_slice %arg2[%add3A_108] : memref<327680xi32, #tpu.memory_space<hbm>> -> memref<64xi32, #tpu.memory_space<hbm>>
      tpu.enqueue_dma source(%dma_start3A_110 : memref<64xi32, #tpu.memory_space<hbm>>) target(%arg12 : memref<64xi32, #tpu.memory_space<vmem>>) target_semaphore(%arg22 : memref<!tpu.dma_semaphore, #tpu.memory_space<semaphore_mem>>)
      %dma_wait3A_111 = arith.constant 0 : i32
      %dma_wait3A_112 = tpu.memref_slice %arg2[%dma_wait3A_111] : memref<327680xi32, #tpu.memory_space<hbm>> -> memref<64xi32, #tpu.memory_space<hbm>>
      %dma_wait3A_113 = arith.constant 0 : i32
      %dma_wait3A_114 = tpu.memref_slice %arg2[%dma_wait3A_113] : memref<327680xi32, #tpu.memory_space<hbm>> -> memref<64xi32, #tpu.memory_space<hbm>>
      tpu.wait_dma2 semaphore(%arg19 : memref<!tpu.dma_semaphore, #tpu.memory_space<semaphore_mem>>) src(%dma_wait3A_114 : memref<64xi32, #tpu.memory_space<hbm>>) dst(%arg9 : memref<64xi32, #tpu.memory_space<vmem>>)
      %ge3A_115 = arith.constant 1 : i32
      %ge3A_116 = arith.cmpi sge, %while3A_47, %ge3A_115 : i32
      %convert_element_type3A_117 = arith.extui %ge3A_116 : i1 to i32
      %cond3A_118 = arith.constant 0 : i32
      %cond3A_119 = arith.cmpi ne, %convert_element_type3A_117, %cond3A_118 : i32
      scf.if %cond3A_119 {
        %dma_wait3A_187 = arith.constant 0 : i32
        %dma_wait3A_188 = tpu.memref_slice %arg15[%dma_wait3A_187] : memref<10240xf32, #tpu.memory_space<vmem_shared>> -> memref<10240xf32, #tpu.memory_space<vmem_shared>>
        tpu.wait_indirect_dma semaphore(%arg27 : memref<!tpu.dma_semaphore, #tpu.memory_space<semaphore_mem>>) src(%arg14 : memref<64xf32, #tpu.memory_space<vmem>>) dst(%dma_wait3A_188 : memref<10240xf32, #tpu.memory_space<vmem_shared>>)
      } else {
      }
      %dma_start3A_120 = arith.constant 0 : i32
      %dma_start3A_121 = tpu.memref_slice %arg15[%dma_start3A_120] : memref<10240xf32, #tpu.memory_space<vmem_shared>> -> memref<10240xf32, #tpu.memory_space<vmem_shared>>
      tpu.enqueue_indirect_dma source(%arg14 : memref<64xf32, #tpu.memory_space<vmem>>) target(%dma_start3A_121 : memref<10240xf32, #tpu.memory_space<vmem_shared>>) offsets(%arg9 : memref<64xi32, #tpu.memory_space<vmem>>) semaphore(%arg27 : memref<!tpu.dma_semaphore, #tpu.memory_space<semaphore_mem>>) {add = true}
      %mul3A_122 = arith.constant 8 : i32
      %mul3A_123 = arith.muli %while3A_47, %mul3A_122 : i32
      %add3A_124 = arith.constant 3 : i32
      %add3A_125 = arith.addi %mul3A_123, %add3A_124 : i32
      %add3A_126 = arith.constant 4 : i32
      %add3A_127 = arith.addi %add3A_125, %add3A_126 : i32
      %mul3A_128 = arith.constant 64 : i32
      %mul3A_129 = arith.muli %add3A_127, %mul3A_128 : i32
      %add3A_130 = arith.addi %select_n3A_8, %mul3A_129 : i32
      %dma_start3A_131 = tpu.memref_slice %arg2[%add3A_130] : memref<327680xi32, #tpu.memory_space<hbm>> -> memref<64xi32, #tpu.memory_space<hbm>>
      %dma_start3A_132 = tpu.memref_slice %arg2[%add3A_130] : memref<327680xi32, #tpu.memory_space<hbm>> -> memref<64xi32, #tpu.memory_space<hbm>>
      tpu.enqueue_dma source(%dma_start3A_132 : memref<64xi32, #tpu.memory_space<hbm>>) target(%arg13 : memref<64xi32, #tpu.memory_space<vmem>>) target_semaphore(%arg23 : memref<!tpu.dma_semaphore, #tpu.memory_space<semaphore_mem>>)
      %dma_wait3A_133 = arith.constant 0 : i32
      %dma_wait3A_134 = tpu.memref_slice %arg2[%dma_wait3A_133] : memref<327680xi32, #tpu.memory_space<hbm>> -> memref<64xi32, #tpu.memory_space<hbm>>
      %dma_wait3A_135 = arith.constant 0 : i32
      %dma_wait3A_136 = tpu.memref_slice %arg2[%dma_wait3A_135] : memref<327680xi32, #tpu.memory_space<hbm>> -> memref<64xi32, #tpu.memory_space<hbm>>
      tpu.wait_dma2 semaphore(%arg20 : memref<!tpu.dma_semaphore, #tpu.memory_space<semaphore_mem>>) src(%dma_wait3A_136 : memref<64xi32, #tpu.memory_space<hbm>>) dst(%arg10 : memref<64xi32, #tpu.memory_space<vmem>>)
      %dma_wait3A_137 = arith.constant 0 : i32
      %dma_wait3A_138 = tpu.memref_slice %arg15[%dma_wait3A_137] : memref<10240xf32, #tpu.memory_space<vmem_shared>> -> memref<10240xf32, #tpu.memory_space<vmem_shared>>
      tpu.wait_indirect_dma semaphore(%arg24 : memref<!tpu.dma_semaphore, #tpu.memory_space<semaphore_mem>>) src(%arg14 : memref<64xf32, #tpu.memory_space<vmem>>) dst(%dma_wait3A_138 : memref<10240xf32, #tpu.memory_space<vmem_shared>>)
      %dma_start3A_139 = arith.constant 0 : i32
      %dma_start3A_140 = tpu.memref_slice %arg15[%dma_start3A_139] : memref<10240xf32, #tpu.memory_space<vmem_shared>> -> memref<10240xf32, #tpu.memory_space<vmem_shared>>
      tpu.enqueue_indirect_dma source(%arg14 : memref<64xf32, #tpu.memory_space<vmem>>) target(%dma_start3A_140 : memref<10240xf32, #tpu.memory_space<vmem_shared>>) offsets(%arg10 : memref<64xi32, #tpu.memory_space<vmem>>) semaphore(%arg24 : memref<!tpu.dma_semaphore, #tpu.memory_space<semaphore_mem>>) {add = true}
      %sub3A = arith.constant 1 : i32
      %sub3A_141 = arith.subi %select_n3A, %sub3A : i32
      %lt3A = arith.cmpi slt, %while3A_47, %sub3A_141 : i32
      %convert_element_type3A_142 = arith.extui %lt3A : i1 to i32
      %cond3A_143 = arith.constant 0 : i32
      %cond3A_144 = arith.cmpi ne, %convert_element_type3A_142, %cond3A_143 : i32
      scf.if %cond3A_144 {
        %mul3A_187 = arith.constant 8 : i32
        %mul3A_188 = arith.muli %while3A_47, %mul3A_187 : i32
        %add3A_189 = arith.constant 4 : i32
        %add3A_190 = arith.addi %mul3A_188, %add3A_189 : i32
        %add3A_191 = arith.constant 4 : i32
        %add3A_192 = arith.addi %add3A_190, %add3A_191 : i32
        %mul3A_193 = arith.constant 64 : i32
        %mul3A_194 = arith.muli %add3A_192, %mul3A_193 : i32
        %add3A_195 = arith.addi %select_n3A_8, %mul3A_194 : i32
        %dma_start3A_196 = tpu.memref_slice %arg2[%add3A_195] : memref<327680xi32, #tpu.memory_space<hbm>> -> memref<64xi32, #tpu.memory_space<hbm>>
        %dma_start3A_197 = tpu.memref_slice %arg2[%add3A_195] : memref<327680xi32, #tpu.memory_space<hbm>> -> memref<64xi32, #tpu.memory_space<hbm>>
        tpu.enqueue_dma source(%dma_start3A_197 : memref<64xi32, #tpu.memory_space<hbm>>) target(%arg6 : memref<64xi32, #tpu.memory_space<vmem>>) target_semaphore(%arg16 : memref<!tpu.dma_semaphore, #tpu.memory_space<semaphore_mem>>)
      } else {
      }
      %dma_wait3A_145 = arith.constant 0 : i32
      %dma_wait3A_146 = tpu.memref_slice %arg2[%dma_wait3A_145] : memref<327680xi32, #tpu.memory_space<hbm>> -> memref<64xi32, #tpu.memory_space<hbm>>
      %dma_wait3A_147 = arith.constant 0 : i32
      %dma_wait3A_148 = tpu.memref_slice %arg2[%dma_wait3A_147] : memref<327680xi32, #tpu.memory_space<hbm>> -> memref<64xi32, #tpu.memory_space<hbm>>
      tpu.wait_dma2 semaphore(%arg21 : memref<!tpu.dma_semaphore, #tpu.memory_space<semaphore_mem>>) src(%dma_wait3A_148 : memref<64xi32, #tpu.memory_space<hbm>>) dst(%arg11 : memref<64xi32, #tpu.memory_space<vmem>>)
      %dma_wait3A_149 = arith.constant 0 : i32
      %dma_wait3A_150 = tpu.memref_slice %arg15[%dma_wait3A_149] : memref<10240xf32, #tpu.memory_space<vmem_shared>> -> memref<10240xf32, #tpu.memory_space<vmem_shared>>
      tpu.wait_indirect_dma semaphore(%arg25 : memref<!tpu.dma_semaphore, #tpu.memory_space<semaphore_mem>>) src(%arg14 : memref<64xf32, #tpu.memory_space<vmem>>) dst(%dma_wait3A_150 : memref<10240xf32, #tpu.memory_space<vmem_shared>>)
      %dma_start3A_151 = arith.constant 0 : i32
      %dma_start3A_152 = tpu.memref_slice %arg15[%dma_start3A_151] : memref<10240xf32, #tpu.memory_space<vmem_shared>> -> memref<10240xf32, #tpu.memory_space<vmem_shared>>
      tpu.enqueue_indirect_dma source(%arg14 : memref<64xf32, #tpu.memory_space<vmem>>) target(%dma_start3A_152 : memref<10240xf32, #tpu.memory_space<vmem_shared>>) offsets(%arg11 : memref<64xi32, #tpu.memory_space<vmem>>) semaphore(%arg25 : memref<!tpu.dma_semaphore, #tpu.memory_space<semaphore_mem>>) {add = true}
      %sub3A_153 = arith.constant 1 : i32
      %sub3A_154 = arith.subi %select_n3A, %sub3A_153 : i32
      %lt3A_155 = arith.cmpi slt, %while3A_47, %sub3A_154 : i32
      %convert_element_type3A_156 = arith.extui %lt3A_155 : i1 to i32
      %cond3A_157 = arith.constant 0 : i32
      %cond3A_158 = arith.cmpi ne, %convert_element_type3A_156, %cond3A_157 : i32
      scf.if %cond3A_158 {
        %mul3A_187 = arith.constant 8 : i32
        %mul3A_188 = arith.muli %while3A_47, %mul3A_187 : i32
        %add3A_189 = arith.constant 5 : i32
        %add3A_190 = arith.addi %mul3A_188, %add3A_189 : i32
        %add3A_191 = arith.constant 4 : i32
        %add3A_192 = arith.addi %add3A_190, %add3A_191 : i32
        %mul3A_193 = arith.constant 64 : i32
        %mul3A_194 = arith.muli %add3A_192, %mul3A_193 : i32
        %add3A_195 = arith.addi %select_n3A_8, %mul3A_194 : i32
        %dma_start3A_196 = tpu.memref_slice %arg2[%add3A_195] : memref<327680xi32, #tpu.memory_space<hbm>> -> memref<64xi32, #tpu.memory_space<hbm>>
        %dma_start3A_197 = tpu.memref_slice %arg2[%add3A_195] : memref<327680xi32, #tpu.memory_space<hbm>> -> memref<64xi32, #tpu.memory_space<hbm>>
        tpu.enqueue_dma source(%dma_start3A_197 : memref<64xi32, #tpu.memory_space<hbm>>) target(%arg7 : memref<64xi32, #tpu.memory_space<vmem>>) target_semaphore(%arg17 : memref<!tpu.dma_semaphore, #tpu.memory_space<semaphore_mem>>)
      } else {
      }
      %dma_wait3A_159 = arith.constant 0 : i32
      %dma_wait3A_160 = tpu.memref_slice %arg2[%dma_wait3A_159] : memref<327680xi32, #tpu.memory_space<hbm>> -> memref<64xi32, #tpu.memory_space<hbm>>
      %dma_wait3A_161 = arith.constant 0 : i32
      %dma_wait3A_162 = tpu.memref_slice %arg2[%dma_wait3A_161] : memref<327680xi32, #tpu.memory_space<hbm>> -> memref<64xi32, #tpu.memory_space<hbm>>
      tpu.wait_dma2 semaphore(%arg22 : memref<!tpu.dma_semaphore, #tpu.memory_space<semaphore_mem>>) src(%dma_wait3A_162 : memref<64xi32, #tpu.memory_space<hbm>>) dst(%arg12 : memref<64xi32, #tpu.memory_space<vmem>>)
      %dma_wait3A_163 = arith.constant 0 : i32
      %dma_wait3A_164 = tpu.memref_slice %arg15[%dma_wait3A_163] : memref<10240xf32, #tpu.memory_space<vmem_shared>> -> memref<10240xf32, #tpu.memory_space<vmem_shared>>
      tpu.wait_indirect_dma semaphore(%arg26 : memref<!tpu.dma_semaphore, #tpu.memory_space<semaphore_mem>>) src(%arg14 : memref<64xf32, #tpu.memory_space<vmem>>) dst(%dma_wait3A_164 : memref<10240xf32, #tpu.memory_space<vmem_shared>>)
      %dma_start3A_165 = arith.constant 0 : i32
      %dma_start3A_166 = tpu.memref_slice %arg15[%dma_start3A_165] : memref<10240xf32, #tpu.memory_space<vmem_shared>> -> memref<10240xf32, #tpu.memory_space<vmem_shared>>
      tpu.enqueue_indirect_dma source(%arg14 : memref<64xf32, #tpu.memory_space<vmem>>) target(%dma_start3A_166 : memref<10240xf32, #tpu.memory_space<vmem_shared>>) offsets(%arg12 : memref<64xi32, #tpu.memory_space<vmem>>) semaphore(%arg26 : memref<!tpu.dma_semaphore, #tpu.memory_space<semaphore_mem>>) {add = true}
      %sub3A_167 = arith.constant 1 : i32
      %sub3A_168 = arith.subi %select_n3A, %sub3A_167 : i32
      %lt3A_169 = arith.cmpi slt, %while3A_47, %sub3A_168 : i32
      %convert_element_type3A_170 = arith.extui %lt3A_169 : i1 to i32
      %cond3A_171 = arith.constant 0 : i32
      %cond3A_172 = arith.cmpi ne, %convert_element_type3A_170, %cond3A_171 : i32
      scf.if %cond3A_172 {
        %mul3A_187 = arith.constant 8 : i32
        %mul3A_188 = arith.muli %while3A_47, %mul3A_187 : i32
        %add3A_189 = arith.constant 6 : i32
        %add3A_190 = arith.addi %mul3A_188, %add3A_189 : i32
        %add3A_191 = arith.constant 4 : i32
        %add3A_192 = arith.addi %add3A_190, %add3A_191 : i32
        %mul3A_193 = arith.constant 64 : i32
        %mul3A_194 = arith.muli %add3A_192, %mul3A_193 : i32
        %add3A_195 = arith.addi %select_n3A_8, %mul3A_194 : i32
        %dma_start3A_196 = tpu.memref_slice %arg2[%add3A_195] : memref<327680xi32, #tpu.memory_space<hbm>> -> memref<64xi32, #tpu.memory_space<hbm>>
        %dma_start3A_197 = tpu.memref_slice %arg2[%add3A_195] : memref<327680xi32, #tpu.memory_space<hbm>> -> memref<64xi32, #tpu.memory_space<hbm>>
        tpu.enqueue_dma source(%dma_start3A_197 : memref<64xi32, #tpu.memory_space<hbm>>) target(%arg8 : memref<64xi32, #tpu.memory_space<vmem>>) target_semaphore(%arg18 : memref<!tpu.dma_semaphore, #tpu.memory_space<semaphore_mem>>)
      } else {
      }
      %dma_wait3A_173 = arith.constant 0 : i32
      %dma_wait3A_174 = tpu.memref_slice %arg2[%dma_wait3A_173] : memref<327680xi32, #tpu.memory_space<hbm>> -> memref<64xi32, #tpu.memory_space<hbm>>
      %dma_wait3A_175 = arith.constant 0 : i32
      %dma_wait3A_176 = tpu.memref_slice %arg2[%dma_wait3A_175] : memref<327680xi32, #tpu.memory_space<hbm>> -> memref<64xi32, #tpu.memory_space<hbm>>
      tpu.wait_dma2 semaphore(%arg23 : memref<!tpu.dma_semaphore, #tpu.memory_space<semaphore_mem>>) src(%dma_wait3A_176 : memref<64xi32, #tpu.memory_space<hbm>>) dst(%arg13 : memref<64xi32, #tpu.memory_space<vmem>>)
      %dma_wait3A_177 = arith.constant 0 : i32
      %dma_wait3A_178 = tpu.memref_slice %arg15[%dma_wait3A_177] : memref<10240xf32, #tpu.memory_space<vmem_shared>> -> memref<10240xf32, #tpu.memory_space<vmem_shared>>
      tpu.wait_indirect_dma semaphore(%arg27 : memref<!tpu.dma_semaphore, #tpu.memory_space<semaphore_mem>>) src(%arg14 : memref<64xf32, #tpu.memory_space<vmem>>) dst(%dma_wait3A_178 : memref<10240xf32, #tpu.memory_space<vmem_shared>>)
      %dma_start3A_179 = arith.constant 0 : i32
      %dma_start3A_180 = tpu.memref_slice %arg15[%dma_start3A_179] : memref<10240xf32, #tpu.memory_space<vmem_shared>> -> memref<10240xf32, #tpu.memory_space<vmem_shared>>
      tpu.enqueue_indirect_dma source(%arg14 : memref<64xf32, #tpu.memory_space<vmem>>) target(%dma_start3A_180 : memref<10240xf32, #tpu.memory_space<vmem_shared>>) offsets(%arg13 : memref<64xi32, #tpu.memory_space<vmem>>) semaphore(%arg27 : memref<!tpu.dma_semaphore, #tpu.memory_space<semaphore_mem>>) {add = true}
      %sub3A_181 = arith.constant 1 : i32
      %sub3A_182 = arith.subi %select_n3A, %sub3A_181 : i32
      %lt3A_183 = arith.cmpi slt, %while3A_47, %sub3A_182 : i32
      %convert_element_type3A_184 = arith.extui %lt3A_183 : i1 to i32
      %cond3A_185 = arith.constant 0 : i32
      %cond3A_186 = arith.cmpi ne, %convert_element_type3A_184, %cond3A_185 : i32
      scf.if %cond3A_186 {
        %mul3A_187 = arith.constant 8 : i32
        %mul3A_188 = arith.muli %while3A_47, %mul3A_187 : i32
        %add3A_189 = arith.constant 7 : i32
        %add3A_190 = arith.addi %mul3A_188, %add3A_189 : i32
        %add3A_191 = arith.constant 4 : i32
        %add3A_192 = arith.addi %add3A_190, %add3A_191 : i32
        %mul3A_193 = arith.constant 64 : i32
        %mul3A_194 = arith.muli %add3A_192, %mul3A_193 : i32
        %add3A_195 = arith.addi %select_n3A_8, %mul3A_194 : i32
        %dma_start3A_196 = tpu.memref_slice %arg2[%add3A_195] : memref<327680xi32, #tpu.memory_space<hbm>> -> memref<64xi32, #tpu.memory_space<hbm>>
        %dma_start3A_197 = tpu.memref_slice %arg2[%add3A_195] : memref<327680xi32, #tpu.memory_space<hbm>> -> memref<64xi32, #tpu.memory_space<hbm>>
        tpu.enqueue_dma source(%dma_start3A_197 : memref<64xi32, #tpu.memory_space<hbm>>) target(%arg9 : memref<64xi32, #tpu.memory_space<vmem>>) target_semaphore(%arg19 : memref<!tpu.dma_semaphore, #tpu.memory_space<semaphore_mem>>)
      } else {
      }
    }
    %while3A_34 = arith.constant 1 : i32
    scf.for %while3A_47 = %while3A_32 to %while3A_28 step %while3A_34  : i32 {
      %dma_wait3A_48 = arith.constant 0 : i32
      %dma_wait3A_49 = tpu.memref_slice %arg2[%dma_wait3A_48] : memref<327680xi32, #tpu.memory_space<hbm>> -> memref<64xi32, #tpu.memory_space<hbm>>
      %dma_wait3A_50 = arith.constant 0 : i32
      %dma_wait3A_51 = tpu.memref_slice %arg2[%dma_wait3A_50] : memref<327680xi32, #tpu.memory_space<hbm>> -> memref<64xi32, #tpu.memory_space<hbm>>
      tpu.wait_dma2 semaphore(%arg16 : memref<!tpu.dma_semaphore, #tpu.memory_space<semaphore_mem>>) src(%dma_wait3A_51 : memref<64xi32, #tpu.memory_space<hbm>>) dst(%arg6 : memref<64xi32, #tpu.memory_space<vmem>>)
      %ge3A = arith.constant 1 : i32
      %ge3A_52 = arith.cmpi sge, %while3A_47, %ge3A : i32
      %convert_element_type3A = arith.extui %ge3A_52 : i1 to i32
      %cond3A = arith.constant 0 : i32
      %cond3A_53 = arith.cmpi ne, %convert_element_type3A, %cond3A : i32
      scf.if %cond3A_53 {
        %dma_wait3A_187 = arith.constant 0 : i32
        %dma_wait3A_188 = tpu.memref_slice %arg15[%dma_wait3A_187] : memref<10240xf32, #tpu.memory_space<vmem_shared>> -> memref<10240xf32, #tpu.memory_space<vmem_shared>>
        tpu.wait_indirect_dma semaphore(%arg24 : memref<!tpu.dma_semaphore, #tpu.memory_space<semaphore_mem>>) src(%arg14 : memref<64xf32, #tpu.memory_space<vmem>>) dst(%dma_wait3A_188 : memref<10240xf32, #tpu.memory_space<vmem_shared>>)
      } else {
      }
      %dma_start3A_54 = arith.constant 0 : i32
      %dma_start3A_55 = tpu.memref_slice %arg15[%dma_start3A_54] : memref<10240xf32, #tpu.memory_space<vmem_shared>> -> memref<10240xf32, #tpu.memory_space<vmem_shared>>
      tpu.enqueue_indirect_dma source(%arg14 : memref<64xf32, #tpu.memory_space<vmem>>) target(%dma_start3A_55 : memref<10240xf32, #tpu.memory_space<vmem_shared>>) offsets(%arg6 : memref<64xi32, #tpu.memory_space<vmem>>) semaphore(%arg24 : memref<!tpu.dma_semaphore, #tpu.memory_space<semaphore_mem>>) {add = true}
      %mul3A_56 = arith.constant 8 : i32
      %mul3A_57 = arith.muli %while3A_47, %mul3A_56 : i32
      %add3A_58 = arith.constant 0 : i32
      %add3A_59 = arith.addi %mul3A_57, %add3A_58 : i32
      %add3A_60 = arith.constant 4 : i32
      %add3A_61 = arith.addi %add3A_59, %add3A_60 : i32
      %mul3A_62 = arith.constant 64 : i32
      %mul3A_63 = arith.muli %add3A_61, %mul3A_62 : i32
      %add3A_64 = arith.addi %select_n3A_8, %mul3A_63 : i32
      %dma_start3A_65 = tpu.memref_slice %arg2[%add3A_64] : memref<327680xi32, #tpu.memory_space<hbm>> -> memref<64xi32, #tpu.memory_space<hbm>>
      %dma_start3A_66 = tpu.memref_slice %arg2[%add3A_64] : memref<327680xi32, #tpu.memory_space<hbm>> -> memref<64xi32, #tpu.memory_space<hbm>>
      tpu.enqueue_dma source(%dma_start3A_66 : memref<64xi32, #tpu.memory_space<hbm>>) target(%arg10 : memref<64xi32, #tpu.memory_space<vmem>>) target_semaphore(%arg20 : memref<!tpu.dma_semaphore, #tpu.memory_space<semaphore_mem>>)
      %dma_wait3A_67 = arith.constant 0 : i32
      %dma_wait3A_68 = tpu.memref_slice %arg2[%dma_wait3A_67] : memref<327680xi32, #tpu.memory_space<hbm>> -> memref<64xi32, #tpu.memory_space<hbm>>
      %dma_wait3A_69 = arith.constant 0 : i32
      %dma_wait3A_70 = tpu.memref_slice %arg2[%dma_wait3A_69] : memref<327680xi32, #tpu.memory_space<hbm>> -> memref<64xi32, #tpu.memory_space<hbm>>
      tpu.wait_dma2 semaphore(%arg17 : memref<!tpu.dma_semaphore, #tpu.memory_space<semaphore_mem>>) src(%dma_wait3A_70 : memref<64xi32, #tpu.memory_space<hbm>>) dst(%arg7 : memref<64xi32, #tpu.memory_space<vmem>>)
      %ge3A_71 = arith.constant 1 : i32
      %ge3A_72 = arith.cmpi sge, %while3A_47, %ge3A_71 : i32
      %convert_element_type3A_73 = arith.extui %ge3A_72 : i1 to i32
      %cond3A_74 = arith.constant 0 : i32
      %cond3A_75 = arith.cmpi ne, %convert_element_type3A_73, %cond3A_74 : i32
      scf.if %cond3A_75 {
        %dma_wait3A_187 = arith.constant 0 : i32
        %dma_wait3A_188 = tpu.memref_slice %arg15[%dma_wait3A_187] : memref<10240xf32, #tpu.memory_space<vmem_shared>> -> memref<10240xf32, #tpu.memory_space<vmem_shared>>
        tpu.wait_indirect_dma semaphore(%arg25 : memref<!tpu.dma_semaphore, #tpu.memory_space<semaphore_mem>>) src(%arg14 : memref<64xf32, #tpu.memory_space<vmem>>) dst(%dma_wait3A_188 : memref<10240xf32, #tpu.memory_space<vmem_shared>>)
      } else {
      }
      %dma_start3A_76 = arith.constant 0 : i32
      %dma_start3A_77 = tpu.memref_slice %arg15[%dma_start3A_76] : memref<10240xf32, #tpu.memory_space<vmem_shared>> -> memref<10240xf32, #tpu.memory_space<vmem_shared>>
      tpu.enqueue_indirect_dma source(%arg14 : memref<64xf32, #tpu.memory_space<vmem>>) target(%dma_start3A_77 : memref<10240xf32, #tpu.memory_space<vmem_shared>>) offsets(%arg7 : memref<64xi32, #tpu.memory_space<vmem>>) semaphore(%arg25 : memref<!tpu.dma_semaphore, #tpu.memory_space<semaphore_mem>>) {add = true}
      %mul3A_78 = arith.constant 8 : i32
      %mul3A_79 = arith.muli %while3A_47, %mul3A_78 : i32
      %add3A_80 = arith.constant 1 : i32
      %add3A_81 = arith.addi %mul3A_79, %add3A_80 : i32
      %add3A_82 = arith.constant 4 : i32
      %add3A_83 = arith.addi %add3A_81, %add3A_82 : i32
      %mul3A_84 = arith.constant 64 : i32
      %mul3A_85 = arith.muli %add3A_83, %mul3A_84 : i32
      %add3A_86 = arith.addi %select_n3A_8, %mul3A_85 : i32
      %dma_start3A_87 = tpu.memref_slice %arg2[%add3A_86] : memref<327680xi32, #tpu.memory_space<hbm>> -> memref<64xi32, #tpu.memory_space<hbm>>
      %dma_start3A_88 = tpu.memref_slice %arg2[%add3A_86] : memref<327680xi32, #tpu.memory_space<hbm>> -> memref<64xi32, #tpu.memory_space<hbm>>
      tpu.enqueue_dma source(%dma_start3A_88 : memref<64xi32, #tpu.memory_space<hbm>>) target(%arg11 : memref<64xi32, #tpu.memory_space<vmem>>) target_semaphore(%arg21 : memref<!tpu.dma_semaphore, #tpu.memory_space<semaphore_mem>>)
      %dma_wait3A_89 = arith.constant 0 : i32
      %dma_wait3A_90 = tpu.memref_slice %arg2[%dma_wait3A_89] : memref<327680xi32, #tpu.memory_space<hbm>> -> memref<64xi32, #tpu.memory_space<hbm>>
      %dma_wait3A_91 = arith.constant 0 : i32
      %dma_wait3A_92 = tpu.memref_slice %arg2[%dma_wait3A_91] : memref<327680xi32, #tpu.memory_space<hbm>> -> memref<64xi32, #tpu.memory_space<hbm>>
      tpu.wait_dma2 semaphore(%arg18 : memref<!tpu.dma_semaphore, #tpu.memory_space<semaphore_mem>>) src(%dma_wait3A_92 : memref<64xi32, #tpu.memory_space<hbm>>) dst(%arg8 : memref<64xi32, #tpu.memory_space<vmem>>)
      %ge3A_93 = arith.constant 1 : i32
      %ge3A_94 = arith.cmpi sge, %while3A_47, %ge3A_93 : i32
      %convert_element_type3A_95 = arith.extui %ge3A_94 : i1 to i32
      %cond3A_96 = arith.constant 0 : i32
      %cond3A_97 = arith.cmpi ne, %convert_element_type3A_95, %cond3A_96 : i32
      scf.if %cond3A_97 {
        %dma_wait3A_187 = arith.constant 0 : i32
        %dma_wait3A_188 = tpu.memref_slice %arg15[%dma_wait3A_187] : memref<10240xf32, #tpu.memory_space<vmem_shared>> -> memref<10240xf32, #tpu.memory_space<vmem_shared>>
        tpu.wait_indirect_dma semaphore(%arg26 : memref<!tpu.dma_semaphore, #tpu.memory_space<semaphore_mem>>) src(%arg14 : memref<64xf32, #tpu.memory_space<vmem>>) dst(%dma_wait3A_188 : memref<10240xf32, #tpu.memory_space<vmem_shared>>)
      } else {
      }
      %dma_start3A_98 = arith.constant 0 : i32
      %dma_start3A_99 = tpu.memref_slice %arg15[%dma_start3A_98] : memref<10240xf32, #tpu.memory_space<vmem_shared>> -> memref<10240xf32, #tpu.memory_space<vmem_shared>>
      tpu.enqueue_indirect_dma source(%arg14 : memref<64xf32, #tpu.memory_space<vmem>>) target(%dma_start3A_99 : memref<10240xf32, #tpu.memory_space<vmem_shared>>) offsets(%arg8 : memref<64xi32, #tpu.memory_space<vmem>>) semaphore(%arg26 : memref<!tpu.dma_semaphore, #tpu.memory_space<semaphore_mem>>) {add = true}
      %mul3A_100 = arith.constant 8 : i32
      %mul3A_101 = arith.muli %while3A_47, %mul3A_100 : i32
      %add3A_102 = arith.constant 2 : i32
      %add3A_103 = arith.addi %mul3A_101, %add3A_102 : i32
      %add3A_104 = arith.constant 4 : i32
      %add3A_105 = arith.addi %add3A_103, %add3A_104 : i32
      %mul3A_106 = arith.constant 64 : i32
      %mul3A_107 = arith.muli %add3A_105, %mul3A_106 : i32
      %add3A_108 = arith.addi %select_n3A_8, %mul3A_107 : i32
      %dma_start3A_109 = tpu.memref_slice %arg2[%add3A_108] : memref<327680xi32, #tpu.memory_space<hbm>> -> memref<64xi32, #tpu.memory_space<hbm>>
      %dma_start3A_110 = tpu.memref_slice %arg2[%add3A_108] : memref<327680xi32, #tpu.memory_space<hbm>> -> memref<64xi32, #tpu.memory_space<hbm>>
      tpu.enqueue_dma source(%dma_start3A_110 : memref<64xi32, #tpu.memory_space<hbm>>) target(%arg12 : memref<64xi32, #tpu.memory_space<vmem>>) target_semaphore(%arg22 : memref<!tpu.dma_semaphore, #tpu.memory_space<semaphore_mem>>)
      %dma_wait3A_111 = arith.constant 0 : i32
      %dma_wait3A_112 = tpu.memref_slice %arg2[%dma_wait3A_111] : memref<327680xi32, #tpu.memory_space<hbm>> -> memref<64xi32, #tpu.memory_space<hbm>>
      %dma_wait3A_113 = arith.constant 0 : i32
      %dma_wait3A_114 = tpu.memref_slice %arg2[%dma_wait3A_113] : memref<327680xi32, #tpu.memory_space<hbm>> -> memref<64xi32, #tpu.memory_space<hbm>>
      tpu.wait_dma2 semaphore(%arg19 : memref<!tpu.dma_semaphore, #tpu.memory_space<semaphore_mem>>) src(%dma_wait3A_114 : memref<64xi32, #tpu.memory_space<hbm>>) dst(%arg9 : memref<64xi32, #tpu.memory_space<vmem>>)
      %ge3A_115 = arith.constant 1 : i32
      %ge3A_116 = arith.cmpi sge, %while3A_47, %ge3A_115 : i32
      %convert_element_type3A_117 = arith.extui %ge3A_116 : i1 to i32
      %cond3A_118 = arith.constant 0 : i32
      %cond3A_119 = arith.cmpi ne, %convert_element_type3A_117, %cond3A_118 : i32
      scf.if %cond3A_119 {
        %dma_wait3A_187 = arith.constant 0 : i32
        %dma_wait3A_188 = tpu.memref_slice %arg15[%dma_wait3A_187] : memref<10240xf32, #tpu.memory_space<vmem_shared>> -> memref<10240xf32, #tpu.memory_space<vmem_shared>>
        tpu.wait_indirect_dma semaphore(%arg27 : memref<!tpu.dma_semaphore, #tpu.memory_space<semaphore_mem>>) src(%arg14 : memref<64xf32, #tpu.memory_space<vmem>>) dst(%dma_wait3A_188 : memref<10240xf32, #tpu.memory_space<vmem_shared>>)
      } else {
      }
      %dma_start3A_120 = arith.constant 0 : i32
      %dma_start3A_121 = tpu.memref_slice %arg15[%dma_start3A_120] : memref<10240xf32, #tpu.memory_space<vmem_shared>> -> memref<10240xf32, #tpu.memory_space<vmem_shared>>
      tpu.enqueue_indirect_dma source(%arg14 : memref<64xf32, #tpu.memory_space<vmem>>) target(%dma_start3A_121 : memref<10240xf32, #tpu.memory_space<vmem_shared>>) offsets(%arg9 : memref<64xi32, #tpu.memory_space<vmem>>) semaphore(%arg27 : memref<!tpu.dma_semaphore, #tpu.memory_space<semaphore_mem>>) {add = true}
      %mul3A_122 = arith.constant 8 : i32
      %mul3A_123 = arith.muli %while3A_47, %mul3A_122 : i32
      %add3A_124 = arith.constant 3 : i32
      %add3A_125 = arith.addi %mul3A_123, %add3A_124 : i32
      %add3A_126 = arith.constant 4 : i32
      %add3A_127 = arith.addi %add3A_125, %add3A_126 : i32
      %mul3A_128 = arith.constant 64 : i32
      %mul3A_129 = arith.muli %add3A_127, %mul3A_128 : i32
      %add3A_130 = arith.addi %select_n3A_8, %mul3A_129 : i32
      %dma_start3A_131 = tpu.memref_slice %arg2[%add3A_130] : memref<327680xi32, #tpu.memory_space<hbm>> -> memref<64xi32, #tpu.memory_space<hbm>>
      %dma_start3A_132 = tpu.memref_slice %arg2[%add3A_130] : memref<327680xi32, #tpu.memory_space<hbm>> -> memref<64xi32, #tpu.memory_space<hbm>>
      tpu.enqueue_dma source(%dma_start3A_132 : memref<64xi32, #tpu.memory_space<hbm>>) target(%arg13 : memref<64xi32, #tpu.memory_space<vmem>>) target_semaphore(%arg23 : memref<!tpu.dma_semaphore, #tpu.memory_space<semaphore_mem>>)
      %dma_wait3A_133 = arith.constant 0 : i32
      %dma_wait3A_134 = tpu.memref_slice %arg2[%dma_wait3A_133] : memref<327680xi32, #tpu.memory_space<hbm>> -> memref<64xi32, #tpu.memory_space<hbm>>
      %dma_wait3A_135 = arith.constant 0 : i32
      %dma_wait3A_136 = tpu.memref_slice %arg2[%dma_wait3A_135] : memref<327680xi32, #tpu.memory_space<hbm>> -> memref<64xi32, #tpu.memory_space<hbm>>
      tpu.wait_dma2 semaphore(%arg20 : memref<!tpu.dma_semaphore, #tpu.memory_space<semaphore_mem>>) src(%dma_wait3A_136 : memref<64xi32, #tpu.memory_space<hbm>>) dst(%arg10 : memref<64xi32, #tpu.memory_space<vmem>>)
      %dma_wait3A_137 = arith.constant 0 : i32
      %dma_wait3A_138 = tpu.memref_slice %arg15[%dma_wait3A_137] : memref<10240xf32, #tpu.memory_space<vmem_shared>> -> memref<10240xf32, #tpu.memory_space<vmem_shared>>
      tpu.wait_indirect_dma semaphore(%arg24 : memref<!tpu.dma_semaphore, #tpu.memory_space<semaphore_mem>>) src(%arg14 : memref<64xf32, #tpu.memory_space<vmem>>) dst(%dma_wait3A_138 : memref<10240xf32, #tpu.memory_space<vmem_shared>>)
      %dma_start3A_139 = arith.constant 0 : i32
      %dma_start3A_140 = tpu.memref_slice %arg15[%dma_start3A_139] : memref<10240xf32, #tpu.memory_space<vmem_shared>> -> memref<10240xf32, #tpu.memory_space<vmem_shared>>
      tpu.enqueue_indirect_dma source(%arg14 : memref<64xf32, #tpu.memory_space<vmem>>) target(%dma_start3A_140 : memref<10240xf32, #tpu.memory_space<vmem_shared>>) offsets(%arg10 : memref<64xi32, #tpu.memory_space<vmem>>) semaphore(%arg24 : memref<!tpu.dma_semaphore, #tpu.memory_space<semaphore_mem>>) {add = true}
      %sub3A = arith.constant 1 : i32
      %sub3A_141 = arith.subi %select_n3A, %sub3A : i32
      %lt3A = arith.cmpi slt, %while3A_47, %sub3A_141 : i32
      %convert_element_type3A_142 = arith.extui %lt3A : i1 to i32
      %cond3A_143 = arith.constant 0 : i32
      %cond3A_144 = arith.cmpi ne, %convert_element_type3A_142, %cond3A_143 : i32
      scf.if %cond3A_144 {
        %mul3A_187 = arith.constant 8 : i32
        %mul3A_188 = arith.muli %while3A_47, %mul3A_187 : i32
        %add3A_189 = arith.constant 4 : i32
        %add3A_190 = arith.addi %mul3A_188, %add3A_189 : i32
        %add3A_191 = arith.constant 4 : i32
        %add3A_192 = arith.addi %add3A_190, %add3A_191 : i32
        %mul3A_193 = arith.constant 64 : i32
        %mul3A_194 = arith.muli %add3A_192, %mul3A_193 : i32
        %add3A_195 = arith.addi %select_n3A_8, %mul3A_194 : i32
        %dma_start3A_196 = tpu.memref_slice %arg2[%add3A_195] : memref<327680xi32, #tpu.memory_space<hbm>> -> memref<64xi32, #tpu.memory_space<hbm>>
        %dma_start3A_197 = tpu.memref_slice %arg2[%add3A_195] : memref<327680xi32, #tpu.memory_space<hbm>> -> memref<64xi32, #tpu.memory_space<hbm>>
        tpu.enqueue_dma source(%dma_start3A_197 : memref<64xi32, #tpu.memory_space<hbm>>) target(%arg6 : memref<64xi32, #tpu.memory_space<vmem>>) target_semaphore(%arg16 : memref<!tpu.dma_semaphore, #tpu.memory_space<semaphore_mem>>)
      } else {
      }
      %dma_wait3A_145 = arith.constant 0 : i32
      %dma_wait3A_146 = tpu.memref_slice %arg2[%dma_wait3A_145] : memref<327680xi32, #tpu.memory_space<hbm>> -> memref<64xi32, #tpu.memory_space<hbm>>
      %dma_wait3A_147 = arith.constant 0 : i32
      %dma_wait3A_148 = tpu.memref_slice %arg2[%dma_wait3A_147] : memref<327680xi32, #tpu.memory_space<hbm>> -> memref<64xi32, #tpu.memory_space<hbm>>
      tpu.wait_dma2 semaphore(%arg21 : memref<!tpu.dma_semaphore, #tpu.memory_space<semaphore_mem>>) src(%dma_wait3A_148 : memref<64xi32, #tpu.memory_space<hbm>>) dst(%arg11 : memref<64xi32, #tpu.memory_space<vmem>>)
      %dma_wait3A_149 = arith.constant 0 : i32
      %dma_wait3A_150 = tpu.memref_slice %arg15[%dma_wait3A_149] : memref<10240xf32, #tpu.memory_space<vmem_shared>> -> memref<10240xf32, #tpu.memory_space<vmem_shared>>
      tpu.wait_indirect_dma semaphore(%arg25 : memref<!tpu.dma_semaphore, #tpu.memory_space<semaphore_mem>>) src(%arg14 : memref<64xf32, #tpu.memory_space<vmem>>) dst(%dma_wait3A_150 : memref<10240xf32, #tpu.memory_space<vmem_shared>>)
      %dma_start3A_151 = arith.constant 0 : i32
      %dma_start3A_152 = tpu.memref_slice %arg15[%dma_start3A_151] : memref<10240xf32, #tpu.memory_space<vmem_shared>> -> memref<10240xf32, #tpu.memory_space<vmem_shared>>
      tpu.enqueue_indirect_dma source(%arg14 : memref<64xf32, #tpu.memory_space<vmem>>) target(%dma_start3A_152 : memref<10240xf32, #tpu.memory_space<vmem_shared>>) offsets(%arg11 : memref<64xi32, #tpu.memory_space<vmem>>) semaphore(%arg25 : memref<!tpu.dma_semaphore, #tpu.memory_space<semaphore_mem>>) {add = true}
      %sub3A_153 = arith.constant 1 : i32
      %sub3A_154 = arith.subi %select_n3A, %sub3A_153 : i32
      %lt3A_155 = arith.cmpi slt, %while3A_47, %sub3A_154 : i32
      %convert_element_type3A_156 = arith.extui %lt3A_155 : i1 to i32
      %cond3A_157 = arith.constant 0 : i32
      %cond3A_158 = arith.cmpi ne, %convert_element_type3A_156, %cond3A_157 : i32
      scf.if %cond3A_158 {
        %mul3A_187 = arith.constant 8 : i32
        %mul3A_188 = arith.muli %while3A_47, %mul3A_187 : i32
        %add3A_189 = arith.constant 5 : i32
        %add3A_190 = arith.addi %mul3A_188, %add3A_189 : i32
        %add3A_191 = arith.constant 4 : i32
        %add3A_192 = arith.addi %add3A_190, %add3A_191 : i32
        %mul3A_193 = arith.constant 64 : i32
        %mul3A_194 = arith.muli %add3A_192, %mul3A_193 : i32
        %add3A_195 = arith.addi %select_n3A_8, %mul3A_194 : i32
        %dma_start3A_196 = tpu.memref_slice %arg2[%add3A_195] : memref<327680xi32, #tpu.memory_space<hbm>> -> memref<64xi32, #tpu.memory_space<hbm>>
        %dma_start3A_197 = tpu.memref_slice %arg2[%add3A_195] : memref<327680xi32, #tpu.memory_space<hbm>> -> memref<64xi32, #tpu.memory_space<hbm>>
        tpu.enqueue_dma source(%dma_start3A_197 : memref<64xi32, #tpu.memory_space<hbm>>) target(%arg7 : memref<64xi32, #tpu.memory_space<vmem>>) target_semaphore(%arg17 : memref<!tpu.dma_semaphore, #tpu.memory_space<semaphore_mem>>)
      } else {
      }
      %dma_wait3A_159 = arith.constant 0 : i32
      %dma_wait3A_160 = tpu.memref_slice %arg2[%dma_wait3A_159] : memref<327680xi32, #tpu.memory_space<hbm>> -> memref<64xi32, #tpu.memory_space<hbm>>
      %dma_wait3A_161 = arith.constant 0 : i32
      %dma_wait3A_162 = tpu.memref_slice %arg2[%dma_wait3A_161] : memref<327680xi32, #tpu.memory_space<hbm>> -> memref<64xi32, #tpu.memory_space<hbm>>
      tpu.wait_dma2 semaphore(%arg22 : memref<!tpu.dma_semaphore, #tpu.memory_space<semaphore_mem>>) src(%dma_wait3A_162 : memref<64xi32, #tpu.memory_space<hbm>>) dst(%arg12 : memref<64xi32, #tpu.memory_space<vmem>>)
      %dma_wait3A_163 = arith.constant 0 : i32
      %dma_wait3A_164 = tpu.memref_slice %arg15[%dma_wait3A_163] : memref<10240xf32, #tpu.memory_space<vmem_shared>> -> memref<10240xf32, #tpu.memory_space<vmem_shared>>
      tpu.wait_indirect_dma semaphore(%arg26 : memref<!tpu.dma_semaphore, #tpu.memory_space<semaphore_mem>>) src(%arg14 : memref<64xf32, #tpu.memory_space<vmem>>) dst(%dma_wait3A_164 : memref<10240xf32, #tpu.memory_space<vmem_shared>>)
      %dma_start3A_165 = arith.constant 0 : i32
      %dma_start3A_166 = tpu.memref_slice %arg15[%dma_start3A_165] : memref<10240xf32, #tpu.memory_space<vmem_shared>> -> memref<10240xf32, #tpu.memory_space<vmem_shared>>
      tpu.enqueue_indirect_dma source(%arg14 : memref<64xf32, #tpu.memory_space<vmem>>) target(%dma_start3A_166 : memref<10240xf32, #tpu.memory_space<vmem_shared>>) offsets(%arg12 : memref<64xi32, #tpu.memory_space<vmem>>) semaphore(%arg26 : memref<!tpu.dma_semaphore, #tpu.memory_space<semaphore_mem>>) {add = true}
      %sub3A_167 = arith.constant 1 : i32
      %sub3A_168 = arith.subi %select_n3A, %sub3A_167 : i32
      %lt3A_169 = arith.cmpi slt, %while3A_47, %sub3A_168 : i32
      %convert_element_type3A_170 = arith.extui %lt3A_169 : i1 to i32
      %cond3A_171 = arith.constant 0 : i32
      %cond3A_172 = arith.cmpi ne, %convert_element_type3A_170, %cond3A_171 : i32
      scf.if %cond3A_172 {
        %mul3A_187 = arith.constant 8 : i32
        %mul3A_188 = arith.muli %while3A_47, %mul3A_187 : i32
        %add3A_189 = arith.constant 6 : i32
        %add3A_190 = arith.addi %mul3A_188, %add3A_189 : i32
        %add3A_191 = arith.constant 4 : i32
        %add3A_192 = arith.addi %add3A_190, %add3A_191 : i32
        %mul3A_193 = arith.constant 64 : i32
        %mul3A_194 = arith.muli %add3A_192, %mul3A_193 : i32
        %add3A_195 = arith.addi %select_n3A_8, %mul3A_194 : i32
        %dma_start3A_196 = tpu.memref_slice %arg2[%add3A_195] : memref<327680xi32, #tpu.memory_space<hbm>> -> memref<64xi32, #tpu.memory_space<hbm>>
        %dma_start3A_197 = tpu.memref_slice %arg2[%add3A_195] : memref<327680xi32, #tpu.memory_space<hbm>> -> memref<64xi32, #tpu.memory_space<hbm>>
        tpu.enqueue_dma source(%dma_start3A_197 : memref<64xi32, #tpu.memory_space<hbm>>) target(%arg8 : memref<64xi32, #tpu.memory_space<vmem>>) target_semaphore(%arg18 : memref<!tpu.dma_semaphore, #tpu.memory_space<semaphore_mem>>)
      } else {
      }
      %dma_wait3A_173 = arith.constant 0 : i32
      %dma_wait3A_174 = tpu.memref_slice %arg2[%dma_wait3A_173] : memref<327680xi32, #tpu.memory_space<hbm>> -> memref<64xi32, #tpu.memory_space<hbm>>
      %dma_wait3A_175 = arith.constant 0 : i32
      %dma_wait3A_176 = tpu.memref_slice %arg2[%dma_wait3A_175] : memref<327680xi32, #tpu.memory_space<hbm>> -> memref<64xi32, #tpu.memory_space<hbm>>
      tpu.wait_dma2 semaphore(%arg23 : memref<!tpu.dma_semaphore, #tpu.memory_space<semaphore_mem>>) src(%dma_wait3A_176 : memref<64xi32, #tpu.memory_space<hbm>>) dst(%arg13 : memref<64xi32, #tpu.memory_space<vmem>>)
      %dma_wait3A_177 = arith.constant 0 : i32
      %dma_wait3A_178 = tpu.memref_slice %arg15[%dma_wait3A_177] : memref<10240xf32, #tpu.memory_space<vmem_shared>> -> memref<10240xf32, #tpu.memory_space<vmem_shared>>
      tpu.wait_indirect_dma semaphore(%arg27 : memref<!tpu.dma_semaphore, #tpu.memory_space<semaphore_mem>>) src(%arg14 : memref<64xf32, #tpu.memory_space<vmem>>) dst(%dma_wait3A_178 : memref<10240xf32, #tpu.memory_space<vmem_shared>>)
      %dma_start3A_179 = arith.constant 0 : i32
      %dma_start3A_180 = tpu.memref_slice %arg15[%dma_start3A_179] : memref<10240xf32, #tpu.memory_space<vmem_shared>> -> memref<10240xf32, #tpu.memory_space<vmem_shared>>
      tpu.enqueue_indirect_dma source(%arg14 : memref<64xf32, #tpu.memory_space<vmem>>) target(%dma_start3A_180 : memref<10240xf32, #tpu.memory_space<vmem_shared>>) offsets(%arg13 : memref<64xi32, #tpu.memory_space<vmem>>) semaphore(%arg27 : memref<!tpu.dma_semaphore, #tpu.memory_space<semaphore_mem>>) {add = true}
      %sub3A_181 = arith.constant 1 : i32
      %sub3A_182 = arith.subi %select_n3A, %sub3A_181 : i32
      %lt3A_183 = arith.cmpi slt, %while3A_47, %sub3A_182 : i32
      %convert_element_type3A_184 = arith.extui %lt3A_183 : i1 to i32
      %cond3A_185 = arith.constant 0 : i32
      %cond3A_186 = arith.cmpi ne, %convert_element_type3A_184, %cond3A_185 : i32
      scf.if %cond3A_186 {
        %mul3A_187 = arith.constant 8 : i32
        %mul3A_188 = arith.muli %while3A_47, %mul3A_187 : i32
        %add3A_189 = arith.constant 7 : i32
        %add3A_190 = arith.addi %mul3A_188, %add3A_189 : i32
        %add3A_191 = arith.constant 4 : i32
        %add3A_192 = arith.addi %add3A_190, %add3A_191 : i32
        %mul3A_193 = arith.constant 64 : i32
        %mul3A_194 = arith.muli %add3A_192, %mul3A_193 : i32
        %add3A_195 = arith.addi %select_n3A_8, %mul3A_194 : i32
        %dma_start3A_196 = tpu.memref_slice %arg2[%add3A_195] : memref<327680xi32, #tpu.memory_space<hbm>> -> memref<64xi32, #tpu.memory_space<hbm>>
        %dma_start3A_197 = tpu.memref_slice %arg2[%add3A_195] : memref<327680xi32, #tpu.memory_space<hbm>> -> memref<64xi32, #tpu.memory_space<hbm>>
        tpu.enqueue_dma source(%dma_start3A_197 : memref<64xi32, #tpu.memory_space<hbm>>) target(%arg9 : memref<64xi32, #tpu.memory_space<vmem>>) target_semaphore(%arg19 : memref<!tpu.dma_semaphore, #tpu.memory_space<semaphore_mem>>)
      } else {
      }
    }
    %dma_wait3A = arith.constant 0 : i32
    %dma_wait3A_35 = tpu.memref_slice %arg15[%dma_wait3A] : memref<10240xf32, #tpu.memory_space<vmem_shared>> -> memref<10240xf32, #tpu.memory_space<vmem_shared>>
    tpu.wait_indirect_dma semaphore(%arg24 : memref<!tpu.dma_semaphore, #tpu.memory_space<semaphore_mem>>) src(%arg14 : memref<64xf32, #tpu.memory_space<vmem>>) dst(%dma_wait3A_35 : memref<10240xf32, #tpu.memory_space<vmem_shared>>)
    %dma_wait3A_36 = arith.constant 0 : i32
    %dma_wait3A_37 = tpu.memref_slice %arg15[%dma_wait3A_36] : memref<10240xf32, #tpu.memory_space<vmem_shared>> -> memref<10240xf32, #tpu.memory_space<vmem_shared>>
    tpu.wait_indirect_dma semaphore(%arg25 : memref<!tpu.dma_semaphore, #tpu.memory_space<semaphore_mem>>) src(%arg14 : memref<64xf32, #tpu.memory_space<vmem>>) dst(%dma_wait3A_37 : memref<10240xf32, #tpu.memory_space<vmem_shared>>)
    %dma_wait3A_38 = arith.constant 0 : i32
    %dma_wait3A_39 = tpu.memref_slice %arg15[%dma_wait3A_38] : memref<10240xf32, #tpu.memory_space<vmem_shared>> -> memref<10240xf32, #tpu.memory_space<vmem_shared>>
    tpu.wait_indirect_dma semaphore(%arg26 : memref<!tpu.dma_semaphore, #tpu.memory_space<semaphore_mem>>) src(%arg14 : memref<64xf32, #tpu.memory_space<vmem>>) dst(%dma_wait3A_39 : memref<10240xf32, #tpu.memory_space<vmem_shared>>)
    %dma_wait3A_40 = arith.constant 0 : i32
    %dma_wait3A_41 = tpu.memref_slice %arg15[%dma_wait3A_40] : memref<10240xf32, #tpu.memory_space<vmem_shared>> -> memref<10240xf32, #tpu.memory_space<vmem_shared>>
    tpu.wait_indirect_dma semaphore(%arg27 : memref<!tpu.dma_semaphore, #tpu.memory_space<semaphore_mem>>) src(%arg14 : memref<64xf32, #tpu.memory_space<vmem>>) dst(%dma_wait3A_41 : memref<10240xf32, #tpu.memory_space<vmem_shared>>)
    %barrier3A_42 = arith.constant 0 : index
    tpu.barrier barrier_id(%barrier3A_42)
    %mul3A_43 = arith.constant 640 : i32
    %mul3A_44 = arith.muli %arg1, %mul3A_43 : i32
    %mul3A_45 = arith.constant 640 : i32
    %mul3A_46 = arith.muli %arg1, %mul3A_45 : i32
    "tpu.region"() ({
      %run_scoped3A = tpu.sem_alloc : memref<!tpu.dma_semaphore, #tpu.memory_space<semaphore_mem>>
      %dma_start3A_47 = tpu.memref_slice %arg5[%arg0, %mul3A_46] : memref<2x10240xf32, #tpu.memory_space<hbm>> -> memref<1x640xf32, #tpu.memory_space<hbm>>
      %dma_start3A_48 = tpu.memref_squeeze %dma_start3A_47 : memref<1x640xf32, #tpu.memory_space<hbm>> -> memref<640xf32, #tpu.memory_space<hbm>>
      %dma_start3A_49 = tpu.memref_slice %arg15[%mul3A_44] : memref<10240xf32, #tpu.memory_space<vmem_shared>> -> memref<640xf32, #tpu.memory_space<vmem_shared>>
      tpu.enqueue_dma source(%dma_start3A_49 : memref<640xf32, #tpu.memory_space<vmem_shared>>) target(%dma_start3A_48 : memref<640xf32, #tpu.memory_space<hbm>>) target_semaphore(%run_scoped3A : memref<!tpu.dma_semaphore, #tpu.memory_space<semaphore_mem>>)
      %dma_wait3A_50 = tpu.memref_slice %arg5[%arg0, %mul3A_46] : memref<2x10240xf32, #tpu.memory_space<hbm>> -> memref<1x640xf32, #tpu.memory_space<hbm>>
      %dma_wait3A_51 = tpu.memref_squeeze %dma_wait3A_50 : memref<1x640xf32, #tpu.memory_space<hbm>> -> memref<640xf32, #tpu.memory_space<hbm>>
      %dma_wait3A_52 = tpu.memref_slice %arg15[%mul3A_44] : memref<10240xf32, #tpu.memory_space<vmem_shared>> -> memref<640xf32, #tpu.memory_space<vmem_shared>>
      tpu.wait_dma2 semaphore(%run_scoped3A : memref<!tpu.dma_semaphore, #tpu.memory_space<semaphore_mem>>) src(%dma_wait3A_52 : memref<640xf32, #tpu.memory_space<vmem_shared>>) dst(%dma_wait3A_51 : memref<640xf32, #tpu.memory_space<hbm>>)
      tpu.yield
    }) : () -> ()
    return
  }
}

module attributes {stable_mosaic.version = 14 : i64} {
  func.func @_y_body(%arg0: i32, %arg1: memref<2x1024xf32, #tpu.memory_space<vmem>>, %arg2: memref<1024x128xf32, #tpu.memory_space<vmem>>, %arg3: memref<1024x128xf32, #tpu.memory_space<vmem>>, %arg4: memref<1024x8xf32, #tpu.memory_space<vmem>>) attributes {dimension_semantics = [#tpu.dimension_semantics<arbitrary>], iteration_bounds = array<i64: 10>, scalar_prefetch = 0 : i64, scratch_operands = 0 : i64, tpu.core_type = #tpu.core_type<tc>, window_params = [{transform_indices = @transform_0, window_bounds = array<i64: 2, 1024>}, {transform_indices = @transform_1, window_bounds = array<i64: 1024, 128>}, {transform_indices = @transform_2, window_bounds = array<i64: 1024, 128>}, {transform_indices = @transform_3, window_bounds = array<i64: 1024, 8>}]} {
    %get3A = arith.constant 0 : index
    %get3A_0 = arith.constant 0 : index
    %get3A_1 = vector.load %arg1[%get3A, %get3A_0] : memref<2x1024xf32, #tpu.memory_space<vmem>>, vector<2x1024xf32>
    %slice3A = vector.extract_strided_slice %get3A_1 {offsets = [0, 0], sizes = [1, 1024], strides = [1, 1]} : vector<2x1024xf32> to vector<1x1024xf32>
    %slice3A_2 = vector.extract_strided_slice %get3A_1 {offsets = [1, 0], sizes = [1, 1024], strides = [1, 1]} : vector<2x1024xf32> to vector<1x1024xf32>
    %add3A = arith.addf %slice3A, %slice3A_2 : vector<1x1024xf32>
    %add3A_3 = arith.constant 1.000000e+00 : f32
    %add3A_4 = vector.broadcast %add3A_3 : f32 to vector<1x1024xf32>
    %add3A_5 = arith.addf %add3A, %add3A_4 : vector<1x1024xf32>
    %rsqrt3A = math.rsqrt %add3A_5 : vector<1x1024xf32>
    %transpose3A = tpu.transpose %rsqrt3A, [1, 0] : vector<1x1024xf32> -> vector<1024x1xf32>
    %get3A_6 = arith.constant 0 : index
    %get3A_7 = arith.constant 0 : index
    %get3A_8 = vector.load %arg2[%get3A_6, %get3A_7] : memref<1024x128xf32, #tpu.memory_space<vmem>>, vector<1024x128xf32>
    %mul3A = vector.broadcast %transpose3A : vector<1024x1xf32> to vector<1024x128xf32>
    %mul3A_9 = arith.mulf %get3A_8, %mul3A : vector<1024x128xf32>
    %swap3A = arith.constant 0 : index
    %swap3A_10 = arith.constant 0 : index
    %swap3A_11 = vector.load %arg3[%swap3A, %swap3A_10] : memref<1024x128xf32, #tpu.memory_space<vmem>>, vector<1024x128xf32>
    tpu.vector_store %arg3[%swap3A, %swap3A_10], %mul3A_9 {strides = array<i32>} : memref<1024x128xf32, #tpu.memory_space<vmem>>, vector<1024x128xf32>,
    %broadcast_in_dim3A = vector.shape_cast %transpose3A : vector<1024x1xf32> to vector<1024x1xf32>
    %broadcast_in_dim3A_12 = vector.broadcast %broadcast_in_dim3A : vector<1024x1xf32> to vector<1024x8xf32>
    %swap3A_13 = arith.constant 0 : index
    %swap3A_14 = arith.constant 0 : index
    %swap3A_15 = vector.load %arg4[%swap3A_13, %swap3A_14] : memref<1024x8xf32, #tpu.memory_space<vmem>>, vector<1024x8xf32>
    tpu.vector_store %arg4[%swap3A_13, %swap3A_14], %broadcast_in_dim3A_12 {strides = array<i32>} : memref<1024x8xf32, #tpu.memory_space<vmem>>, vector<1024x8xf32>,
    return
  }
  func.func @transform_0(%arg0: i32) -> (i32, i32) {
    %c0_i32 = arith.constant 0 : i32
    %c0_i32_0 = arith.constant 0 : i32
    return %c0_i32, %arg0 : i32, i32
  }
  func.func @transform_1(%arg0: i32) -> (i32, i32) {
    %c0_i32 = arith.constant 0 : i32
    %c0_i32_0 = arith.constant 0 : i32
    return %arg0, %c0_i32 : i32, i32
  }
  func.func @transform_2(%arg0: i32) -> (i32, i32) {
    %c0_i32 = arith.constant 0 : i32
    %c0_i32_0 = arith.constant 0 : i32
    return %arg0, %c0_i32 : i32, i32
  }
  func.func @transform_3(%arg0: i32) -> (i32, i32) {
    %c0_i32 = arith.constant 0 : i32
    %c0_i32_0 = arith.constant 0 : i32
    return %arg0, %c0_i32 : i32, i32
  }
}

module attributes {stable_mosaic.version = 14 : i64} {
  func.func @_dense_body(%arg0: i32, %arg1: memref<2x1000x128xf32, #tpu.memory_space<vmem>>, %arg2: memref<1000x128xf32, #tpu.memory_space<vmem>>, %arg3: memref<1000x8xf32, #tpu.memory_space<vmem>>, %arg4: memref<1x1x1000xi32, #tpu.memory_space<vmem>>, %arg5: memref<128x512xf32, #tpu.memory_space<vmem>>, %arg6: memref<2x512xf32, #tpu.memory_space<vmem>>, %arg7: memref<512x1024xf32, #tpu.memory_space<vmem>>, %arg8: memref<2x1024xf32, #tpu.memory_space<vmem>>, %arg9: memref<1024x128xf32, #tpu.memory_space<vmem>>, %arg10: memref<1x128xf32, #tpu.memory_space<vmem>>, %arg11: memref<64x128xf32, #tpu.memory_space<vmem>>, %arg12: memref<64x512xf32, #tpu.memory_space<vmem>>, %arg13: memref<64x1xf32, #tpu.memory_space<vmem>>) attributes {dimension_semantics = [#tpu.dimension_semantics<arbitrary>], iteration_bounds = array<i64: 10>, scalar_prefetch = 0 : i64, scratch_operands = 2 : i64, tpu.core_type = #tpu.core_type<tc>, window_params = [{transform_indices = @transform_0, window_bounds = array<i64: 2, 1000, 128>}, {transform_indices = @transform_1, window_bounds = array<i64: 1000, 128>}, {transform_indices = @transform_2, window_bounds = array<i64: 1000, 8>}, {transform_indices = @transform_3, window_bounds = array<i64: 1, 1, 1000>}, {pipeline_mode = #tpu.pipeline_mode<synchronous>, transform_indices = @transform_4, window_bounds = array<i64: 128, 512>}, {pipeline_mode = #tpu.pipeline_mode<synchronous>, transform_indices = @transform_5, window_bounds = array<i64: 2, 512>}, {pipeline_mode = #tpu.pipeline_mode<synchronous>, transform_indices = @transform_6, window_bounds = array<i64: 512, 1024>}, {pipeline_mode = #tpu.pipeline_mode<synchronous>, transform_indices = @transform_7, window_bounds = array<i64: 2, 1024>}, {pipeline_mode = #tpu.pipeline_mode<synchronous>, transform_indices = @transform_8, window_bounds = array<i64: 1024, 128>}, {pipeline_mode = #tpu.pipeline_mode<synchronous>, transform_indices = @transform_9, window_bounds = array<i64: 1, 128>}, {pipeline_mode = #tpu.pipeline_mode<synchronous>, transform_indices = @transform_10, window_bounds = array<i64: 64, 128>}]} {
    %eq3A = arith.constant 0 : i32
    %eq3A_0 = arith.cmpi eq, %arg0, %eq3A : i32
    %convert_element_type3A = arith.extui %eq3A_0 : i1 to i32
    %cond3A = arith.constant 0 : i32
    %cond3A_1 = arith.cmpi ne, %convert_element_type3A, %cond3A : i32
    scf.if %cond3A_1 {
      %broadcast_in_dim3A_61 = arith.constant 0.000000e+00 : f32
      %broadcast_in_dim3A_62 = vector.broadcast %broadcast_in_dim3A_61 : f32 to vector<64x512xf32>
      %swap3A_63 = arith.constant 0 : index
      %swap3A_64 = arith.constant 0 : index
      %swap3A_65 = vector.load %arg12[%swap3A_63, %swap3A_64] : memref<64x512xf32, #tpu.memory_space<vmem>>, vector<64x512xf32>
      tpu.vector_store %arg12[%swap3A_63, %swap3A_64], %broadcast_in_dim3A_62 {strides = array<i32>} : memref<64x512xf32, #tpu.memory_space<vmem>>, vector<64x512xf32>,
      %broadcast_in_dim3A_66 = arith.constant 0.000000e+00 : f32
      %broadcast_in_dim3A_67 = vector.broadcast %broadcast_in_dim3A_66 : f32 to vector<64x1xf32>
      %swap3A_68 = arith.constant 0 : index
      %swap3A_69 = arith.constant 0 : index
      %swap3A_70 = vector.load %arg13[%swap3A_68, %swap3A_69] : memref<64x1xf32, #tpu.memory_space<vmem>>, vector<64x1xf32>
      tpu.vector_store %arg13[%swap3A_68, %swap3A_69], %broadcast_in_dim3A_67 {strides = array<i32>} : memref<64x1xf32, #tpu.memory_space<vmem>>, vector<64x1xf32>,
    } else {
    }
    %get3A = arith.constant 0 : index
    %get3A_2 = arith.constant 0 : index
    %get3A_3 = vector.load %arg3[%get3A, %get3A_2] : memref<1000x8xf32, #tpu.memory_space<vmem>>, vector<1000x8xf32>
    %slice3A = vector.extract_strided_slice %get3A_3 {offsets = [0, 0], sizes = [1000, 1], strides = [1, 1]} : vector<1000x8xf32> to vector<1000x1xf32>
    %get3A_4 = arith.constant 0 : index
    %get3A_5 = arith.constant 0 : index
    %get3A_6 = arith.constant 0 : index
    %get3A_7 = vector.load %arg1[%get3A_4, %get3A_5, %get3A_6] : memref<2x1000x128xf32, #tpu.memory_space<vmem>>, vector<2x1000x128xf32>
    %slice3A_8 = vector.extract_strided_slice %get3A_7 {offsets = [0, 0, 0], sizes = [1, 1000, 128], strides = [1, 1, 1]} : vector<2x1000x128xf32> to vector<1x1000x128xf32>
    %squeeze3A = vector.shape_cast %slice3A_8 : vector<1x1000x128xf32> to vector<1000x128xf32>
    %slice3A_9 = vector.extract_strided_slice %get3A_7 {offsets = [1, 0, 0], sizes = [1, 1000, 128], strides = [1, 1, 1]} : vector<2x1000x128xf32> to vector<1x1000x128xf32>
    %squeeze3A_10 = vector.shape_cast %slice3A_9 : vector<1x1000x128xf32> to vector<1000x128xf32>
    %add3A = arith.addf %squeeze3A, %squeeze3A_10 : vector<1000x128xf32>
    %get3A_11 = arith.constant 0 : index
    %get3A_12 = arith.constant 0 : index
    %get3A_13 = vector.load %arg2[%get3A_11, %get3A_12] : memref<1000x128xf32, #tpu.memory_space<vmem>>, vector<1000x128xf32>
    %add3A_14 = arith.addf %add3A, %get3A_13 : vector<1000x128xf32>
    %mul3A = vector.broadcast %slice3A : vector<1000x1xf32> to vector<1000x128xf32>
    %mul3A_15 = arith.mulf %add3A_14, %mul3A : vector<1000x128xf32>
    %get3A_16 = arith.constant 0 : index
    %get3A_17 = arith.constant 0 : index
    %get3A_18 = vector.load %arg5[%get3A_16, %get3A_17] : memref<128x512xf32, #tpu.memory_space<vmem>>, vector<128x512xf32>
    %dot_general3A = arith.constant dense<0.000000e+00> : vector<1000x512xf32>
    %dot_general3A_19 = tpu.matmul %mul3A_15, %get3A_18, %dot_general3A {dimension_numbers = #tpu.dot_dimension_numbers<[1], [0], [0], [1], [0, 0, 1, 1], [], []>, transpose_lhs_hint = false} : vector<1000x128xf32>, vector<128x512xf32>, vector<1000x512xf32> -> vector<1000x512xf32>
    %get3A_20 = arith.constant 0 : index
    %get3A_21 = arith.constant 0 : index
    %get3A_22 = vector.load %arg6[%get3A_20, %get3A_21] : memref<2x512xf32, #tpu.memory_space<vmem>>, vector<1x512xf32>
    %mul3A_23 = vector.broadcast %get3A_22 : vector<1x512xf32> to vector<1000x512xf32>
    %mul3A_24 = arith.mulf %dot_general3A_19, %mul3A_23 : vector<1000x512xf32>
    %get3A_25 = arith.constant 1 : index
    %get3A_26 = arith.constant 0 : index
    %get3A_27 = vector.load %arg6[%get3A_25, %get3A_26] : memref<2x512xf32, #tpu.memory_space<vmem>>, vector<1x512xf32>
    %add3A_28 = vector.broadcast %get3A_27 : vector<1x512xf32> to vector<1000x512xf32>
    %add3A_29 = arith.addf %mul3A_24, %add3A_28 : vector<1000x512xf32>
    %max3A = arith.constant 0.000000e+00 : f32
    %max3A_30 = vector.broadcast %max3A : f32 to vector<1000x512xf32>
    %max3A_31 = arith.maximumf %add3A_29, %max3A_30 : vector<1000x512xf32>
    %get3A_32 = arith.constant 0 : index
    %get3A_33 = arith.constant 0 : index
    %get3A_34 = arith.constant 0 : index
    %get3A_35 = vector.load %arg4[%get3A_32, %get3A_33, %get3A_34] : memref<1x1x1000xi32, #tpu.memory_space<vmem>>, vector<1x1x1000xi32>
    %reshape3A = vector.shape_cast %get3A_35 : vector<1x1x1000xi32> to vector<1x1000xi32>
    %iota3A = tpu.iota {dimensions = array<i32: 0>} : vector<64x1000xi32>
    %eq3A_36 = vector.broadcast %reshape3A : vector<1x1000xi32> to vector<64x1000xi32>
    %eq3A_37 = arith.cmpi eq, %iota3A, %eq3A_36 : vector<64x1000xi32>
    %convert_element_type3A_38 = arith.extui %eq3A_37 : vector<64x1000xi1> to vector<64x1000xi32>
    %convert_element_type3A_39 = arith.sitofp %convert_element_type3A_38 : vector<64x1000xi32> to vector<64x1000xf32>
    %get3A_40 = arith.constant 0 : index
    %get3A_41 = arith.constant 0 : index
    %get3A_42 = vector.load %arg12[%get3A_40, %get3A_41] : memref<64x512xf32, #tpu.memory_space<vmem>>, vector<64x512xf32>
    %dot_general3A_43 = arith.constant dense<0.000000e+00> : vector<64x512xf32>
    %dot_general3A_44 = tpu.matmul %convert_element_type3A_39, %max3A_31, %dot_general3A_43 {dimension_numbers = #tpu.dot_dimension_numbers<[1], [0], [0], [1], [0, 0, 1, 1], [], []>, transpose_lhs_hint = false} : vector<64x1000xf32>, vector<1000x512xf32>, vector<64x512xf32> -> vector<64x512xf32>
    %add3A_45 = arith.addf %get3A_42, %dot_general3A_44 : vector<64x512xf32>
    %swap3A = arith.constant 0 : index
    %swap3A_46 = arith.constant 0 : index
    %swap3A_47 = vector.load %arg12[%swap3A, %swap3A_46] : memref<64x512xf32, #tpu.memory_space<vmem>>, vector<64x512xf32>
    tpu.vector_store %arg12[%swap3A, %swap3A_46], %add3A_45 {strides = array<i32>} : memref<64x512xf32, #tpu.memory_space<vmem>>, vector<64x512xf32>,
    %get3A_48 = arith.constant 0 : index
    %get3A_49 = arith.constant 0 : index
    %get3A_50 = vector.load %arg13[%get3A_48, %get3A_49] : memref<64x1xf32, #tpu.memory_space<vmem>>, vector<64x1xf32>
    %reduce_sum3A = arith.constant dense<0.000000e+00> : vector<64xf32>
    %reduce_sum3A_51 = vector.multi_reduction <add>, %convert_element_type3A_39, %reduce_sum3A [1] : vector<64x1000xf32> to vector<64xf32>
    %broadcast_in_dim3A = vector.shape_cast %reduce_sum3A_51 : vector<64xf32> to vector<64x1xf32>
    %add3A_52 = arith.addf %get3A_50, %broadcast_in_dim3A : vector<64x1xf32>
    %swap3A_53 = arith.constant 0 : index
    %swap3A_54 = arith.constant 0 : index
    %swap3A_55 = vector.load %arg13[%swap3A_53, %swap3A_54] : memref<64x1xf32, #tpu.memory_space<vmem>>, vector<64x1xf32>
    tpu.vector_store %arg13[%swap3A_53, %swap3A_54], %add3A_52 {strides = array<i32>} : memref<64x1xf32, #tpu.memory_space<vmem>>, vector<64x1xf32>,
    %eq3A_56 = arith.constant 9 : i32
    %eq3A_57 = arith.cmpi eq, %arg0, %eq3A_56 : i32
    %convert_element_type3A_58 = arith.extui %eq3A_57 : i1 to i32
    %cond3A_59 = arith.constant 0 : i32
    %cond3A_60 = arith.cmpi ne, %convert_element_type3A_58, %cond3A_59 : i32
    scf.if %cond3A_60 {
      %get3A_61 = arith.constant 0 : index
      %get3A_62 = arith.constant 0 : index
      %get3A_63 = vector.load %arg12[%get3A_61, %get3A_62] : memref<64x512xf32, #tpu.memory_space<vmem>>, vector<64x512xf32>
      %get3A_64 = arith.constant 0 : index
      %get3A_65 = arith.constant 0 : index
      %get3A_66 = vector.load %arg13[%get3A_64, %get3A_65] : memref<64x1xf32, #tpu.memory_space<vmem>>, vector<64x1xf32>
      %max3A_67 = arith.constant 1.000000e+00 : f32
      %max3A_68 = vector.broadcast %max3A_67 : f32 to vector<64x1xf32>
      %max3A_69 = arith.maximumf %get3A_66, %max3A_68 : vector<64x1xf32>
      %div3A = vector.broadcast %max3A_69 : vector<64x1xf32> to vector<64x512xf32>
      %div3A_70 = arith.divf %get3A_63, %div3A : vector<64x512xf32>
      %get3A_71 = arith.constant 0 : index
      %get3A_72 = arith.constant 0 : index
      %get3A_73 = vector.load %arg7[%get3A_71, %get3A_72] : memref<512x1024xf32, #tpu.memory_space<vmem>>, vector<512x1024xf32>
      %dot_general3A_74 = arith.constant dense<0.000000e+00> : vector<64x1024xf32>
      %dot_general3A_75 = tpu.matmul %div3A_70, %get3A_73, %dot_general3A_74 {dimension_numbers = #tpu.dot_dimension_numbers<[1], [0], [0], [1], [0, 0, 1, 1], [], []>, transpose_lhs_hint = false} : vector<64x512xf32>, vector<512x1024xf32>, vector<64x1024xf32> -> vector<64x1024xf32>
      %get3A_76 = arith.constant 0 : index
      %get3A_77 = arith.constant 0 : index
      %get3A_78 = vector.load %arg8[%get3A_76, %get3A_77] : memref<2x1024xf32, #tpu.memory_space<vmem>>, vector<1x1024xf32>
      %mul3A_79 = vector.broadcast %get3A_78 : vector<1x1024xf32> to vector<64x1024xf32>
      %mul3A_80 = arith.mulf %dot_general3A_75, %mul3A_79 : vector<64x1024xf32>
      %get3A_81 = arith.constant 1 : index
      %get3A_82 = arith.constant 0 : index
      %get3A_83 = vector.load %arg8[%get3A_81, %get3A_82] : memref<2x1024xf32, #tpu.memory_space<vmem>>, vector<1x1024xf32>
      %add3A_84 = vector.broadcast %get3A_83 : vector<1x1024xf32> to vector<64x1024xf32>
      %add3A_85 = arith.addf %mul3A_80, %add3A_84 : vector<64x1024xf32>
      %max3A_86 = arith.constant 0.000000e+00 : f32
      %max3A_87 = vector.broadcast %max3A_86 : f32 to vector<64x1024xf32>
      %max3A_88 = arith.maximumf %add3A_85, %max3A_87 : vector<64x1024xf32>
      %get3A_89 = arith.constant 0 : index
      %get3A_90 = arith.constant 0 : index
      %get3A_91 = vector.load %arg9[%get3A_89, %get3A_90] : memref<1024x128xf32, #tpu.memory_space<vmem>>, vector<1024x128xf32>
      %dot_general3A_92 = arith.constant dense<0.000000e+00> : vector<64x128xf32>
      %dot_general3A_93 = tpu.matmul %max3A_88, %get3A_91, %dot_general3A_92 {dimension_numbers = #tpu.dot_dimension_numbers<[1], [0], [0], [1], [0, 0, 1, 1], [], []>, transpose_lhs_hint = false} : vector<64x1024xf32>, vector<1024x128xf32>, vector<64x128xf32> -> vector<64x128xf32>
      %get3A_94 = arith.constant 0 : index
      %get3A_95 = arith.constant 0 : index
      %get3A_96 = vector.load %arg10[%get3A_94, %get3A_95] : memref<1x128xf32, #tpu.memory_space<vmem>>, vector<1x128xf32>
      %add3A_97 = vector.broadcast %get3A_96 : vector<1x128xf32> to vector<64x128xf32>
      %add3A_98 = arith.addf %dot_general3A_93, %add3A_97 : vector<64x128xf32>
      %swap3A_99 = arith.constant 0 : index
      %swap3A_100 = arith.constant 0 : index
      %swap3A_101 = vector.load %arg11[%swap3A_99, %swap3A_100] : memref<64x128xf32, #tpu.memory_space<vmem>>, vector<64x128xf32>
      tpu.vector_store %arg11[%swap3A_99, %swap3A_100], %add3A_98 {strides = array<i32>} : memref<64x128xf32, #tpu.memory_space<vmem>>, vector<64x128xf32>,
    } else {
    }
    return
  }
  func.func @transform_0(%arg0: i32) -> (i32, i32, i32) {
    %c0_i32 = arith.constant 0 : i32
    %c0_i32_0 = arith.constant 0 : i32
    %c0_i32_1 = arith.constant 0 : i32
    return %c0_i32, %arg0, %c0_i32_0 : i32, i32, i32
  }
  func.func @transform_1(%arg0: i32) -> (i32, i32) {
    %c0_i32 = arith.constant 0 : i32
    %c0_i32_0 = arith.constant 0 : i32
    return %arg0, %c0_i32 : i32, i32
  }
  func.func @transform_2(%arg0: i32) -> (i32, i32) {
    %c0_i32 = arith.constant 0 : i32
    %c0_i32_0 = arith.constant 0 : i32
    return %arg0, %c0_i32 : i32, i32
  }
  func.func @transform_3(%arg0: i32) -> (i32, i32, i32) {
    %c0_i32 = arith.constant 0 : i32
    %c0_i32_0 = arith.constant 0 : i32
    %c0_i32_1 = arith.constant 0 : i32
    return %arg0, %c0_i32, %c0_i32_0 : i32, i32, i32
  }
  func.func @transform_4(%arg0: i32) -> (i32, i32) {
    %c0_i32 = arith.constant 0 : i32
    %c0_i32_0 = arith.constant 0 : i32
    %c0_i32_1 = arith.constant 0 : i32
    return %c0_i32, %c0_i32_0 : i32, i32
  }
  func.func @transform_5(%arg0: i32) -> (i32, i32) {
    %c0_i32 = arith.constant 0 : i32
    %c0_i32_0 = arith.constant 0 : i32
    %c0_i32_1 = arith.constant 0 : i32
    return %c0_i32, %c0_i32_0 : i32, i32
  }
  func.func @transform_6(%arg0: i32) -> (i32, i32) {
    %c0_i32 = arith.constant 0 : i32
    %c0_i32_0 = arith.constant 0 : i32
    %c0_i32_1 = arith.constant 0 : i32
    return %c0_i32, %c0_i32_0 : i32, i32
  }
  func.func @transform_7(%arg0: i32) -> (i32, i32) {
    %c0_i32 = arith.constant 0 : i32
    %c0_i32_0 = arith.constant 0 : i32
    %c0_i32_1 = arith.constant 0 : i32
    return %c0_i32, %c0_i32_0 : i32, i32
  }
  func.func @transform_8(%arg0: i32) -> (i32, i32) {
    %c0_i32 = arith.constant 0 : i32
    %c0_i32_0 = arith.constant 0 : i32
    %c0_i32_1 = arith.constant 0 : i32
    return %c0_i32, %c0_i32_0 : i32, i32
  }
  func.func @transform_9(%arg0: i32) -> (i32, i32) {
    %c0_i32 = arith.constant 0 : i32
    %c0_i32_0 = arith.constant 0 : i32
    %c0_i32_1 = arith.constant 0 : i32
    return %c0_i32, %c0_i32_0 : i32, i32
  }
  func.func @transform_10(%arg0: i32) -> (i32, i32) {
    %c0_i32 = arith.constant 0 : i32
    %c0_i32_0 = arith.constant 0 : i32
    %c0_i32_1 = arith.constant 0 : i32
    return %c0_i32, %c0_i32_0 : i32, i32
  }
}

</mosaic_0001>

<sc_bundles>
// kernel: kernel.6.cloned.1.call-start
scs
__scs_entry_jumppad:
0x0: {  	(pc) =	sbr.rel $0x88, $3  }
0x1: {  	(tag) =	ssettag $0x0;
	lr =	simm.s32 $0x1  }
0x2: {  	[smem:$0x3F94] =	sst lr;
	_ =	strace $0xD0000000  }
0x3: {  	_ = 	snop  }
0x4: {  	_ = 	snop  }
0x5: {  	_ = 	snop  }
0x6: {  	_ = 	snop  }
0x7: {  	_ = 	snop  }
__scs_overlays_trampoline_lowered:
0x8: {  	[smem:$0x3FA3] =	sst s0  }
0x9: {  	[smem:$0x3FA4] =	sst s1  }
0xa: {  	[smem:$0x3FA5] =	sst s2  }
0xb: {  	[smem:$0x3FA6] =	sst s3  }
0xc: {  	[smem:$0x3FA7] =	sst s4  }
0xd: {  	[smem:$0x3FA8] =	sst s5  }
0xe: {  	[smem:$0x3FA9] =	sst s6  }
0xf: {  	[smem:$0x3FAA] =	sst s7  }
0x10: {  	[smem:$0x3FAB] =	sst s8  }
0x11: {  	[smem:$0x3FAC] =	sst s9;
	s0 =	simm.s32 @!p0 $0x0  }
0x12: {  	s1 =	sld [smem:$0x3F92];
	s0 =	simm.s32 @p0 $0x1  }
0x13: {  	[smem:$0x3FAD] =	sst s0;
	s0 =	simm.s32 @!p1 $0x0  }
0x14: {  	s2 =	sld [smem:$0x3F91];
	s0 =	simm.s32 @p1 $0x1  }
0x15: {  	[smem:$0x3FAE] =	sst s0;
	s0 =	simm.s32 @!p2 $0x0  }
0x16: {  	s3 =	sld [smem:$0x3FDB];
	s0 =	simm.s32 @p2 $0x1  }
0x17: {  	s4 =	simm.s32 $0x1BF5;
	[smem:$0x3FB0] =	sst s0  }
0x18: {  	s0 =	sld [smem:$0x3F93];
	_ =	swait.ge [sflag:s4], $0x0  }
0x19: {  	s7 =	sld [smem:$0x3F94]  }
0x1a: {  	s8 =	sadd.s32 $0xFFFFE003, lr  }
0x1b: {  	s9 =	sadd.s32 $0xFFFFFEF7, lr;
	s5 =	simm.s32 $0xFFFFFFFF;
	p2 =	slt.u32 s8, $0xFFFFF086  }
0x1c: {  	p1 =	slt.u32 s9, $0xF7A;
	s5 =	simm.s32 @!p2 $0x0  }
0x1d: {  	s5 =	simm.s32 @p1 $0x1;
	p0 =	seq.s32 s7, s2  }
0x1e: {  	s7 =	smul.u32 @!p0 $0xF7A, s2;
	p2 =	seq.s32 @!p0 s5, $0x0  }
0x1f: {  	s9 =	smul.u32 $0xF7A, s1;
	s8 =	simm.s32 @!p0 $0x1BF5;
	p2 =	por !p2, p0  }
0x20: {  	[sflag:s8] =	ssyncset.s32 @!p0 $0xFFFFF086;
	s6 =	sadd.s32 @!p0 s3, s7;
	s7 =	simm.s32 @!p0 $0x108  }
0x21: {  	s3 =	sadd.s32 s3, s9;
	s6 =	sadd.s32 @!p0 $0x88, s6;
	s7 =	simm.s32 @p2 $0x1082  }
0x22: {  	[simem:s7], [sflag:s8] =	dma.local @!p0 [hbm:s6], $0xF7A  }
0x23: {  	s9 =	sor.u32 $0xD0000000, s2;
	s6 =	simm.s32 $0x108;
	_ =	swait.ge @!p0 [sflag:s8], $0x0  }
0x24: {  	s3 =	sadd.s32 $0x88, s3;
	s6 =	simm.s32 @!p1 $0x1082;
	[sflag:s4] =	ssyncset.s32 $0xFFFFF086  }
0x25: {  	[simem:s6], [sflag:s4] =	dma.local [hbm:s3], $0xF7A  }
0x26: {  	[smem:$0x3F94] =	sst s1;
	(tag) =	ssettag s2;
	_ =	strace s9  }
0x27: {  	s1 =	sld [smem:$0x3FA4]  }
0x28: {  	s2 =	sld [smem:$0x3FA5]  }
0x29: {  	s4 =	sld [smem:$0x3FA7]  }
0x2a: {  	p0 =	seq.s32 s5, $0x0;
	s5 =	sld [smem:$0x3FA8]  }
0x2b: {  	s6 =	sld [smem:$0x3FA9]  }
0x2c: {  	s7 =	sld [smem:$0x3FAA]  }
0x2d: {  	s3 =	simm.s32 $0x108;
	s8 =	sld [smem:$0x3FAB]  }
0x2e: {  	s3 =	simm.s32 @!p0 $0x1082;
	s9 =	sld [smem:$0x3FAC]  }
0x2f: {  	lr =	sadd.s32 s0, s3;
	s0 =	sld [smem:$0x3FA3]  }
0x30: {  	s3 =	sld [smem:$0x3FA6]  }
0x31: {  	[smem:$0x3FAF] =	sst s10  }
0x32: {  	s10 =	sld [smem:$0x3FAD];
	_ =	sdelay $0x3  }
0x33: {  	p0 =	seq.s32 s10, $0x1;
	s10 =	sld [smem:$0x3FAF];
	_ =	sdelay $0x3  }
0x34: {  	[smem:$0x3FAF] =	sst s10  }
0x35: {  	s10 =	sld [smem:$0x3FAE];
	_ =	sdelay $0x3  }
0x36: {  	p1 =	seq.s32 s10, $0x1;
	s10 =	sld [smem:$0x3FAF];
	_ =	sdelay $0x3  }
0x37: {  	[smem:$0x3FAF] =	sst s10  }
0x38: {  	s10 =	sld [smem:$0x3FB0]  }
0x39: {  	_ = 	snop;
	(pc) =	sbr.ind lr, $3  }
0x3a: {  	_ = 	snop  }
0x3b: {  	_ = 	snop  }
0x3c: {  	p2 =	seq.s32 s10, $0x1;
	s10 =	sld [smem:$0x3FAF]  }
0x3d: {  	_ =	shalt  }
0x3e: {  	_ =	shalt  }
0x3f: {  	_ =	shalt  }
0x40: {  	_ =	shalt  }
0x41: {  	_ =	shalt  }
0x42: {  	_ =	shalt  }
0x43: {  	_ =	shalt  }
0x44: {  	_ =	shalt  }
0x45: {  	_ =	shalt  }
0x46: {  	_ =	shalt  }
0x47: {  	_ =	shalt  }
0x48: {  	_ =	shalt  }
0x49: {  	_ =	shalt  }
0x4a: {  	_ =	shalt  }
0x4b: {  	_ =	shalt  }
0x4c: {  	_ =	shalt  }
0x4d: {  	_ =	shalt  }
0x4e: {  	_ =	shalt  }
0x4f: {  	_ =	shalt  }
0x50: {  	_ =	shalt  }
0x51: {  	_ =	shalt  }
0x52: {  	_ =	shalt  }
0x53: {  	_ =	shalt  }
0x54: {  	_ =	shalt  }
0x55: {  	_ =	shalt  }
0x56: {  	_ =	shalt  }
0x57: {  	_ =	shalt  }
0x58: {  	_ =	shalt  }
0x59: {  	_ =	shalt  }
0x5a: {  	_ =	shalt  }
0x5b: {  	_ =	shalt  }
0x5c: {  	_ =	shalt  }
0x5d: {  	_ =	shalt  }
0x5e: {  	_ =	shalt  }
0x5f: {  	_ =	shalt  }
0x60: {  	_ =	shalt  }
0x61: {  	_ =	shalt  }
0x62: {  	_ =	shalt  }
0x63: {  	_ =	shalt  }
0x64: {  	_ =	shalt  }
0x65: {  	_ =	shalt  }
0x66: {  	_ =	shalt  }
0x67: {  	_ =	shalt  }
0x68: {  	_ =	shalt  }
0x69: {  	_ =	shalt  }
0x6a: {  	_ =	shalt  }
0x6b: {  	_ =	shalt  }
0x6c: {  	_ =	shalt  }
0x6d: {  	_ =	shalt  }
0x6e: {  	_ =	shalt  }
0x6f: {  	_ =	shalt  }
0x70: {  	_ =	shalt  }
0x71: {  	_ =	shalt  }
0x72: {  	_ =	shalt  }
0x73: {  	_ =	shalt  }
0x74: {  	_ =	shalt  }
0x75: {  	_ =	shalt  }
0x76: {  	_ =	shalt  }
0x77: {  	_ =	shalt  }
0x78: {  	_ =	shalt  }
0x79: {  	_ =	shalt  }
0x7a: {  	_ =	shalt  }
0x7b: {  	_ =	shalt  }
0x7c: {  	_ =	shalt  }
0x7d: {  	_ =	shalt  }
0x7e: {  	_ =	shalt  }
0x7f: {  	_ =	shalt  }
0x80: {  	_ =	shalt  }
0x81: {  	_ =	shalt  }
0x82: {  	_ =	shalt  }
0x83: {  	_ =	shalt  }
0x84: {  	_ =	shalt  }
0x85: {  	_ =	shalt  }
0x86: {  	_ =	shalt  }
0x87: {  	_ =	shalt  }
.Lfunc_end0:
.L_simem_size_0:
called_computation_lowered:
.L_overlay_start_0:
0x88: {  	s2 =	sld [smem:$0x3FD9]  }
0x89: {  	s3 =	sld [smem:$0x3FFE];
	_ =	sdelay $0x1  }
0x8a: {  	s1 =	srdreg.scid  }
0x8b: {  	s0 =	sand.u32 $0x1, s1  }
0x8c: {  	s17 =	sshll.u32 s0, $0xA;
	s2 =	sadd.s32 s3, s2  }
0x8d: {  	s2 =	sadd.s32 s2, s17  }
0x8e: {  	[smem:$0x3FBB] =	sst s2  }
0x8f: {  	_ = 	snop  }
0x90: {  	s2 =	sld [smem:$0x3FD0];
	(tm) =	ssettm $0x1  }
0x91: {  	s18 =	sld [smem:$0x3FFB];
	_ =	sdelay $0x3  }
0x92: {  	_ =	strace s18  }
0x93: {  	s3 =	sld [smem:$0x3FFC];
	_ =	sdelay $0x3  }
0x94: {  	_ =	strace s3  }
0x95: {  	s3 =	sld [smem:$0x3FFD];
	_ =	sdelay $0x3  }
0x96: {  	_ =	strace s3  }
0x97: {  	_ =	strace $0x8FFFFFFF  }
0x98: {  	s19 =	sld [smem:$0x3FDB];
	_ =	sdelay $0x1  }
0x99: {  	s4 =	simm.s32 $_scs_section_size  }
0x9a: {  	s5 =	simm.s32 $_size__tile_overlayer_lowered;
	s6 =	simm.s32 $_tile_overlayer_lowered  }
0x9b: {  	s22 =	simm.s32 $0x1BFF;
	s21 =	sshll.u32 s6, $0x1;
	s3 =	sadd.s32 s4, s19  }
0x9c: {  	s7 =	simm.s32 $0x0;
	s20 =	sshll.u32 s5, $0x1;
	s5 =	sadd.s32 s21, s3  }
0x9d: {  	[timem:s7], [sflag:s22] =	dma.local [hbm:s5], s20  }
0x9e: {  	_ =	swait.ge [sflag:s22], s20  }
0x9f: {  	s4 =	ssub.s32 $0x0, s20;
	[sflag:s22] =	ssyncset.done $0x0  }
0xa0: {  	[sflag:s22] =	ssyncadd.s32 s4;
	_ =	sdelay $0x1  }
0xa1: {  	s23 =	simm.s32 $0x1B8B  }
0xa2: {  	_ =	swait.ge [sflag:s23], $0x1  }
0xa3: {  	[sflag:s23] =	ssyncset.done $0x0  }
0xa4: {  	s25 =	simm.s32 $0x1B8E;
	s24 =	sld [smem:$0x3FFE];
	[sflag:s23] =	ssyncadd.s32 $0xFFFFFFFF  }
0xa5: {  	s26 =	simm.s32 $execute0_lowered;
	[smem:$0x3FD2] =	sst s25  }
0xa6: {  	s5 =	sshll.u32 s26, $0x1;
	_ =	strace $0x80000046;
	[dreg:$0x1] =	wrdreg $0xFFFFFFFF  }
0xa7: {  	s28 =	simm.s32 $_size_execute0_lowered;
	s3 =	sadd.s32 s3, s5;
	[dreg:$0x0] =	wrdreg $0x0  }
0xa8: {  	s5 =	sshll.u32 s28, $0x1;
	[dreg:$0x2] =	wrdreg s3  }
0xa9: {  	[dreg:$0x3] =	wrdreg s5  }
0xaa: {  	[dreg:$0x4] =	wrdreg $0xC0  }
0xab: {  	_ =	task [dreg:s7], $0x5FFFF  }
0xac: {  	[dreg:$0x1] =	wrdreg $0xFFFFFFFF  }
0xad: {  	[dreg:$0x0] =	wrdreg $0x60  }
0xae: {  	[dreg:$0x2] =	wrdreg s24  }
0xaf: {  	[dreg:$0x3] =	wrdreg s2  }
0xb0: {  	[dreg:$0x4] =	wrdreg $0x4800  }
0xb1: {  	[dreg:$0x5] =	wrdreg $0x9  }
0xb2: {  	_ =	task.clear_ibuf [dreg:s7], $0x6FFFF;
	_ =	strace $0x90000046  }
0xb3: {  	s29 =	simm.s32 $0x9;
	_ =	strace $0x80000048  }
0xb4: {  	_ =	swait.ge [sflag:s29], $0x1  }
0xb5: {  	[sflag:s29] =	ssyncadd.s32 $0xFFFFFFFF  }
0xb6: {  	_ =	strace $0x90000048  }
0xb7: {  	_ =	sfence  }
0xb8: {  	s30 =	sld [smem:$0x0];
	_ =	sdelay $0x2  }
0xb9: {  	s31 =	sshll.u32 s1, $0xD;
	s1 =	sshrl.u32 s1, $0x2  }
0xba: {  	s3 =	sand.u32 $0x4000, s31;
	s1 =	sadd.s32 s1, s30  }
0xbb: {  	s0 =	sor.u32 s3, s0;
	s1 =	sshll.u32 s1, $0x11  }
0xbc: {  	s0 =	sor.u32 s1, s0  }
0xbd: {  	s0 =	sadd.s32 $0x8F2B, s0  }
0xbe: {  	[sflag:s0] =	ssyncadd.remote.s32 $0x1  }
0xbf: {  	_ =	sfence.sel $0xFFFF  }
0xc0: {  	[dreg:$0x0] =	wrdreg $0xFFFFFFFF;
	(pc) =	sbr.abs _section_cstart, $3  }
0xc1: {  	[dreg:$0x1] =	wrdreg $0xFFFFFFFF  }
0xc2: {  	_ =	task.clear_ibuf [dreg:s7], $0x2FFFF;
	_ =	strace $0x9FFFFFFF  }
0xc3: {  	(tm) =	ssettm $0x7FFFFFFF  }
tec
execute0_lowered:
.L_overlay_start_1:
0x0: {  	(tag) =	ssettag $0x1  }
0x1: {  	s0 =	rddreg [dreg:$0x0];
	s8 =	stileid.u32  }
0x2: {  	s1 =	srdreg.scid;
	s3 =	rddreg [dreg:$0x2]  }
0x3: {  	s4 =	simm.s32 $0x0;
	s12 =	simm.s32 $0xD;
	s28 =	simm.s32 $0x1  }
0x4: {  	s29 =	simm.s32 $0x40;
	s30 =	simm.s32 $0x200;
	s31 =	simm.s32 $0x2  }
0x5: {  	s9 =	simm.s32 $0x7;
	s10 =	simm.s32 $0xB;
	s2 =	smul.u32 $0x2800, s8  }
0x6: {  	s11 =	simm.s32 $0x8;
	s1 =	sand.u32 $0x1, s1;
	s16 =	smul.u32 $0x500, s8  }
0x7: {  	[smem:$0x7FF] =	sst s4;
	s17 =	smul.u32 $0xA00, s8;
	s7 =	sadd.s32 $0xCA00, s0  }
0x8: {  	s26 =	sshll.u32 s8, $0x6;
	s8 =	simm.s32 $0x9;
	p0 =	seq.s32 s1, $0x0  }
0x9: {  	_ =	strace $0x80000047;
	s6 =	sshll.u32 s1, $0x7;
	s1 =	ssub.s32 $0x2, s1  }
0xa: {  	[dreg:$0x4] =	wrdreg s7;
	s7 =	simm.s32 $0x5;
	s5 =	sadd.s32 $0x28000, s2  }
0xb: {  	s18 =	sshrl.u32 s1, $0x1;
	s19 =	sshrl.u32 s17, $0x2;
	s5 =	smov.u32 @p0 s2  }
0xc: {  	s1 =	ssub.s32 s1, s18;
	s2 =	sshrl.u32 s5, $0x3;
	s5 =	sor.u32 s6, s16  }
0xd: {  	s24 =	smax.u32 s1, $0x1;
	s6 =	simm.s32 $0x380;
	s2 =	sadd.s32 s2, s0  }
0xe: {  	s5 =	sshrl.u32 s5, $0x3;
	[dreg:$0xa] =	wrdreg s24;
	s24 =	simm.s32 $0x0  }
0xf: {  	s0 =	sadd.s32 s5, s0;
	s5 =	sadd.s32 s19, s3;
	s20 =	sadd.s32 $0x2A00, s2  }
0x10: {  	s21 =	sadd.s32 $0x2A08, s2;
	s22 =	sadd.s32 $0x2A10, s2;
	s23 =	sadd.s32 $0x2A18, s2  }
0x11: {  	s25 =	sadd.s32 $0x2A58, s2;
	s13 =	sadd.s32 $0x2A50, s2;
	s14 =	sadd.s32 $0x2A48, s2  }
0x12: {  	s15 =	sadd.s32 $0x2A40, s2;
	s16 =	sadd.s32 $0x2A38, s2;
	[dreg:$0x5] =	wrdreg s20  }
0x13: {  	s17 =	sadd.s32 $0x2A30, s2;
	s18 =	sadd.s32 $0x2A28, s2;
	[dreg:$0x6] =	wrdreg s21  }
0x14: {  	s19 =	sadd.s32 $0x2A20, s2;
	s2 =	simm.s32 $0x300;
	[dreg:$0x7] =	wrdreg s22  }
.Ltmp0:
0x15: {  	[dreg:$0x8] =	wrdreg s23;
	s0 =	sadd.s32 $0xCC00, s0;
	(pc) =	sbr.rel .LBB2_1-.Ltmp0, $4  }
0x16: {  	[dreg:$0xb] =	wrdreg s25;
	s20 =	simm.s32 $0x400;
	s21 =	sor.u32 $0x1C0D, s26  }
0x17: {  	s23 =	sshrl.u32 s5, $0x3;
	s25 =	simm.s32 $0x100;
	[dreg:$0x9] =	wrdreg s0  }
0x18: {  	s26 =	simm.s32 $0x180;
	s5 =	simm.s32 $0x4;
	[dreg:$0xc] =	wrdreg s21  }
0x19: {  	s22 =	simm.s32 $0xC;
	s0 =	simm.s32 $0x3;
	[dreg:$0xd] =	wrdreg s23  }
.LBB2_4:
0x1a: {  	_ =	swait.ge [sflag:s11], $0x40  }
0x1b: {  	[sflag:s11] =	ssyncset.done $0x0  }
0x1c: {  	[sflag:s11] =	ssyncadd.s32 $0xFFFFFFC0  }
0x1d: {  	_ =	swait.ge [sflag:s22], $0x40  }
0x1e: {  	[sflag:s22] =	ssyncset.done $0x0  }
0x1f: {  	[sflag:s22] =	ssyncadd.s32 $0xFFFFFFC0  }
0x20: {  	[spmem:s3] =	stream.indirect.scatter.add.f32 [tilespmem:s20], [sflag:$0xC], $0x1, s6, s29, $0xb8;
	[tilespmem:$0x700] =	vst v63  }
0x21: {  	_ =	swait.ge [sflag:s8], $0x40  }
0x22: {  	[sflag:s8] =	ssyncset.done $0x0  }
0x23: {  	s1 =	simm.s32 $0xA;
	[sflag:s8] =	ssyncadd.s32 $0xFFFFFFC0  }
0x24: {  	_ =	swait.ge [sflag:s1], $0x40  }
0x25: {  	[sflag:s1] =	ssyncset.done $0x0  }
0x26: {  	[sflag:s1] =	ssyncadd.s32 $0xFFFFFFC0  }
0x27: {  	_ =	swait.ge [sflag:s10], $0x40  }
0x28: {  	[sflag:s10] =	ssyncset.done $0x0  }
0x29: {  	[sflag:s10] =	ssyncadd.s32 $0xFFFFFFC0  }
0x2a: {  	_ =	swait.ge [sflag:s22], $0x40  }
0x2b: {  	[sflag:s22] =	ssyncset.done $0x0  }
0x2c: {  	[sflag:s22] =	ssyncadd.s32 $0xFFFFFFC0  }
0x2d: {  	[bflag:$0x0] =	sbarrier.arrive $0xFFFF  }
0x2e: {  	s1 =	rddreg [dreg:$0x9]  }
0x2f: {  	s21 =	rddreg [dreg:$0xc]  }
0x30: {  	s12 =	simm.s32 $0x20;
	s24 =	simm.s32 $0x10;
	s23 =	rddreg [dreg:$0xd]  }
0x31: {  	[hbm:s1@s12], [sflag:s21] =	dma.strided [spmem:s23@s24], $0x50, s28, $0x10   }
0x32: {  	s12 =	simm.s32 $0xD  }
0x33: {  	_ =	swait.ge [sflag:s12], $0x50  }
0x34: {  	s1 =	rddreg [dreg:$0xe]  }
0x35: {  	s24 =	sadd.s32 $0x1, s1;
	s1 =	rddreg [dreg:$0xa]  }
0x36: {  	p0 =	sne.s32 s24, s1  }
.Ltmp1:
0x37: {  	_ = 	snop;
	(pc) =	sbr.rel @!p0 .LBB2_5-.Ltmp1, $3  }
0x38: {  	_ =	sdelay $0x1  }
0x39: {  	[sflag:s12] =	ssyncset.done $0x0  }
0x3a: {  	[sflag:s12] =	ssyncadd.s32 $0xFFFFFFB0  }
.LBB2_1:
0x3b: {  	[dreg:$0xe] =	wrdreg s24  }
0x3c: {  	s1 =	rddreg [dreg:$0x4]  }
0x3d: {  	[tilespmem:s20], [sflag:$0xD] =	stream.linear.gather [hbm4b:s1+s4], $0x80, $0x38;
	[tilespmem:$0x700] =	vst v63  }
0x3e: {  	_ =	swait.ge [sflag:s12], $0x80  }
0x3f: {  	[sflag:s12] =	ssyncset.done $0x0  }
0x40: {  	[sflag:s12] =	ssyncadd.s32 $0xFFFFFF80  }
0x41: {  	s24 =	rddreg [dreg:$0x1]  }
0x42: {  	[spmem:s23], [sflag:s21] =	dma.local [hbm:s24], $0x50  }
0x43: {  	_ =	swait.ge [sflag:s12], $0x50  }
0x44: {  	[sflag:s12] =	ssyncset.done $0x0  }
0x45: {  	s24 =	rddreg [dreg:$0x5];
	[sflag:s12] =	ssyncadd.s32 $0xFFFFFFB0  }
0x46: {  	[tilespmem:s4], [sflag:$0x1] =	stream.linear.gather [hbm4b:s24+s4], $0x40, $0x38;
	[tilespmem:$0x700] =	vst v63  }
0x47: {  	s21 =	simm.s32 $0x80;
	s12 =	rddreg [dreg:$0x6]  }
0x48: {  	[tilespmem:s21], [sflag:$0x2] =	stream.linear.gather [hbm4b:s12+s4], $0x40, $0x38;
	[tilespmem:$0x700] =	vst v63  }
0x49: {  	s23 =	rddreg [dreg:$0x7]  }
0x4a: {  	[tilespmem:s25], [sflag:$0x3] =	stream.linear.gather [hbm4b:s23+s4], $0x40, $0x38;
	[tilespmem:$0x700] =	vst v63  }
0x4b: {  	s24 =	rddreg [dreg:$0x8]  }
0x4c: {  	[tilespmem:s26], [sflag:$0x4] =	stream.linear.gather [hbm4b:s24+s4], $0x40, $0x38;
	[tilespmem:$0x700] =	vst v63  }
0x4d: {  	s21 =	simm.s32 $0x0;
	[bflag:$0x0] =	sbarrier.arrive $0xFFFF  }
.LBB2_2:
0x4e: {  	_ =	swait.ge [sflag:s28], $0x40  }
0x4f: {  	p0 =	seq.s32 s21, $0x0;
	[sflag:s28] =	ssyncset.done $0x0  }
0x50: {  	s23 =	simm.s32 @!p0 $0x9;
	[sflag:s28] =	ssyncadd.s32 $0xFFFFFFC0  }
0x51: {  	_ =	swait.ge @!p0 [sflag:s23], $0x40  }
0x52: {  	[sflag:s23] =	ssyncset.done @!p0 $0x0  }
0x53: {  	[sflag:s23] =	ssyncadd.s32 @!p0 $0xFFFFFFC0  }
0x54: {  	[spmem:s3] =	stream.indirect.scatter.add.f32 [tilespmem:s20], [sflag:$0x9], $0x1, s4, s29, $0xb8;
	[tilespmem:$0x700] =	vst v63  }
0x55: {  	s1 =	sadd.s32 s21, s19  }
0x56: {  	[tilespmem:s30], [sflag:$0x5] =	stream.linear.gather [hbm4b:s1+s4], $0x40, $0x38;
	[tilespmem:$0x700] =	vst v63  }
0x57: {  	_ =	swait.ge [sflag:s31], $0x40  }
0x58: {  	[sflag:s31] =	ssyncset.done $0x0  }
0x59: {  	s23 =	simm.s32 @!p0 $0xA;
	[sflag:s31] =	ssyncadd.s32 $0xFFFFFFC0  }
0x5a: {  	_ =	swait.ge @!p0 [sflag:s23], $0x40  }
0x5b: {  	[sflag:s23] =	ssyncset.done @!p0 $0x0  }
0x5c: {  	s1 =	simm.s32 $0x80;
	[sflag:s23] =	ssyncadd.s32 @!p0 $0xFFFFFFC0  }
0x5d: {  	[spmem:s3] =	stream.indirect.scatter.add.f32 [tilespmem:s20], [sflag:$0xA], $0x1, s1, s29, $0xb8;
	[tilespmem:$0x700] =	vst v63  }
0x5e: {  	s12 =	sadd.s32 s21, s18;
	s24 =	simm.s32 $0x280  }
0x5f: {  	[tilespmem:s24], [sflag:$0x6] =	stream.linear.gather [hbm4b:s12+s4], $0x40, $0x38;
	[tilespmem:$0x700] =	vst v63  }
0x60: {  	_ =	swait.ge [sflag:s0], $0x40  }
0x61: {  	[sflag:s0] =	ssyncset.done $0x0  }
0x62: {  	s23 =	simm.s32 @!p0 $0xB;
	[sflag:s0] =	ssyncadd.s32 $0xFFFFFFC0  }
0x63: {  	_ =	swait.ge @!p0 [sflag:s23], $0x40  }
0x64: {  	[sflag:s23] =	ssyncset.done @!p0 $0x0  }
0x65: {  	[sflag:s23] =	ssyncadd.s32 @!p0 $0xFFFFFFC0  }
0x66: {  	[spmem:s3] =	stream.indirect.scatter.add.f32 [tilespmem:s20], [sflag:$0xB], $0x1, s25, s29, $0xb8;
	[tilespmem:$0x700] =	vst v63  }
0x67: {  	s12 =	sadd.s32 s21, s17  }
0x68: {  	[tilespmem:s2], [sflag:$0x7] =	stream.linear.gather [hbm4b:s12+s4], $0x40, $0x38;
	[tilespmem:$0x700] =	vst v63  }
0x69: {  	_ =	swait.ge [sflag:s5], $0x40  }
0x6a: {  	[sflag:s5] =	ssyncset.done $0x0  }
0x6b: {  	s23 =	simm.s32 @!p0 $0xC;
	[sflag:s5] =	ssyncadd.s32 $0xFFFFFFC0  }
0x6c: {  	_ =	swait.ge @!p0 [sflag:s23], $0x40  }
0x6d: {  	[sflag:s23] =	ssyncset.done @!p0 $0x0  }
0x6e: {  	[sflag:s23] =	ssyncadd.s32 @!p0 $0xFFFFFFC0  }
0x6f: {  	[spmem:s3] =	stream.indirect.scatter.add.f32 [tilespmem:s20], [sflag:$0xC], $0x1, s26, s29, $0xb8;
	[tilespmem:$0x700] =	vst v63  }
0x70: {  	s24 =	sadd.s32 s21, s16  }
0x71: {  	[tilespmem:s6], [sflag:$0x8] =	stream.linear.gather [hbm4b:s24+s4], $0x40, $0x38;
	[tilespmem:$0x700] =	vst v63  }
0x72: {  	_ =	swait.ge [sflag:s7], $0x40  }
0x73: {  	[sflag:s7] =	ssyncset.done $0x0  }
0x74: {  	[sflag:s7] =	ssyncadd.s32 $0xFFFFFFC0  }
0x75: {  	_ =	swait.ge [sflag:s8], $0x40  }
0x76: {  	p0 =	seq.s32 s21, $0x4C0;
	[sflag:s8] =	ssyncset.done $0x0  }
0x77: {  	s23 =	simm.s32 @p0 $0x6;
	[sflag:s8] =	ssyncadd.s32 $0xFFFFFFC0  }
0x78: {  	[spmem:s3] =	stream.indirect.scatter.add.f32 [tilespmem:s20], [sflag:$0x9], $0x1, s30, s29, $0xb8;
	[tilespmem:$0x700] =	vst v63  }
0x79: {  	_ =	swait.ge @p0 [sflag:s23], $0x40  }
0x7a: {  	[sflag:s23] =	ssyncset.done @p0 $0x0  }
0x7b: {  	[sflag:s23] =	ssyncadd.s32 @p0 $0xFFFFFFC0;
	s23 =	simm.s32 @p0 $0xA  }
0x7c: {  	_ =	swait.ge @p0 [sflag:s23], $0x40  }
0x7d: {  	s1 =	simm.s32 @p0 $0x400;
	[sflag:s23] =	ssyncset.done @p0 $0x0  }
0x7e: {  	s24 =	simm.s32 @p0 $0x280;
	[sflag:s23] =	ssyncadd.s32 @p0 $0xFFFFFFC0;
	s23 =	simm.s32 @p0 $0x40  }
0x7f: {  	[spmem:s3] =	stream.indirect.scatter.add.f32 @p0 [tilespmem:s1], [sflag:$0xA], $0x1, s24, s23, $0xb8;
	[tilespmem:$0x700] =	vst v63  }
0x80: {  	s1 =	sadd.s32 @!p0 s21, s15;
	s23 =	simm.s32 @!p0 $0x0  }
0x81: {  	[tilespmem:s23], [sflag:$0x1] =	stream.linear.gather @!p0 [hbm4b:s1+s23], $0x40, $0x38;
	[tilespmem:$0x700] =	vst v63  }
0x82: {  	s1 =	simm.s32 @!p0 $0x6  }
0x83: {  	_ =	swait.ge @!p0 [sflag:s1], $0x40  }
0x84: {  	[sflag:s1] =	ssyncset.done @!p0 $0x0  }
0x85: {  	[sflag:s1] =	ssyncadd.s32 @!p0 $0xFFFFFFC0;
	s1 =	simm.s32 @!p0 $0xA  }
0x86: {  	_ =	swait.ge @!p0 [sflag:s1], $0x40  }
0x87: {  	s12 =	simm.s32 @!p0 $0x400;
	[sflag:s1] =	ssyncset.done @!p0 $0x0  }
0x88: {  	s24 =	simm.s32 @!p0 $0x280;
	[sflag:s1] =	ssyncadd.s32 @!p0 $0xFFFFFFC0;
	s1 =	simm.s32 @!p0 $0x40  }
0x89: {  	[spmem:s3] =	stream.indirect.scatter.add.f32 @!p0 [tilespmem:s12], [sflag:$0xA], $0x1, s24, s1, $0xb8;
	[tilespmem:$0x700] =	vst v63  }
0x8a: {  	s1 =	sadd.s32 @!p0 s21, s14;
	s12 =	simm.s32 @!p0 $0x80  }
0x8b: {  	[tilespmem:s12], [sflag:$0x2] =	stream.linear.gather @!p0 [hbm4b:s1+s23], $0x40, $0x38;
	[tilespmem:$0x700] =	vst v63  }
0x8c: {  	_ =	swait.ge [sflag:s9], $0x40  }
0x8d: {  	[sflag:s9] =	ssyncset.done $0x0  }
.Ltmp2:
0x8e: {  	[sflag:s9] =	ssyncadd.s32 $0xFFFFFFC0;
	(pc) =	sbr.rel @p0 .LBB2_4-.Ltmp2, $4  }
0x8f: {  	_ =	swait.ge [sflag:s10], $0x40  }
0x90: {  	[sflag:s10] =	ssyncset.done $0x0  }
0x91: {  	[sflag:s10] =	ssyncadd.s32 $0xFFFFFFC0  }
0x92: {  	[spmem:s3] =	stream.indirect.scatter.add.f32 [tilespmem:s20], [sflag:$0xB], $0x1, s2, s29, $0xb8;
	[tilespmem:$0x700] =	vst v63  }
0x93: {  	s1 =	sadd.s32 s21, s13  }
0x94: {  	[tilespmem:s25], [sflag:$0x3] =	stream.linear.gather [hbm4b:s1+s4], $0x40, $0x38;
	[tilespmem:$0x700] =	vst v63  }
0x95: {  	_ =	swait.ge [sflag:s11], $0x40  }
0x96: {  	[sflag:s11] =	ssyncset.done $0x0  }
0x97: {  	[sflag:s11] =	ssyncadd.s32 $0xFFFFFFC0  }
0x98: {  	_ =	swait.ge [sflag:s22], $0x40  }
.Ltmp3:
0x99: {  	[sflag:s22] =	ssyncset.done $0x0;
	(pc) =	sbr.rel .LBB2_2-.Ltmp3, $4  }
0x9a: {  	s24 =	rddreg [dreg:$0xb];
	[sflag:s22] =	ssyncadd.s32 $0xFFFFFFC0  }
0x9b: {  	[spmem:s3] =	stream.indirect.scatter.add.f32 [tilespmem:s20], [sflag:$0xC], $0x1, s6, s29, $0xb8;
	[tilespmem:$0x700] =	vst v63  }
0x9c: {  	s1 =	sadd.s32 s21, s24;
	s21 =	sadd.s32 $0x40, s21  }
0x9d: {  	[tilespmem:s26], [sflag:$0x4] =	stream.linear.gather [hbm4b:s1+s4], $0x40, $0x38;
	[tilespmem:$0x700] =	vst v63  }
.LBB2_5:
0x9e: {  	_ =	sfence.sel $0x180000  }
0x9f: {  	[bflag:$0x0] =	sbarrier.arrive $0xFFFF  }
0xa0: {  	_ =	strace $0x90000047  }
0xa1: {  	s0 =	stileid.u32;
	[bflag:$0x2] =	sbarrier.arrive $0xFFFF  }
0xa2: {  	p0 =	sne.s32 s0, $0x0;
	s0 =	rddreg [dreg:$0x3]  }
0xa3: {  	s0 =	sadd.s32 @!p0 $0x100000, s0  }
0xa4: {  	[sflag:s0] =	ssyncadd.tile.s32 @!p0 $0x1;
	_ =	shalt  }
.Lfunc_end2:
_tile_overlayer_lowered:
.L_overlay_start_2:
0xa5: {  	(tag) =	ssettag $0x2  }
0xa6: {  	s0 =	rddreg [dreg:$0x0];
	s2 =	stileid.u32  }
0xa7: {  	s1 =	rddreg [dreg:$0x1];
	p0 =	sne.s32 s2, $0x0  }
0xa8: {  	s3 =	rddreg [dreg:$0x2];
	[bflag:$0x3] =	sbarrier.arrive $0xFFFF;
	s2 =	simm.s32 @!p0 $0x1C0D  }
0xa9: {  	[timem:s3], [sflag:s2] =	dma.local @!p0 [hbm:s0], s1  }
0xaa: {  	s0 =	simm.s32 @!p0 $0xD  }
0xab: {  	_ =	swait.ge @!p0 [sflag:s0], s1  }
0xac: {  	s1 =	ssub.s32 @!p0 $0x0, s1;
	[sflag:s0] =	ssyncset.done @!p0 $0x0  }
0xad: {  	[sflag:s0] =	ssyncadd.s32 @!p0 s1  }
0xae: {  	[bflag:$0x3] =	sbarrier.arrive $0xFFFF  }
0xaf: {  	_ =	shalt  }

// kernel: kernel.9.cloned.1.call-start
scs
__scs_entry_jumppad:
0x0: {  	(pc) =	sbr.rel $0x88, $3  }
0x1: {  	(tag) =	ssettag $0x0;
	lr =	simm.s32 $0x1  }
0x2: {  	[smem:$0x3F94] =	sst lr;
	_ =	strace $0xD0000000  }
0x3: {  	_ = 	snop  }
0x4: {  	_ = 	snop  }
0x5: {  	_ = 	snop  }
0x6: {  	_ = 	snop  }
0x7: {  	_ = 	snop  }
__scs_overlays_trampoline_lowered:
0x8: {  	[smem:$0x3FA3] =	sst s0  }
0x9: {  	[smem:$0x3FA4] =	sst s1  }
0xa: {  	[smem:$0x3FA5] =	sst s2  }
0xb: {  	[smem:$0x3FA6] =	sst s3  }
0xc: {  	[smem:$0x3FA7] =	sst s4  }
0xd: {  	[smem:$0x3FA8] =	sst s5  }
0xe: {  	[smem:$0x3FA9] =	sst s6  }
0xf: {  	[smem:$0x3FAA] =	sst s7  }
0x10: {  	[smem:$0x3FAB] =	sst s8  }
0x11: {  	[smem:$0x3FAC] =	sst s9;
	s0 =	simm.s32 @!p0 $0x0  }
0x12: {  	s1 =	sld [smem:$0x3F92];
	s0 =	simm.s32 @p0 $0x1  }
0x13: {  	[smem:$0x3FAD] =	sst s0;
	s0 =	simm.s32 @!p1 $0x0  }
0x14: {  	s2 =	sld [smem:$0x3F91];
	s0 =	simm.s32 @p1 $0x1  }
0x15: {  	[smem:$0x3FAE] =	sst s0;
	s0 =	simm.s32 @!p2 $0x0  }
0x16: {  	s3 =	sld [smem:$0x3FDB];
	s0 =	simm.s32 @p2 $0x1  }
0x17: {  	s4 =	simm.s32 $0x1BF5;
	[smem:$0x3FB0] =	sst s0  }
0x18: {  	s0 =	sld [smem:$0x3F93];
	_ =	swait.ge [sflag:s4], $0x0  }
0x19: {  	s7 =	sld [smem:$0x3F94]  }
0x1a: {  	s8 =	sadd.s32 $0xFFFFE003, lr  }
0x1b: {  	s9 =	sadd.s32 $0xFFFFFEF7, lr;
	s5 =	simm.s32 $0xFFFFFFFF;
	p2 =	slt.u32 s8, $0xFFFFF086  }
0x1c: {  	p1 =	slt.u32 s9, $0xF7A;
	s5 =	simm.s32 @!p2 $0x0  }
0x1d: {  	s5 =	simm.s32 @p1 $0x1;
	p0 =	seq.s32 s7, s2  }
0x1e: {  	s7 =	smul.u32 @!p0 $0xF7A, s2;
	p2 =	seq.s32 @!p0 s5, $0x0  }
0x1f: {  	s9 =	smul.u32 $0xF7A, s1;
	s8 =	simm.s32 @!p0 $0x1BF5;
	p2 =	por !p2, p0  }
0x20: {  	[sflag:s8] =	ssyncset.s32 @!p0 $0xFFFFF086;
	s6 =	sadd.s32 @!p0 s3, s7;
	s7 =	simm.s32 @!p0 $0x108  }
0x21: {  	s3 =	sadd.s32 s3, s9;
	s6 =	sadd.s32 @!p0 $0x88, s6;
	s7 =	simm.s32 @p2 $0x1082  }
0x22: {  	[simem:s7], [sflag:s8] =	dma.local @!p0 [hbm:s6], $0xF7A  }
0x23: {  	s9 =	sor.u32 $0xD0000000, s2;
	s6 =	simm.s32 $0x108;
	_ =	swait.ge @!p0 [sflag:s8], $0x0  }
0x24: {  	s3 =	sadd.s32 $0x88, s3;
	s6 =	simm.s32 @!p1 $0x1082;
	[sflag:s4] =	ssyncset.s32 $0xFFFFF086  }
0x25: {  	[simem:s6], [sflag:s4] =	dma.local [hbm:s3], $0xF7A  }
0x26: {  	[smem:$0x3F94] =	sst s1;
	(tag) =	ssettag s2;
	_ =	strace s9  }
0x27: {  	s1 =	sld [smem:$0x3FA4]  }
0x28: {  	s2 =	sld [smem:$0x3FA5]  }
0x29: {  	s4 =	sld [smem:$0x3FA7]  }
0x2a: {  	p0 =	seq.s32 s5, $0x0;
	s5 =	sld [smem:$0x3FA8]  }
0x2b: {  	s6 =	sld [smem:$0x3FA9]  }
0x2c: {  	s7 =	sld [smem:$0x3FAA]  }
0x2d: {  	s3 =	simm.s32 $0x108;
	s8 =	sld [smem:$0x3FAB]  }
0x2e: {  	s3 =	simm.s32 @!p0 $0x1082;
	s9 =	sld [smem:$0x3FAC]  }
0x2f: {  	lr =	sadd.s32 s0, s3;
	s0 =	sld [smem:$0x3FA3]  }
0x30: {  	s3 =	sld [smem:$0x3FA6]  }
0x31: {  	[smem:$0x3FAF] =	sst s10  }
0x32: {  	s10 =	sld [smem:$0x3FAD];
	_ =	sdelay $0x3  }
0x33: {  	p0 =	seq.s32 s10, $0x1;
	s10 =	sld [smem:$0x3FAF];
	_ =	sdelay $0x3  }
0x34: {  	[smem:$0x3FAF] =	sst s10  }
0x35: {  	s10 =	sld [smem:$0x3FAE];
	_ =	sdelay $0x3  }
0x36: {  	p1 =	seq.s32 s10, $0x1;
	s10 =	sld [smem:$0x3FAF];
	_ =	sdelay $0x3  }
0x37: {  	[smem:$0x3FAF] =	sst s10  }
0x38: {  	s10 =	sld [smem:$0x3FB0]  }
0x39: {  	_ = 	snop;
	(pc) =	sbr.ind lr, $3  }
0x3a: {  	_ = 	snop  }
0x3b: {  	_ = 	snop  }
0x3c: {  	p2 =	seq.s32 s10, $0x1;
	s10 =	sld [smem:$0x3FAF]  }
0x3d: {  	_ =	shalt  }
0x3e: {  	_ =	shalt  }
0x3f: {  	_ =	shalt  }
0x40: {  	_ =	shalt  }
0x41: {  	_ =	shalt  }
0x42: {  	_ =	shalt  }
0x43: {  	_ =	shalt  }
0x44: {  	_ =	shalt  }
0x45: {  	_ =	shalt  }
0x46: {  	_ =	shalt  }
0x47: {  	_ =	shalt  }
0x48: {  	_ =	shalt  }
0x49: {  	_ =	shalt  }
0x4a: {  	_ =	shalt  }
0x4b: {  	_ =	shalt  }
0x4c: {  	_ =	shalt  }
0x4d: {  	_ =	shalt  }
0x4e: {  	_ =	shalt  }
0x4f: {  	_ =	shalt  }
0x50: {  	_ =	shalt  }
0x51: {  	_ =	shalt  }
0x52: {  	_ =	shalt  }
0x53: {  	_ =	shalt  }
0x54: {  	_ =	shalt  }
0x55: {  	_ =	shalt  }
0x56: {  	_ =	shalt  }
0x57: {  	_ =	shalt  }
0x58: {  	_ =	shalt  }
0x59: {  	_ =	shalt  }
0x5a: {  	_ =	shalt  }
0x5b: {  	_ =	shalt  }
0x5c: {  	_ =	shalt  }
0x5d: {  	_ =	shalt  }
0x5e: {  	_ =	shalt  }
0x5f: {  	_ =	shalt  }
0x60: {  	_ =	shalt  }
0x61: {  	_ =	shalt  }
0x62: {  	_ =	shalt  }
0x63: {  	_ =	shalt  }
0x64: {  	_ =	shalt  }
0x65: {  	_ =	shalt  }
0x66: {  	_ =	shalt  }
0x67: {  	_ =	shalt  }
0x68: {  	_ =	shalt  }
0x69: {  	_ =	shalt  }
0x6a: {  	_ =	shalt  }
0x6b: {  	_ =	shalt  }
0x6c: {  	_ =	shalt  }
0x6d: {  	_ =	shalt  }
0x6e: {  	_ =	shalt  }
0x6f: {  	_ =	shalt  }
0x70: {  	_ =	shalt  }
0x71: {  	_ =	shalt  }
0x72: {  	_ =	shalt  }
0x73: {  	_ =	shalt  }
0x74: {  	_ =	shalt  }
0x75: {  	_ =	shalt  }
0x76: {  	_ =	shalt  }
0x77: {  	_ =	shalt  }
0x78: {  	_ =	shalt  }
0x79: {  	_ =	shalt  }
0x7a: {  	_ =	shalt  }
0x7b: {  	_ =	shalt  }
0x7c: {  	_ =	shalt  }
0x7d: {  	_ =	shalt  }
0x7e: {  	_ =	shalt  }
0x7f: {  	_ =	shalt  }
0x80: {  	_ =	shalt  }
0x81: {  	_ =	shalt  }
0x82: {  	_ =	shalt  }
0x83: {  	_ =	shalt  }
0x84: {  	_ =	shalt  }
0x85: {  	_ =	shalt  }
0x86: {  	_ =	shalt  }
0x87: {  	_ =	shalt  }
.Lfunc_end0:
.L_simem_size_0:
called_computation.1_lowered:
.L_overlay_start_0:
0x88: {  	s2 =	sld [smem:$0x3FD9]  }
0x89: {  	s3 =	sld [smem:$0x3FFE];
	_ =	sdelay $0x1  }
0x8a: {  	s1 =	srdreg.scid  }
0x8b: {  	s0 =	sand.u32 $0x1, s1  }
0x8c: {  	s16 =	sshll.u32 s0, $0xA;
	s2 =	sadd.s32 s3, s2  }
0x8d: {  	s2 =	sadd.s32 s2, s16  }
0x8e: {  	[smem:$0x3FBB] =	sst s2  }
0x8f: {  	_ = 	snop  }
0x90: {  	(tm) =	ssettm $0x1  }
0x91: {  	s17 =	sld [smem:$0x3FFB];
	_ =	sdelay $0x3  }
0x92: {  	_ =	strace s17  }
0x93: {  	s2 =	sld [smem:$0x3FFC];
	_ =	sdelay $0x3  }
0x94: {  	_ =	strace s2  }
0x95: {  	s2 =	sld [smem:$0x3FFD];
	_ =	sdelay $0x3  }
0x96: {  	_ =	strace s2  }
0x97: {  	_ =	strace $0x8FFFFFFF  }
0x98: {  	s18 =	sld [smem:$0x3FDB];
	_ =	sdelay $0x1  }
0x99: {  	s19 =	simm.s32 $_scs_section_size  }
0x9a: {  	s4 =	simm.s32 $_size__tile_overlayer_lowered;
	s5 =	simm.s32 $_tile_overlayer_lowered  }
0x9b: {  	s22 =	simm.s32 $0x1BFF;
	s21 =	sshll.u32 s5, $0x1;
	s2 =	sadd.s32 s19, s18  }
0x9c: {  	s6 =	simm.s32 $0x0;
	s20 =	sshll.u32 s4, $0x1;
	s4 =	sadd.s32 s21, s2  }
0x9d: {  	[timem:s6], [sflag:s22] =	dma.local [hbm:s4], s20  }
0x9e: {  	_ =	swait.ge [sflag:s22], s20  }
0x9f: {  	s3 =	ssub.s32 $0x0, s20;
	[sflag:s22] =	ssyncset.done $0x0  }
0xa0: {  	[sflag:s22] =	ssyncadd.s32 s3;
	_ =	sdelay $0x1  }
0xa1: {  	s23 =	simm.s32 $0x1B8B  }
0xa2: {  	_ =	swait.ge [sflag:s23], $0x1  }
0xa3: {  	[sflag:s23] =	ssyncset.done $0x0  }
0xa4: {  	s25 =	simm.s32 $0x1B8E;
	s24 =	sld [smem:$0x3FFE];
	[sflag:s23] =	ssyncadd.s32 $0xFFFFFFFF  }
0xa5: {  	s26 =	simm.s32 $execute0_lowered;
	[smem:$0x3FD2] =	sst s25  }
0xa6: {  	s4 =	sshll.u32 s26, $0x1;
	_ =	strace $0x80000049;
	[dreg:$0x1] =	wrdreg $0xFFFFFFFF  }
0xa7: {  	s28 =	simm.s32 $_size_execute0_lowered;
	s2 =	sadd.s32 s2, s4;
	[dreg:$0x0] =	wrdreg $0x0  }
0xa8: {  	s4 =	sshll.u32 s28, $0x1;
	[dreg:$0x2] =	wrdreg s2  }
0xa9: {  	[dreg:$0x3] =	wrdreg s4  }
0xaa: {  	[dreg:$0x4] =	wrdreg $0xC0  }
0xab: {  	_ =	task [dreg:s6], $0x5FFFF  }
0xac: {  	[dreg:$0x1] =	wrdreg $0xFFFFFFFF  }
0xad: {  	[dreg:$0x0] =	wrdreg $0x60  }
0xae: {  	[dreg:$0x2] =	wrdreg s24  }
0xaf: {  	[dreg:$0x3] =	wrdreg $0x88000  }
0xb0: {  	[dreg:$0x4] =	wrdreg $0x9  }
0xb1: {  	_ =	task.clear_ibuf [dreg:s6], $0x5FFFF;
	_ =	strace $0x90000049  }
0xb2: {  	s29 =	simm.s32 $0x9;
	_ =	strace $0x8000004B  }
0xb3: {  	_ =	swait.ge [sflag:s29], $0x1  }
0xb4: {  	[sflag:s29] =	ssyncadd.s32 $0xFFFFFFFF  }
0xb5: {  	_ =	strace $0x9000004B  }
0xb6: {  	_ =	sfence  }
0xb7: {  	s30 =	sld [smem:$0x0];
	_ =	sdelay $0x2  }
0xb8: {  	s31 =	sshll.u32 s1, $0xD;
	s1 =	sshrl.u32 s1, $0x2  }
0xb9: {  	s3 =	sand.u32 $0x4000, s31;
	s1 =	sadd.s32 s1, s30  }
0xba: {  	s0 =	sor.u32 s3, s0;
	s1 =	sshll.u32 s1, $0x11  }
0xbb: {  	s0 =	sor.u32 s1, s0  }
0xbc: {  	s0 =	sadd.s32 $0x8F2B, s0  }
0xbd: {  	[sflag:s0] =	ssyncadd.remote.s32 $0x1  }
0xbe: {  	_ =	sfence.sel $0xFFFF  }
0xbf: {  	[dreg:$0x0] =	wrdreg $0xFFFFFFFF;
	(pc) =	sbr.abs _section_cstart, $3  }
0xc0: {  	[dreg:$0x1] =	wrdreg $0xFFFFFFFF  }
0xc1: {  	_ =	task.clear_ibuf [dreg:s6], $0x2FFFF;
	_ =	strace $0x9FFFFFFF  }
0xc2: {  	(tm) =	ssettm $0x7FFFFFFF  }
0xc3: {  	_ =	shalt  }
tec
execute0_lowered:
.L_overlay_start_1:
0x0: {  	(tag) =	ssettag $0x1  }
0x1: {  	s2 =	rddreg [dreg:$0x0];
	s9 =	stileid.u32  }
0x2: {  	s1 =	simm.s32 $0x0;
	s0 =	srdreg.scid;
	s3 =	smul.u32 $0x2800, s9  }
0x3: {  	s28 =	rddreg [dreg:$0x1];
	s29 =	simm.s32 $0x4800;
	s0 =	sand.u32 $0x1, s0  }
0x4: {  	[smem:$0x7FF] =	sst s1;
	p0 =	seq.s32 s0, $0x0;
	s5 =	sadd.s32 $0x28000, s3  }
0x5: {  	s6 =	sadd.s32 $0xD600, s2;
	s7 =	smul.u32 $0x14000, s9;
	s5 =	smov.u32 @p0 s3  }
0x6: {  	s4 =	smul.u32 $0x140000, s0;
	s0 =	ssub.s32 $0x2, s0;
	s5 =	sshrl.u32 s5, $0x3  }
0x7: {  	s15 =	sshrl.u32 s0, $0x1;
	s3 =	sadd.s32 $0x2A00, s2;
	s8 =	sor.u32 $0x8, s5  }
0x8: {  	s4 =	sadd.s32 s7, s4;
	s7 =	ssub.s32 s0, s15;
	s16 =	sadd.s32 s6, s8  }
0x9: {  	s17 =	sor.u32 $0x10, s5;
	s8 =	sadd.s32 s3, s8;
	[dreg:$0x3] =	wrdreg s16  }
0xa: {  	s19 =	sor.u32 $0x18, s5;
	s18 =	sadd.s32 s6, s17;
	[dreg:$0x4] =	wrdreg s8  }
0xb: {  	s21 =	sor.u32 $0x20, s5;
	s0 =	sadd.s32 s3, s17;
	[dreg:$0x5] =	wrdreg s18  }
0xc: {  	s23 =	sor.u32 $0x28, s5;
	s20 =	sadd.s32 s6, s19;
	[dreg:$0x6] =	wrdreg s0  }
0xd: {  	s25 =	sor.u32 $0x68, s5;
	s22 =	sadd.s32 s6, s21;
	[dreg:$0x7] =	wrdreg s20  }
0xe: {  	s30 =	sor.u32 $0x60, s5;
	s24 =	sadd.s32 s6, s23;
	[dreg:$0x9] =	wrdreg s22  }
0xf: {  	s10 =	sor.u32 $0x58, s5;
	s26 =	sadd.s32 s25, s3;
	[dreg:$0xb] =	wrdreg s24  }
0x10: {  	s12 =	sor.u32 $0x50, s5;
	s31 =	sadd.s32 s30, s3;
	[dreg:$0xd] =	wrdreg s26  }
0x11: {  	s14 =	sor.u32 $0x48, s5;
	s11 =	sadd.s32 s10, s3;
	[dreg:$0xf] =	wrdreg s31  }
0x12: {  	s13 =	sadd.s32 s12, s3;
	s15 =	sadd.s32 s14, s3;
	[dreg:$0x11] =	wrdreg s11  }
0x13: {  	s8 =	sadd.s32 s3, s19;
	s0 =	sadd.s32 s3, s21;
	[dreg:$0x13] =	wrdreg s13  }
0x14: {  	[dreg:$0x15] =	wrdreg s15;
	s16 =	sor.u32 $0x40, s5;
	s18 =	sor.u32 $0x38, s5  }
0x15: {  	s20 =	sadd.s32 s6, s5;
	s21 =	sadd.s32 s3, s5;
	s22 =	sor.u32 $0x30, s5  }
0x16: {  	s24 =	smul.u32 $0x50000, s9;
	s26 =	sshll.u32 s9, $0x6;
	s31 =	smax.u32 s7, $0x1  }
0x17: {  	s13 =	simm.s32 $0x680;
	s7 =	simm.s32 $0x40;
	[dreg:$0x8] =	wrdreg s8  }
0x18: {  	s9 =	simm.s32 $0x2;
	s11 =	simm.s32 $0x9;
	[dreg:$0xa] =	wrdreg s0  }
0x19: {  	s5 =	simm.s32 $0xA;
	s15 =	simm.s32 $0xB;
	[dreg:$0x1b] =	wrdreg s20  }
0x1a: {  	s8 =	sadd.s32 s3, s23;
	s0 =	sadd.s32 s25, s6;
	[dreg:$0x1c] =	wrdreg s21  }
0x1b: {  	s17 =	sadd.s32 s16, s3;
	s19 =	sadd.s32 s18, s3;
	[dreg:$0xc] =	wrdreg s8  }
0x1c: {  	s3 =	sadd.s32 s22, s3;
	s23 =	sshrl.u32 s4, $0x3;
	[dreg:$0xe] =	wrdreg s0  }
0x1d: {  	s20 =	simm.s32 $0x6;
	s21 =	simm.s32 $0xF;
	[dreg:$0x17] =	wrdreg s17  }
0x1e: {  	s8 =	sadd.s32 s30, s6;
	s0 =	sadd.s32 s10, s6;
	[dreg:$0x19] =	wrdreg s19  }
0x1f: {  	[dreg:$0x1d] =	wrdreg s3;
	s4 =	sadd.s32 s23, s2;
	s25 =	sshrl.u32 s24, $0x2  }
0x20: {  	s10 =	simm.s32 $0x2800;
	s3 =	simm.s32 $0x4;
	s17 =	simm.s32 $0x5  }
0x21: {  	s19 =	simm.s32 $0xE;
	s23 =	simm.s32 $0x10;
	[dreg:$0x10] =	wrdreg s8  }
0x22: {  	s24 =	simm.s32 $0x8;
	[dreg:$0x12] =	wrdreg s0;
	s8 =	sadd.s32 s12, s6  }
0x23: {  	s0 =	sadd.s32 s14, s6;
	s30 =	sadd.s32 $0x41E00, s4;
	[dreg:$0x14] =	wrdreg s8  }
0x24: {  	s12 =	simm.s32 $0x6800;
	[dreg:$0x16] =	wrdreg s0;
	s8 =	sadd.s32 s16, s6  }
0x25: {  	s14 =	simm.s32 $0x0;
	s0 =	sadd.s32 s18, s6;
	[dreg:$0x18] =	wrdreg s8  }
0x26: {  	s16 =	simm.s32 $0xD;
	[dreg:$0x1a] =	wrdreg s0;
	s0 =	sadd.s32 s22, s6  }
0x27: {  	[dreg:$0x1e] =	wrdreg s0;
	s0 =	sadd.s32 $0x17600, s2;
	s2 =	sadd.s32 $0x3F600, s2  }
.Ltmp0:
0x28: {  	_ =	strace $0x8000004A;
	[dreg:$0x1f] =	wrdreg s2;
	(pc) =	sbr.rel .LBB2_1-.Ltmp0, $4  }
0x29: {  	s18 =	simm.s32 $0xC;
	s6 =	sor.u32 $0x1C11, s26;
	[smem:$0x7FB] =	sst s30  }
0x2a: {  	s8 =	simm.s32 $0x800;
	s26 =	simm.s32 $0x3;
	[smem:$0x7FC] =	sst s31  }
0x2b: {  	s22 =	simm.s32 $0x7;
	s2 =	sadd.s32 s25, s28;
	[smem:$0x7FD] =	sst s6  }
0x2c: {  	s25 =	simm.s32 $0x11;
	[smem:$0x7FA] =	sst s2;
	s2 =	simm.s32 $0x280  }
.LBB2_4:
0x2d: {  	_ =	swait.ge [sflag:s21], $0x2000  }
0x2e: {  	[sflag:s21] =	ssyncset.done $0x0  }
0x2f: {  	[sflag:s21] =	ssyncadd.s32 $0xFFFFE000  }
0x30: {  	_ =	swait.ge [sflag:s23], $0x2000  }
0x31: {  	[sflag:s23] =	ssyncset.done $0x0  }
0x32: {  	[sflag:s23] =	ssyncadd.s32 $0xFFFFE000  }
0x33: {  	[bflag:$0x0] =	sbarrier.arrive $0xFFFF  }
0x34: {  	s6 =	sld [smem:$0x7FD]  }
0x35: {  	s4 =	sld [smem:$0x7FB]  }
0x36: {  	s2 =	sld [smem:$0x7F9];
	_ =	sdelay $0x1  }
0x37: {  	s25 =	simm.s32 $0x11  }
0x38: {  	[hbm:s4], [sflag:s6] =	dma.local [spmem:s2], $0x2800  }
0x39: {  	_ =	swait.ge [sflag:s25], $0x2800  }
0x3a: {  	s14 =	sld [smem:$0x7F8]  }
0x3b: {  	s31 =	sld [smem:$0x7FC];
	_ =	sdelay $0x1  }
0x3c: {  	s14 =	sadd.s32 $0x1, s14  }
0x3d: {  	p0 =	sne.s32 s14, s31  }
.Ltmp1:
0x3e: {  	_ = 	snop;
	(pc) =	sbr.rel @!p0 .LBB2_5-.Ltmp1, $3  }
0x3f: {  	_ =	sdelay $0x1  }
0x40: {  	[sflag:s25] =	ssyncset.done $0x0  }
0x41: {  	s13 =	simm.s32 $0x680;
	s2 =	simm.s32 $0x280;
	[sflag:s25] =	ssyncadd.s32 $0xFFFFD800  }
.LBB2_1:
0x42: {  	s4 =	sld [smem:$0x7FA];
	_ =	sdelay $0x1  }
0x43: {  	[smem:$0x7F8] =	sst s14  }
0x44: {  	s31 =	rddreg [dreg:$0x1f];
	s30 =	sshrl.u32 s4, $0x3  }
0x45: {  	[smem:$0x7F9] =	sst s30  }
0x46: {  	[spmem:s30], [sflag:s6] =	dma.local [hbm:s31], $0x2800  }
0x47: {  	_ =	swait.ge [sflag:s25], $0x2800  }
0x48: {  	[sflag:s25] =	ssyncset.done $0x0  }
0x49: {  	s6 =	rddreg [dreg:$0x1b];
	[sflag:s25] =	ssyncadd.s32 $0xFFFFD800  }
0x4a: {  	[tilespmem:s1], [sflag:$0x1] =	stream.linear.gather [hbm4b:s6+s1], $0x40, $0x38;
	[tilespmem:$0x1C800] =	vst v63  }
0x4b: {  	s14 =	rddreg [dreg:$0x1c];
	s25 =	simm.s32 $0x400  }
0x4c: {  	[tilespmem:s25], [sflag:$0x1] =	stream.linear.gather [hbm4b:s14+s1], $0x40, $0x38;
	[tilespmem:$0x1C800] =	vst v63  }
0x4d: {  	s30 =	rddreg [dreg:$0x3];
	s6 =	simm.s32 $0x80  }
0x4e: {  	[tilespmem:s6], [sflag:$0x2] =	stream.linear.gather [hbm4b:s30+s1], $0x40, $0x38;
	[tilespmem:$0x1C800] =	vst v63  }
0x4f: {  	s31 =	rddreg [dreg:$0x4];
	s14 =	simm.s32 $0x480  }
0x50: {  	[tilespmem:s14], [sflag:$0x2] =	stream.linear.gather [hbm4b:s31+s1], $0x40, $0x38;
	[tilespmem:$0x1C800] =	vst v63  }
0x51: {  	s25 =	rddreg [dreg:$0x5];
	s30 =	simm.s32 $0x100  }
0x52: {  	[tilespmem:s30], [sflag:$0x3] =	stream.linear.gather [hbm4b:s25+s1], $0x40, $0x38;
	[tilespmem:$0x1C800] =	vst v63  }
0x53: {  	s31 =	rddreg [dreg:$0x6];
	s14 =	simm.s32 $0x500  }
0x54: {  	[tilespmem:s14], [sflag:$0x3] =	stream.linear.gather [hbm4b:s31+s1], $0x40, $0x38;
	[tilespmem:$0x1C800] =	vst v63  }
0x55: {  	s25 =	rddreg [dreg:$0x7];
	s30 =	simm.s32 $0x180  }
0x56: {  	[tilespmem:s30], [sflag:$0x4] =	stream.linear.gather [hbm4b:s25+s1], $0x40, $0x38;
	[tilespmem:$0x1C800] =	vst v63  }
0x57: {  	s31 =	rddreg [dreg:$0x8];
	s14 =	simm.s32 $0x580  }
0x58: {  	[tilespmem:s14], [sflag:$0x4] =	stream.linear.gather [hbm4b:s31+s1], $0x40, $0x38;
	[tilespmem:$0x1C800] =	vst v63  }
0x59: {  	s25 =	rddreg [dreg:$0x9];
	s30 =	simm.s32 $0x200  }
0x5a: {  	[tilespmem:s30], [sflag:$0x5] =	stream.linear.gather [hbm4b:s25+s1], $0x40, $0x38;
	[tilespmem:$0x1C800] =	vst v63  }
0x5b: {  	s31 =	rddreg [dreg:$0xa];
	s14 =	simm.s32 $0x600  }
0x5c: {  	[tilespmem:s14], [sflag:$0x5] =	stream.linear.gather [hbm4b:s31+s1], $0x40, $0x38;
	[tilespmem:$0x1C800] =	vst v63  }
0x5d: {  	s25 =	rddreg [dreg:$0xb]  }
0x5e: {  	[tilespmem:s2], [sflag:$0x6] =	stream.linear.gather [hbm4b:s25+s1], $0x40, $0x38;
	[tilespmem:$0x1C800] =	vst v63  }
0x5f: {  	s30 =	rddreg [dreg:$0xc];
	s31 =	simm.s32 $0x1  }
0x60: {  	[tilespmem:s13], [sflag:$0x6] =	stream.linear.gather [hbm4b:s30+s1], $0x40, $0x38;
	[tilespmem:$0x1C800] =	vst v63  }
0x61: {  	_ =	swait.ge [sflag:s31], $0x40  }
0x62: {  	[sflag:s31] =	ssyncset.done $0x0  }
0x63: {  	[sflag:s31] =	ssyncadd.s32 $0xFFFFFFC0  }
0x64: {  	_ =	swait.ge [sflag:s31], $0x40  }
0x65: {  	[sflag:s31] =	ssyncset.done $0x0  }
0x66: {  	[sflag:s31] =	ssyncadd.s32 $0xFFFFFFC0  }
0x67: {  	[tilespmem:s8], [sflag:$0x9] =	stream.indirect.gather [hbm4b:s0+s7], $0x80, s1, s7, $0xb8;
	[tilespmem:$0x1C800] =	vst v63  }
0x68: {  	_ =	swait.ge [sflag:s9], $0x40  }
0x69: {  	[sflag:s9] =	ssyncset.done $0x0  }
0x6a: {  	[sflag:s9] =	ssyncadd.s32 $0xFFFFFFC0  }
0x6b: {  	_ =	swait.ge [sflag:s9], $0x40  }
0x6c: {  	[sflag:s9] =	ssyncset.done $0x0  }
0x6d: {  	[sflag:s9] =	ssyncadd.s32 $0xFFFFFFC0  }
0x6e: {  	[tilespmem:s10], [sflag:$0xA] =	stream.indirect.gather [hbm4b:s0+s7], $0x80, s6, s7, $0xb8;
	[tilespmem:$0x1C800] =	vst v63  }
0x6f: {  	s25 =	simm.s32 $0x0;
	[bflag:$0x0] =	sbarrier.arrive $0xFFFF  }
.LBB2_2:
0x70: {  	_ =	swait.ge [sflag:s11], $0x2000  }
0x71: {  	p0 =	seq.s32 s25, $0x0;
	[sflag:s11] =	ssyncset.done $0x0  }
0x72: {  	s4 =	simm.s32 $0x400;
	s30 =	simm.s32 @!p0 $0xF;
	[sflag:s11] =	ssyncadd.s32 $0xFFFFE000  }
0x73: {  	[spmem:s28] =	stream.indirect.scatter.add.f32 [tilespmem:s8], [sflag:$0xD], $0x80, s4, s7, $0xb8;
	[tilespmem:$0x1C800] =	vst v63  }
0x74: {  	_ =	swait.ge @!p0 [sflag:s30], $0x2000  }
0x75: {  	[sflag:s30] =	ssyncset.done @!p0 $0x0  }
0x76: {  	[sflag:s30] =	ssyncadd.s32 @!p0 $0xFFFFE000  }
0x77: {  	_ =	swait.ge [sflag:s26], $0x40  }
0x78: {  	[sflag:s26] =	ssyncset.done $0x0  }
0x79: {  	[sflag:s26] =	ssyncadd.s32 $0xFFFFFFC0  }
0x7a: {  	_ =	swait.ge [sflag:s26], $0x40  }
0x7b: {  	[sflag:s26] =	ssyncset.done $0x0  }
0x7c: {  	s14 =	simm.s32 $0x100;
	s30 =	rddreg [dreg:$0x1e];
	[sflag:s26] =	ssyncadd.s32 $0xFFFFFFC0  }
0x7d: {  	[tilespmem:s29], [sflag:$0xB] =	stream.indirect.gather [hbm4b:s0+s7], $0x80, s14, s7, $0xb8;
	[tilespmem:$0x1C800] =	vst v63  }
0x7e: {  	s2 =	rddreg [dreg:$0x1d];
	s31 =	sadd.s32 s25, s30;
	s14 =	simm.s32 $0x300  }
0x7f: {  	[tilespmem:s14], [sflag:$0x7] =	stream.linear.gather [hbm4b:s31+s1], $0x40, $0x38;
	[tilespmem:$0x1C800] =	vst v63  }
0x80: {  	s13 =	simm.s32 $0x700;
	s6 =	sadd.s32 s25, s2  }
0x81: {  	[tilespmem:s13], [sflag:$0x7] =	stream.linear.gather [hbm4b:s6+s1], $0x40, $0x38;
	[tilespmem:$0x1C800] =	vst v63  }
0x82: {  	_ =	swait.ge [sflag:s5], $0x2000  }
0x83: {  	[sflag:s5] =	ssyncset.done $0x0  }
0x84: {  	s30 =	simm.s32 @!p0 $0x10;
	s31 =	simm.s32 $0x480;
	[sflag:s5] =	ssyncadd.s32 $0xFFFFE000  }
0x85: {  	[spmem:s28] =	stream.indirect.scatter.add.f32 [tilespmem:s10], [sflag:$0xE], $0x80, s31, s7, $0xb8;
	[tilespmem:$0x1C800] =	vst v63  }
0x86: {  	_ =	swait.ge @!p0 [sflag:s30], $0x2000  }
0x87: {  	[sflag:s30] =	ssyncset.done @!p0 $0x0  }
0x88: {  	[sflag:s30] =	ssyncadd.s32 @!p0 $0xFFFFE000  }
0x89: {  	_ =	swait.ge [sflag:s3], $0x40  }
0x8a: {  	[sflag:s3] =	ssyncset.done $0x0  }
0x8b: {  	[sflag:s3] =	ssyncadd.s32 $0xFFFFFFC0  }
0x8c: {  	_ =	swait.ge [sflag:s3], $0x40  }
0x8d: {  	[sflag:s3] =	ssyncset.done $0x0  }
0x8e: {  	s2 =	simm.s32 $0x180;
	s6 =	rddreg [dreg:$0x1a];
	[sflag:s3] =	ssyncadd.s32 $0xFFFFFFC0  }
0x8f: {  	[tilespmem:s12], [sflag:$0xC] =	stream.indirect.gather [hbm4b:s0+s7], $0x80, s2, s7, $0xb8;
	[tilespmem:$0x1C800] =	vst v63  }
0x90: {  	s31 =	rddreg [dreg:$0x19];
	s13 =	sadd.s32 s25, s6;
	s2 =	simm.s32 $0x380  }
0x91: {  	[tilespmem:s2], [sflag:$0x8] =	stream.linear.gather [hbm4b:s13+s1], $0x40, $0x38;
	[tilespmem:$0x1C800] =	vst v63  }
0x92: {  	s6 =	sadd.s32 s25, s31;
	s13 =	simm.s32 $0x780  }
0x93: {  	[tilespmem:s13], [sflag:$0x8] =	stream.linear.gather [hbm4b:s6+s1], $0x40, $0x38;
	[tilespmem:$0x1C800] =	vst v63  }
0x94: {  	_ =	swait.ge [sflag:s15], $0x2000  }
0x95: {  	[sflag:s15] =	ssyncset.done $0x0  }
0x96: {  	s30 =	simm.s32 $0x500;
	[sflag:s15] =	ssyncadd.s32 $0xFFFFE000  }
0x97: {  	[spmem:s28] =	stream.indirect.scatter.add.f32 [tilespmem:s29], [sflag:$0xF], $0x80, s30, s7, $0xb8;
	[tilespmem:$0x1C800] =	vst v63  }
0x98: {  	_ =	swait.ge [sflag:s16], $0x2000  }
0x99: {  	[sflag:s16] =	ssyncset.done $0x0  }
0x9a: {  	[sflag:s16] =	ssyncadd.s32 $0xFFFFE000  }
0x9b: {  	_ =	swait.ge [sflag:s17], $0x40  }
0x9c: {  	[sflag:s17] =	ssyncset.done $0x0  }
0x9d: {  	[sflag:s17] =	ssyncadd.s32 $0xFFFFFFC0  }
0x9e: {  	_ =	swait.ge [sflag:s17], $0x40  }
0x9f: {  	p0 =	seq.s32 s25, $0x4C0;
	[sflag:s17] =	ssyncset.done $0x0  }
0xa0: {  	s31 =	simm.s32 $0x200;
	s4 =	rddreg [dreg:$0x18];
	[sflag:s17] =	ssyncadd.s32 $0xFFFFFFC0  }
0xa1: {  	[tilespmem:s8], [sflag:$0x9] =	stream.indirect.gather [hbm4b:s0+s7], $0x80, s31, s7, $0xb8;
	[tilespmem:$0x1C800] =	vst v63  }
0xa2: {  	s30 =	simm.s32 @!p0 $0x0;
	s31 =	sadd.s32 @!p0 s25, s4;
	s4 =	rddreg [dreg:$0x17]  }
0xa3: {  	[tilespmem:s30], [sflag:$0x1] =	stream.linear.gather @!p0 [hbm4b:s31+s30], $0x40, $0x38;
	[tilespmem:$0x1C800] =	vst v63  }
0xa4: {  	s6 =	simm.s32 @!p0 $0x400;
	s31 =	sadd.s32 @!p0 s25, s4  }
0xa5: {  	[tilespmem:s6], [sflag:$0x1] =	stream.linear.gather @!p0 [hbm4b:s31+s30], $0x40, $0x38;
	[tilespmem:$0x1C800] =	vst v63  }
0xa6: {  	_ =	swait.ge [sflag:s18], $0x2000  }
0xa7: {  	[sflag:s18] =	ssyncset.done $0x0  }
0xa8: {  	s6 =	simm.s32 $0x580;
	[sflag:s18] =	ssyncadd.s32 $0xFFFFE000  }
0xa9: {  	[spmem:s28] =	stream.indirect.scatter.add.f32 [tilespmem:s12], [sflag:$0x10], $0x80, s6, s7, $0xb8;
	[tilespmem:$0x1C800] =	vst v63  }
0xaa: {  	_ =	swait.ge [sflag:s19], $0x2000  }
0xab: {  	[sflag:s19] =	ssyncset.done $0x0  }
0xac: {  	[sflag:s19] =	ssyncadd.s32 $0xFFFFE000  }
0xad: {  	_ =	swait.ge [sflag:s20], $0x40  }
0xae: {  	[sflag:s20] =	ssyncset.done $0x0  }
0xaf: {  	[sflag:s20] =	ssyncadd.s32 $0xFFFFFFC0  }
0xb0: {  	_ =	swait.ge [sflag:s20], $0x40  }
0xb1: {  	[sflag:s20] =	ssyncset.done $0x0  }
0xb2: {  	s31 =	simm.s32 $0x280;
	s4 =	rddreg [dreg:$0x16];
	[sflag:s20] =	ssyncadd.s32 $0xFFFFFFC0  }
0xb3: {  	[tilespmem:s10], [sflag:$0xA] =	stream.indirect.gather [hbm4b:s0+s7], $0x80, s31, s7, $0xb8;
	[tilespmem:$0x1C800] =	vst v63  }
0xb4: {  	s6 =	sadd.s32 @!p0 s25, s4;
	s4 =	rddreg [dreg:$0x15];
	s31 =	simm.s32 @!p0 $0x80  }
0xb5: {  	[tilespmem:s31], [sflag:$0x2] =	stream.linear.gather @!p0 [hbm4b:s6+s30], $0x40, $0x38;
	[tilespmem:$0x1C800] =	vst v63  }
0xb6: {  	s6 =	sadd.s32 @!p0 s25, s4;
	s31 =	simm.s32 @!p0 $0x480  }
0xb7: {  	[tilespmem:s31], [sflag:$0x2] =	stream.linear.gather @!p0 [hbm4b:s6+s30], $0x40, $0x38;
	[tilespmem:$0x1C800] =	vst v63  }
0xb8: {  	_ =	swait.ge [sflag:s11], $0x2000  }
0xb9: {  	[sflag:s11] =	ssyncset.done $0x0  }
0xba: {  	s6 =	simm.s32 $0x600;
	[sflag:s11] =	ssyncadd.s32 $0xFFFFE000  }
0xbb: {  	[spmem:s28] =	stream.indirect.scatter.add.f32 [tilespmem:s8], [sflag:$0xD], $0x80, s6, s7, $0xb8;
	[tilespmem:$0x1C800] =	vst v63  }
0xbc: {  	_ =	swait.ge [sflag:s21], $0x2000  }
0xbd: {  	[sflag:s21] =	ssyncset.done $0x0  }
0xbe: {  	[sflag:s21] =	ssyncadd.s32 $0xFFFFE000  }
0xbf: {  	_ =	swait.ge [sflag:s22], $0x40  }
0xc0: {  	[sflag:s22] =	ssyncset.done $0x0  }
0xc1: {  	[sflag:s22] =	ssyncadd.s32 $0xFFFFFFC0  }
0xc2: {  	_ =	swait.ge [sflag:s22], $0x40  }
0xc3: {  	[sflag:s22] =	ssyncset.done $0x0  }
0xc4: {  	s4 =	rddreg [dreg:$0x14];
	[sflag:s22] =	ssyncadd.s32 $0xFFFFFFC0  }
0xc5: {  	[tilespmem:s29], [sflag:$0xB] =	stream.indirect.gather [hbm4b:s0+s7], $0x80, s14, s7, $0xb8;
	[tilespmem:$0x1C800] =	vst v63  }
0xc6: {  	s31 =	simm.s32 @!p0 $0x100;
	s6 =	sadd.s32 @!p0 s25, s4;
	s4 =	rddreg [dreg:$0x13]  }
0xc7: {  	[tilespmem:s31], [sflag:$0x3] =	stream.linear.gather @!p0 [hbm4b:s6+s30], $0x40, $0x38;
	[tilespmem:$0x1C800] =	vst v63  }
0xc8: {  	s6 =	sadd.s32 @!p0 s25, s4;
	s31 =	simm.s32 @!p0 $0x500  }
0xc9: {  	[tilespmem:s31], [sflag:$0x3] =	stream.linear.gather @!p0 [hbm4b:s6+s30], $0x40, $0x38;
	[tilespmem:$0x1C800] =	vst v63  }
0xca: {  	_ =	swait.ge [sflag:s5], $0x2000  }
0xcb: {  	[sflag:s5] =	ssyncset.done $0x0  }
0xcc: {  	s31 =	simm.s32 $0x680;
	[sflag:s5] =	ssyncadd.s32 $0xFFFFE000  }
0xcd: {  	[spmem:s28] =	stream.indirect.scatter.add.f32 [tilespmem:s10], [sflag:$0xE], $0x80, s31, s7, $0xb8;
	[tilespmem:$0x1C800] =	vst v63  }
0xce: {  	_ =	swait.ge [sflag:s23], $0x2000  }
0xcf: {  	[sflag:s23] =	ssyncset.done $0x0  }
0xd0: {  	[sflag:s23] =	ssyncadd.s32 $0xFFFFE000  }
0xd1: {  	_ =	swait.ge [sflag:s24], $0x40  }
0xd2: {  	[sflag:s24] =	ssyncset.done $0x0  }
0xd3: {  	[sflag:s24] =	ssyncadd.s32 $0xFFFFFFC0  }
0xd4: {  	_ =	swait.ge [sflag:s24], $0x40  }
0xd5: {  	[sflag:s24] =	ssyncset.done $0x0  }
0xd6: {  	s6 =	simm.s32 @p0 $0xB;
	[sflag:s24] =	ssyncadd.s32 $0xFFFFFFC0  }
0xd7: {  	[tilespmem:s12], [sflag:$0xC] =	stream.indirect.gather [hbm4b:s0+s7], $0x80, s2, s7, $0xb8;
	[tilespmem:$0x1C800] =	vst v63  }
0xd8: {  	_ =	swait.ge @p0 [sflag:s6], $0x2000  }
0xd9: {  	s4 =	simm.s32 @p0 $0x4800;
	[sflag:s6] =	ssyncset.done @p0 $0x0  }
0xda: {  	s31 =	simm.s32 @p0 $0x700;
	[sflag:s6] =	ssyncadd.s32 @p0 $0xFFFFE000;
	s6 =	simm.s32 @p0 $0x40  }
0xdb: {  	[spmem:s28] =	stream.indirect.scatter.add.f32 @p0 [tilespmem:s4], [sflag:$0xF], $0x80, s31, s6, $0xb8;
	[tilespmem:$0x1C800] =	vst v63  }
0xdc: {  	s4 =	simm.s32 @p0 $0xD  }
0xdd: {  	_ =	swait.ge @p0 [sflag:s4], $0x2000  }
0xde: {  	[sflag:s4] =	ssyncset.done @p0 $0x0  }
0xdf: {  	[sflag:s4] =	ssyncadd.s32 @p0 $0xFFFFE000;
	s4 =	rddreg [dreg:$0x12]  }
0xe0: {  	s6 =	simm.s32 @!p0 $0x180;
	s4 =	sadd.s32 @!p0 s25, s4  }
0xe1: {  	[tilespmem:s6], [sflag:$0x4] =	stream.linear.gather @!p0 [hbm4b:s4+s30], $0x40, $0x38;
	[tilespmem:$0x1C800] =	vst v63  }
0xe2: {  	s4 =	rddreg [dreg:$0x11]  }
0xe3: {  	s6 =	simm.s32 @!p0 $0x580;
	s4 =	sadd.s32 @!p0 s25, s4  }
0xe4: {  	[tilespmem:s6], [sflag:$0x4] =	stream.linear.gather @!p0 [hbm4b:s4+s30], $0x40, $0x38;
	[tilespmem:$0x1C800] =	vst v63  }
0xe5: {  	s4 =	simm.s32 @!p0 $0xB  }
0xe6: {  	_ =	swait.ge @!p0 [sflag:s4], $0x2000  }
0xe7: {  	s31 =	simm.s32 @!p0 $0x4800;
	[sflag:s4] =	ssyncset.done @!p0 $0x0  }
0xe8: {  	s6 =	simm.s32 @!p0 $0x700;
	[sflag:s4] =	ssyncadd.s32 @!p0 $0xFFFFE000;
	s4 =	simm.s32 @!p0 $0x40  }
0xe9: {  	[spmem:s28] =	stream.indirect.scatter.add.f32 @!p0 [tilespmem:s31], [sflag:$0xF], $0x80, s6, s4, $0xb8;
	[tilespmem:$0x1C800] =	vst v63  }
0xea: {  	s6 =	simm.s32 @!p0 $0xD  }
0xeb: {  	_ =	swait.ge @!p0 [sflag:s6], $0x2000  }
0xec: {  	[sflag:s6] =	ssyncset.done @!p0 $0x0  }
0xed: {  	[sflag:s6] =	ssyncadd.s32 @!p0 $0xFFFFE000;
	s6 =	simm.s32 @!p0 $0x1  }
0xee: {  	_ =	swait.ge @!p0 [sflag:s6], $0x40  }
0xef: {  	[sflag:s6] =	ssyncset.done @!p0 $0x0  }
0xf0: {  	[sflag:s6] =	ssyncadd.s32 @!p0 $0xFFFFFFC0  }
0xf1: {  	_ =	swait.ge @!p0 [sflag:s6], $0x40  }
0xf2: {  	[sflag:s6] =	ssyncset.done @!p0 $0x0  }
0xf3: {  	[sflag:s6] =	ssyncadd.s32 @!p0 $0xFFFFFFC0;
	s6 =	simm.s32 @!p0 $0x800  }
0xf4: {  	[tilespmem:s6], [sflag:$0x9] =	stream.indirect.gather @!p0 [hbm4b:s0+s4], $0x80, s30, s4, $0xb8;
	[tilespmem:$0x1C800] =	vst v63  }
0xf5: {  	s4 =	rddreg [dreg:$0x10]  }
0xf6: {  	s6 =	simm.s32 @!p0 $0x200;
	s4 =	sadd.s32 @!p0 s25, s4  }
0xf7: {  	[tilespmem:s6], [sflag:$0x5] =	stream.linear.gather @!p0 [hbm4b:s4+s30], $0x40, $0x38;
	[tilespmem:$0x1C800] =	vst v63  }
0xf8: {  	s4 =	rddreg [dreg:$0xf]  }
0xf9: {  	s6 =	simm.s32 @!p0 $0x600;
	s4 =	sadd.s32 @!p0 s25, s4  }
0xfa: {  	[tilespmem:s6], [sflag:$0x5] =	stream.linear.gather @!p0 [hbm4b:s4+s30], $0x40, $0x38;
	[tilespmem:$0x1C800] =	vst v63  }
0xfb: {  	_ =	swait.ge [sflag:s18], $0x2000  }
0xfc: {  	[sflag:s18] =	ssyncset.done $0x0  }
.Ltmp2:
0xfd: {  	[sflag:s18] =	ssyncadd.s32 $0xFFFFE000;
	(pc) =	sbr.rel @p0 .LBB2_4-.Ltmp2, $4  }
0xfe: {  	[spmem:s28] =	stream.indirect.scatter.add.f32 [tilespmem:s12], [sflag:$0x10], $0x80, s13, s7, $0xb8;
	[tilespmem:$0x1C800] =	vst v63  }
0xff: {  	_ =	swait.ge [sflag:s19], $0x2000  }
0x100: {  	[sflag:s19] =	ssyncset.done $0x0  }
0x101: {  	[sflag:s19] =	ssyncadd.s32 $0xFFFFE000  }
0x102: {  	_ =	swait.ge [sflag:s9], $0x40  }
0x103: {  	[sflag:s9] =	ssyncset.done $0x0  }
0x104: {  	[sflag:s9] =	ssyncadd.s32 $0xFFFFFFC0  }
0x105: {  	_ =	swait.ge [sflag:s9], $0x40  }
0x106: {  	[sflag:s9] =	ssyncset.done $0x0  }
0x107: {  	s4 =	simm.s32 $0x80;
	[sflag:s9] =	ssyncadd.s32 $0xFFFFFFC0  }
0x108: {  	[tilespmem:s10], [sflag:$0xA] =	stream.indirect.gather [hbm4b:s0+s7], $0x80, s4, s7, $0xb8;
	[tilespmem:$0x1C800] =	vst v63  }
.Ltmp3:
0x109: {  	s14 =	rddreg [dreg:$0xe];
	(pc) =	sbr.rel .LBB2_2-.Ltmp3, $4  }
0x10a: {  	s2 =	simm.s32 $0x280;
	s30 =	rddreg [dreg:$0xd];
	s4 =	sadd.s32 s25, s14  }
0x10b: {  	[tilespmem:s2], [sflag:$0x6] =	stream.linear.gather [hbm4b:s4+s1], $0x40, $0x38;
	[tilespmem:$0x1C800] =	vst v63  }
0x10c: {  	s31 =	simm.s32 $0x680;
	s4 =	sadd.s32 s25, s30;
	s25 =	sadd.s32 $0x40, s25  }
0x10d: {  	[tilespmem:s31], [sflag:$0x6] =	stream.linear.gather [hbm4b:s4+s1], $0x40, $0x38;
	[tilespmem:$0x1C800] =	vst v63  }
.LBB2_5:
0x10e: {  	_ =	sfence.sel $0x180000  }
0x10f: {  	[bflag:$0x0] =	sbarrier.arrive $0xFFFF  }
0x110: {  	_ =	strace $0x9000004A  }
0x111: {  	s0 =	stileid.u32;
	[bflag:$0x2] =	sbarrier.arrive $0xFFFF  }
0x112: {  	p0 =	sne.s32 s0, $0x0;
	s0 =	rddreg [dreg:$0x2]  }
0x113: {  	s0 =	sadd.s32 @!p0 $0x100000, s0  }
0x114: {  	[sflag:s0] =	ssyncadd.tile.s32 @!p0 $0x1;
	_ =	shalt  }
.Lfunc_end2:
_tile_overlayer_lowered:
.L_overlay_start_2:
0x115: {  	(tag) =	ssettag $0x2  }
0x116: {  	s0 =	rddreg [dreg:$0x0];
	s2 =	stileid.u32  }
0x117: {  	s1 =	rddreg [dreg:$0x1];
	p0 =	sne.s32 s2, $0x0  }
0x118: {  	s3 =	rddreg [dreg:$0x2];
	[bflag:$0x3] =	sbarrier.arrive $0xFFFF;
	s2 =	simm.s32 @!p0 $0x1C11  }
0x119: {  	[timem:s3], [sflag:s2] =	dma.local @!p0 [hbm:s0], s1  }
0x11a: {  	s0 =	simm.s32 @!p0 $0x11  }
0x11b: {  	_ =	swait.ge @!p0 [sflag:s0], s1  }
0x11c: {  	s1 =	ssub.s32 @!p0 $0x0, s1;
	[sflag:s0] =	ssyncset.done @!p0 $0x0  }
0x11d: {  	[sflag:s0] =	ssyncadd.s32 @!p0 s1  }
0x11e: {  	[bflag:$0x3] =	sbarrier.arrive $0xFFFF  }
0x11f: {  	_ =	shalt  }

</sc_bundles>
